<compile_context>
chip_gen: v7x
topology: tpu7x:2x2x1
jax: 0.10.2.dev20260603
libtpu: 0.0.44.dev20260713+nightly
codegen_flags: <defaults>
</compile_context>

<pallas_src>
import functools

import numpy as np
import jax
import jax.numpy as jnp
from jax import lax
from jax.experimental import pallas as pl
from jax.experimental.pallas import tpu as pltpu
from jax.experimental.pallas import tpu_sc as plsc

_B, _L, _D = 64, 2048, 64
_N = _B * _L

np.random.seed(0)
_MSHUF = np.random.permutation(np.arange(_N)).astype(np.int32)

_info = plsc.get_sparse_core_info()
_NC, _NS = _info.num_cores, _info.num_subcores
_NW = _NC * _NS
_RPW = _N // _NW
_LB = 256
_NT = _RPW // _LB
_TPB = _L // _LB

_mesh = plsc.VectorSubcoreMesh(core_axis_name="c", subcore_axis_name="s")
_PARAMS = pltpu.CompilerParams(
    use_tc_tiling_on_sc=False, needs_layout_passes=False, skip_device_barrier=True
)

def _lane_consts():
    iota = jnp.arange(16, dtype=jnp.int32)
    col = [iota + 16 * j for j in range(_LB // 16)]
    ltb = [jnp.full((16,), (16 * j) // 128, jnp.int32) for j in range(_LB // 16)]
    li = [iota + (16 * j) % 128 for j in range(_LB // 16)]
    return iota, col, ltb, li


@functools.partial(
    pl.kernel,
    mesh=_mesh,
    compiler_params=_PARAMS,
    out_type=jax.ShapeDtypeStruct((_N, _D), jnp.float32),
    scratch_types=[
        pltpu.VMEM((_N // _NW,), jnp.int32),
        pltpu.VMEM((8, 2, 8, 128), jnp.float32),
        pltpu.VMEM((8, 2, 8, 128), jnp.float32),
        pltpu.VMEM((_LB, _D), jnp.float32),
        pltpu.VMEM((_LB, _D), jnp.float32),
        pltpu.SemaphoreType.DMA,
        pltpu.SemaphoreType.DMA,
        pltpu.SemaphoreType.DMA,
        pltpu.SemaphoreType.DMA,
    ],
)
def _scatter_pass(x4_hbm, scat_hbm, out_hbm, sidx_v, blk0, blk1, rows0, rows1,
                  rsem0, rsem1, ssem0, ssem1):
    wid = lax.axis_index("s") * _NC + lax.axis_index("c")
    blks = (blk0, blk1)
    rows = (rows0, rows1)
    rsems = (rsem0, rsem1)
    ssems = (ssem0, ssem1)
    _iota, col_ids, _ltb, _li = _lane_consts()

    def read_block(t, s):
        b = 2 * wid + (t // _TPB)
        lt0 = 2 * (t % _TPB)
        return pltpu.async_copy(
            x4_hbm.at[pl.ds(b * 8, 8), pl.ds(lt0, 2), :, :], blks[s], rsems[s]
        )

    def transpose_block(s):
        blk, row = blks[s], rows[s]

        @plsc.parallel_loop(0, _D, 1, unroll=2)
        def body(c):
            d_vec = (jnp.full((16,), c, jnp.int32) + _iota) & 63
            dtv = jnp.right_shift(d_vec, 3)
            div = jnp.bitwise_and(d_vec, 7)
            for j in range(_LB // 16):
                v = plsc.load_gather(blk, [dtv, _ltb[j], div, _li[j]])
                plsc.store_scatter(row, [col_ids[j], d_vec], v)

    def scatter_block(t, s):
        return pltpu.async_copy(
            rows[s], out_hbm.at[sidx_v.at[pl.ds(t * _LB, _LB)]], ssems[s]
        )

    read_block(0, 0)
    read_block(1, 1)
    pltpu.sync_copy(scat_hbm.at[pl.ds(wid * _RPW, _RPW)], sidx_v)

    def pair_body(p, carry):
        for b in range(2):
            t = 2 * p + b
            pltpu.make_async_copy(
                x4_hbm.at[pl.ds(0, 8), pl.ds(0, 2), :, :], blks[b], rsems[b]
            ).wait()

            @pl.when(p > 0)
            def _():
                pltpu.make_async_copy(rows[b], out_hbm.at[pl.ds(0, _LB)],
                                      ssems[b]).wait()

            transpose_block(b)
            scatter_block(t, b)

            @pl.when(p < (_NT // 2 - 1))
            def _():
                read_block(t + 2, b)

        return carry

    lax.fori_loop(0, _NT // 2, pair_body, 0)
    pltpu.make_async_copy(rows[0], out_hbm.at[pl.ds(0, _LB)], ssems[0]).wait()
    pltpu.make_async_copy(rows[1], out_hbm.at[pl.ds(0, _LB)], ssems[1]).wait()


@functools.partial(
    pl.kernel,
    mesh=_mesh,
    compiler_params=_PARAMS,
    out_type=jax.ShapeDtypeStruct((512, 16, 8, 128), jnp.float32),
    scratch_types=[
        pltpu.VMEM((_LB, _D), jnp.float32),
        pltpu.VMEM((_LB, _D), jnp.float32),
        pltpu.VMEM((8, 2, 8, 128), jnp.float32),
        pltpu.VMEM((8, 2, 8, 128), jnp.float32),
        pltpu.SemaphoreType.DMA,
        pltpu.SemaphoreType.DMA,
        pltpu.SemaphoreType.DMA,
        pltpu.SemaphoreType.DMA,
    ],
)
def _untranspose_pass(src_hbm, out_hbm, rows0, rows1, blk0, blk1,
                      rsem0, rsem1, wsem0, wsem1):
    wid = lax.axis_index("s") * _NC + lax.axis_index("c")
    rows = (rows0, rows1)
    blks = (blk0, blk1)
    rsems = (rsem0, rsem1)
    wsems = (wsem0, wsem1)
    base = wid * _RPW
    _iota, col_ids, _ltb, _li = _lane_consts()

    def read_block(t, s):
        return pltpu.async_copy(
            src_hbm.at[pl.ds(base + t * _LB, _LB)], rows[s], rsems[s]
        )

    def transpose_block(s):
        row, blk = rows[s], blks[s]

        @plsc.parallel_loop(0, _D, 1, unroll=2)
        def body(c):
            d_vec = (jnp.full((16,), c, jnp.int32) + _iota) & 63
            dtv = jnp.right_shift(d_vec, 3)
            div = jnp.bitwise_and(d_vec, 7)
            for j in range(_LB // 16):
                v = plsc.load_gather(row, [col_ids[j], d_vec])
                plsc.store_scatter(blk, [dtv, _ltb[j], div, _li[j]], v)

    def write_block(t, s):
        b = 2 * wid + (t // _TPB)
        lt0 = 2 * (t % _TPB)
        return pltpu.async_copy(
            blks[s], out_hbm.at[pl.ds(b * 8, 8), pl.ds(lt0, 2), :, :], wsems[s]
        )

    read_block(0, 0)
    read_block(1, 1)

    def pair_body(p, carry):
        for b in range(2):
            t = 2 * p + b
            pltpu.make_async_copy(
                src_hbm.at[pl.ds(0, _LB)], rows[b], rsems[b]
            ).wait()

            @pl.when(p > 0)
            def _():
                pltpu.make_async_copy(
                    blks[b], out_hbm.at[pl.ds(0, 8), pl.ds(0, 2), :, :],
                    wsems[b]
                ).wait()

            transpose_block(b)
            write_block(t, b)

            @pl.when(p < (_NT // 2 - 1))
            def _():
                read_block(t + 2, b)

        return carry

    lax.fori_loop(0, _NT // 2, pair_body, 0)
    pltpu.make_async_copy(blks[0], out_hbm.at[pl.ds(0, 8), pl.ds(0, 2), :, :],
                          wsems[0]).wait()
    pltpu.make_async_copy(blks[1], out_hbm.at[pl.ds(0, 8), pl.ds(0, 2), :, :],
                          wsems[1]).wait()


def kernel(x):
    x4 = (
        x.transpose(0, 2, 1)
        .reshape(_B, 8, 8, _L // 128, 128)
        .transpose(0, 1, 3, 2, 4)
        .reshape(512, _L // 128, 8, 128)
    )
    scat = jnp.asarray(_MSHUF)
    scratch = _scatter_pass(x4, scat)
    y4 = _untranspose_pass(scratch)
    return (
        y4.reshape(_B, 8, _L // 128, 8, 128)
        .transpose(0, 1, 3, 2, 4)
        .reshape(_B, _D, _L)
        .transpose(0, 2, 1)
    )

# --- scband reference (transcript-rebuilt; emitter-appended) ---
"""Pipeline reference for scband-bc-pseudo-random-de-interleaver-3667902070962 (READ-ONLY COPY).

The authoritative reference and input builder live on the scoring server;
editing this copy changes nothing except your own understanding.
"""

import jax, jax.numpy as jnp
import numpy as np

B, L, D = 64, 2048, 64

def setup_inputs(seed: int = 0) -> dict:
    key = jax.random.key(seed)
    x = jax.random.normal(key, (B, L, D), dtype=jnp.float32)
    return {"x": x}

def reference(x):
    # Faithful translation of BC_Pseudo_random_DeInterleaver.call with seed=0 (first call).
    np.random.seed(0)
    mseq = np.arange(B * L)
    mshuf = np.random.permutation(mseq)
    indices = jnp.argsort(jnp.asarray(mshuf))
    xtmp = jnp.reshape(x, (B * L, D))
    y = jnp.take(xtmp, indices, axis=0)
    y = jnp.reshape(y, (B, L, D))
    return y

if __name__ == "__main__":
    import jax
    _d = setup_inputs()
    print(jax.jit(kernel)(*tuple(_d.values())))

</pallas_src>

<mosaic_0001>
#map = affine_map<(d0, d1) -> (0, 0, 0, 0)>
#map1 = affine_map<(d0, d1) -> (0)>
#map2 = affine_map<(d0, d1) -> (0, 0)>
module attributes {stable_mosaic.version = 14 : i64} {
  func.func @_scatter_pass(%arg0: i32, %arg1: i32, %arg2: memref<512x16x8x128xf32, #tpu.memory_space<hbm>>, %arg3: memref<131072xi32, #tpu.memory_space<hbm>>, %arg4: memref<131072x64xf32, #tpu.memory_space<hbm>>, %arg5: memref<4096xi32, #tpu.memory_space<vmem>>, %arg6: memref<8x2x8x128xf32, #tpu.memory_space<vmem>>, %arg7: memref<8x2x8x128xf32, #tpu.memory_space<vmem>>, %arg8: memref<256x64xf32, #tpu.memory_space<vmem>>, %arg9: memref<256x64xf32, #tpu.memory_space<vmem>>, %arg10: memref<!tpu.dma_semaphore, #tpu.memory_space<semaphore_mem>>, %arg11: memref<!tpu.dma_semaphore, #tpu.memory_space<semaphore_mem>>, %arg12: memref<!tpu.dma_semaphore, #tpu.memory_space<semaphore_mem>>, %arg13: memref<!tpu.dma_semaphore, #tpu.memory_space<semaphore_mem>>) attributes {dimension_semantics = [#tpu.dimension_semantics<core_parallel>, #tpu.dimension_semantics<subcore_parallel>], iteration_bounds = array<i64: 2, 16>, scalar_prefetch = 0 : i64, scratch_operands = 9 : i64, tpu.core_type = #tpu.core_type<sc_vector_subcore>, window_params = [{transform_indices = #map}, {transform_indices = #map1}, {transform_indices = #map2}]} {
    %mul3A = arith.constant 2 : i32
    %mul3A_0 = arith.muli %arg1, %mul3A : i32
    %add3A = arith.addi %mul3A_0, %arg0 : i32
    %iota3A = tpu.iota {dimensions = array<i32: 0>} : vector<16xi32>
    %add3A_1 = arith.constant 0 : i32
    %add3A_2 = vector.broadcast %add3A_1 : i32 to vector<16xi32>
    %add3A_3 = arith.addi %iota3A, %add3A_2 : vector<16xi32>
    %add3A_4 = arith.constant 16 : i32
    %add3A_5 = vector.broadcast %add3A_4 : i32 to vector<16xi32>
    %add3A_6 = arith.addi %iota3A, %add3A_5 : vector<16xi32>
    %add3A_7 = arith.constant 32 : i32
    %add3A_8 = vector.broadcast %add3A_7 : i32 to vector<16xi32>
    %add3A_9 = arith.addi %iota3A, %add3A_8 : vector<16xi32>
    %add3A_10 = arith.constant 48 : i32
    %add3A_11 = vector.broadcast %add3A_10 : i32 to vector<16xi32>
    %add3A_12 = arith.addi %iota3A, %add3A_11 : vector<16xi32>
    %add3A_13 = arith.constant 64 : i32
    %add3A_14 = vector.broadcast %add3A_13 : i32 to vector<16xi32>
    %add3A_15 = arith.addi %iota3A, %add3A_14 : vector<16xi32>
    %add3A_16 = arith.constant 80 : i32
    %add3A_17 = vector.broadcast %add3A_16 : i32 to vector<16xi32>
    %add3A_18 = arith.addi %iota3A, %add3A_17 : vector<16xi32>
    %add3A_19 = arith.constant 96 : i32
    %add3A_20 = vector.broadcast %add3A_19 : i32 to vector<16xi32>
    %add3A_21 = arith.addi %iota3A, %add3A_20 : vector<16xi32>
    %add3A_22 = arith.constant 112 : i32
    %add3A_23 = vector.broadcast %add3A_22 : i32 to vector<16xi32>
    %add3A_24 = arith.addi %iota3A, %add3A_23 : vector<16xi32>
    %add3A_25 = arith.constant 128 : i32
    %add3A_26 = vector.broadcast %add3A_25 : i32 to vector<16xi32>
    %add3A_27 = arith.addi %iota3A, %add3A_26 : vector<16xi32>
    %add3A_28 = arith.constant 144 : i32
    %add3A_29 = vector.broadcast %add3A_28 : i32 to vector<16xi32>
    %add3A_30 = arith.addi %iota3A, %add3A_29 : vector<16xi32>
    %add3A_31 = arith.constant 160 : i32
    %add3A_32 = vector.broadcast %add3A_31 : i32 to vector<16xi32>
    %add3A_33 = arith.addi %iota3A, %add3A_32 : vector<16xi32>
    %add3A_34 = arith.constant 176 : i32
    %add3A_35 = vector.broadcast %add3A_34 : i32 to vector<16xi32>
    %add3A_36 = arith.addi %iota3A, %add3A_35 : vector<16xi32>
    %add3A_37 = arith.constant 192 : i32
    %add3A_38 = vector.broadcast %add3A_37 : i32 to vector<16xi32>
    %add3A_39 = arith.addi %iota3A, %add3A_38 : vector<16xi32>
    %add3A_40 = arith.constant 208 : i32
    %add3A_41 = vector.broadcast %add3A_40 : i32 to vector<16xi32>
    %add3A_42 = arith.addi %iota3A, %add3A_41 : vector<16xi32>
    %add3A_43 = arith.constant 224 : i32
    %add3A_44 = vector.broadcast %add3A_43 : i32 to vector<16xi32>
    %add3A_45 = arith.addi %iota3A, %add3A_44 : vector<16xi32>
    %add3A_46 = arith.constant 240 : i32
    %add3A_47 = vector.broadcast %add3A_46 : i32 to vector<16xi32>
    %add3A_48 = arith.addi %iota3A, %add3A_47 : vector<16xi32>
    %broadcast_in_dim3A = arith.constant 0 : i32
    %broadcast_in_dim3A_49 = vector.broadcast %broadcast_in_dim3A : i32 to vector<16xi32>
    %broadcast_in_dim3A_50 = arith.constant 0 : i32
    %broadcast_in_dim3A_51 = vector.broadcast %broadcast_in_dim3A_50 : i32 to vector<16xi32>
    %broadcast_in_dim3A_52 = arith.constant 0 : i32
    %broadcast_in_dim3A_53 = vector.broadcast %broadcast_in_dim3A_52 : i32 to vector<16xi32>
    %broadcast_in_dim3A_54 = arith.constant 0 : i32
    %broadcast_in_dim3A_55 = vector.broadcast %broadcast_in_dim3A_54 : i32 to vector<16xi32>
    %broadcast_in_dim3A_56 = arith.constant 0 : i32
    %broadcast_in_dim3A_57 = vector.broadcast %broadcast_in_dim3A_56 : i32 to vector<16xi32>
    %broadcast_in_dim3A_58 = arith.constant 0 : i32
    %broadcast_in_dim3A_59 = vector.broadcast %broadcast_in_dim3A_58 : i32 to vector<16xi32>
    %broadcast_in_dim3A_60 = arith.constant 0 : i32
    %broadcast_in_dim3A_61 = vector.broadcast %broadcast_in_dim3A_60 : i32 to vector<16xi32>
    %broadcast_in_dim3A_62 = arith.constant 0 : i32
    %broadcast_in_dim3A_63 = vector.broadcast %broadcast_in_dim3A_62 : i32 to vector<16xi32>
    %broadcast_in_dim3A_64 = arith.constant 1 : i32
    %broadcast_in_dim3A_65 = vector.broadcast %broadcast_in_dim3A_64 : i32 to vector<16xi32>
    %broadcast_in_dim3A_66 = arith.constant 1 : i32
    %broadcast_in_dim3A_67 = vector.broadcast %broadcast_in_dim3A_66 : i32 to vector<16xi32>
    %broadcast_in_dim3A_68 = arith.constant 1 : i32
    %broadcast_in_dim3A_69 = vector.broadcast %broadcast_in_dim3A_68 : i32 to vector<16xi32>
    %broadcast_in_dim3A_70 = arith.constant 1 : i32
    %broadcast_in_dim3A_71 = vector.broadcast %broadcast_in_dim3A_70 : i32 to vector<16xi32>
    %broadcast_in_dim3A_72 = arith.constant 1 : i32
    %broadcast_in_dim3A_73 = vector.broadcast %broadcast_in_dim3A_72 : i32 to vector<16xi32>
    %broadcast_in_dim3A_74 = arith.constant 1 : i32
    %broadcast_in_dim3A_75 = vector.broadcast %broadcast_in_dim3A_74 : i32 to vector<16xi32>
    %broadcast_in_dim3A_76 = arith.constant 1 : i32
    %broadcast_in_dim3A_77 = vector.broadcast %broadcast_in_dim3A_76 : i32 to vector<16xi32>
    %broadcast_in_dim3A_78 = arith.constant 1 : i32
    %broadcast_in_dim3A_79 = vector.broadcast %broadcast_in_dim3A_78 : i32 to vector<16xi32>
    %add3A_80 = arith.constant 0 : i32
    %add3A_81 = vector.broadcast %add3A_80 : i32 to vector<16xi32>
    %add3A_82 = arith.addi %iota3A, %add3A_81 : vector<16xi32>
    %add3A_83 = arith.constant 16 : i32
    %add3A_84 = vector.broadcast %add3A_83 : i32 to vector<16xi32>
    %add3A_85 = arith.addi %iota3A, %add3A_84 : vector<16xi32>
    %add3A_86 = arith.constant 32 : i32
    %add3A_87 = vector.broadcast %add3A_86 : i32 to vector<16xi32>
    %add3A_88 = arith.addi %iota3A, %add3A_87 : vector<16xi32>
    %add3A_89 = arith.constant 48 : i32
    %add3A_90 = vector.broadcast %add3A_89 : i32 to vector<16xi32>
    %add3A_91 = arith.addi %iota3A, %add3A_90 : vector<16xi32>
    %add3A_92 = arith.constant 64 : i32
    %add3A_93 = vector.broadcast %add3A_92 : i32 to vector<16xi32>
    %add3A_94 = arith.addi %iota3A, %add3A_93 : vector<16xi32>
    %add3A_95 = arith.constant 80 : i32
    %add3A_96 = vector.broadcast %add3A_95 : i32 to vector<16xi32>
    %add3A_97 = arith.addi %iota3A, %add3A_96 : vector<16xi32>
    %add3A_98 = arith.constant 96 : i32
    %add3A_99 = vector.broadcast %add3A_98 : i32 to vector<16xi32>
    %add3A_100 = arith.addi %iota3A, %add3A_99 : vector<16xi32>
    %add3A_101 = arith.constant 112 : i32
    %add3A_102 = vector.broadcast %add3A_101 : i32 to vector<16xi32>
    %add3A_103 = arith.addi %iota3A, %add3A_102 : vector<16xi32>
    %add3A_104 = arith.constant 0 : i32
    %add3A_105 = vector.broadcast %add3A_104 : i32 to vector<16xi32>
    %add3A_106 = arith.addi %iota3A, %add3A_105 : vector<16xi32>
    %add3A_107 = arith.constant 16 : i32
    %add3A_108 = vector.broadcast %add3A_107 : i32 to vector<16xi32>
    %add3A_109 = arith.addi %iota3A, %add3A_108 : vector<16xi32>
    %add3A_110 = arith.constant 32 : i32
    %add3A_111 = vector.broadcast %add3A_110 : i32 to vector<16xi32>
    %add3A_112 = arith.addi %iota3A, %add3A_111 : vector<16xi32>
    %add3A_113 = arith.constant 48 : i32
    %add3A_114 = vector.broadcast %add3A_113 : i32 to vector<16xi32>
    %add3A_115 = arith.addi %iota3A, %add3A_114 : vector<16xi32>
    %add3A_116 = arith.constant 64 : i32
    %add3A_117 = vector.broadcast %add3A_116 : i32 to vector<16xi32>
    %add3A_118 = arith.addi %iota3A, %add3A_117 : vector<16xi32>
    %add3A_119 = arith.constant 80 : i32
    %add3A_120 = vector.broadcast %add3A_119 : i32 to vector<16xi32>
    %add3A_121 = arith.addi %iota3A, %add3A_120 : vector<16xi32>
    %add3A_122 = arith.constant 96 : i32
    %add3A_123 = vector.broadcast %add3A_122 : i32 to vector<16xi32>
    %add3A_124 = arith.addi %iota3A, %add3A_123 : vector<16xi32>
    %add3A_125 = arith.constant 112 : i32
    %add3A_126 = vector.broadcast %add3A_125 : i32 to vector<16xi32>
    %add3A_127 = arith.addi %iota3A, %add3A_126 : vector<16xi32>
    %mul3A_128 = arith.constant 2 : i32
    %mul3A_129 = arith.muli %mul3A_128, %add3A : i32
    %add3A_130 = arith.constant 0 : i32
    %add3A_131 = arith.addi %mul3A_129, %add3A_130 : i32
    %mul3A_132 = arith.constant 8 : i32
    %mul3A_133 = arith.muli %add3A_131, %mul3A_132 : i32
    %dma_start3A = arith.constant 0 : i32
    %dma_start3A_134 = arith.constant 0 : i32
    %dma_start3A_135 = arith.constant 0 : i32
    %dma_start3A_136 = tpu.memref_slice %arg2[%mul3A_133, %dma_start3A, %dma_start3A_134, %dma_start3A_135] : memref<512x16x8x128xf32, #tpu.memory_space<hbm>> -> memref<8x2x8x128xf32, #tpu.memory_space<hbm>>
    %dma_start3A_137 = arith.constant 0 : i32
    %dma_start3A_138 = arith.constant 0 : i32
    %dma_start3A_139 = arith.constant 0 : i32
    %dma_start3A_140 = tpu.memref_slice %arg2[%mul3A_133, %dma_start3A_137, %dma_start3A_138, %dma_start3A_139] : memref<512x16x8x128xf32, #tpu.memory_space<hbm>> -> memref<8x2x8x128xf32, #tpu.memory_space<hbm>>
    tpu.enqueue_dma source(%dma_start3A_140 : memref<8x2x8x128xf32, #tpu.memory_space<hbm>>) target(%arg6 : memref<8x2x8x128xf32, #tpu.memory_space<vmem>>) target_semaphore(%arg10 : memref<!tpu.dma_semaphore, #tpu.memory_space<semaphore_mem>>)
    %mul3A_141 = arith.constant 2 : i32
    %mul3A_142 = arith.muli %mul3A_141, %add3A : i32
    %add3A_143 = arith.constant 0 : i32
    %add3A_144 = arith.addi %mul3A_142, %add3A_143 : i32
    %mul3A_145 = arith.constant 8 : i32
    %mul3A_146 = arith.muli %add3A_144, %mul3A_145 : i32
    %dma_start3A_147 = arith.constant 2 : i32
    %dma_start3A_148 = arith.constant 0 : i32
    %dma_start3A_149 = arith.constant 0 : i32
    %dma_start3A_150 = tpu.memref_slice %arg2[%mul3A_146, %dma_start3A_147, %dma_start3A_148, %dma_start3A_149] : memref<512x16x8x128xf32, #tpu.memory_space<hbm>> -> memref<8x2x8x128xf32, #tpu.memory_space<hbm>>
    %dma_start3A_151 = arith.constant 2 : i32
    %dma_start3A_152 = arith.constant 0 : i32
    %dma_start3A_153 = arith.constant 0 : i32
    %dma_start3A_154 = tpu.memref_slice %arg2[%mul3A_146, %dma_start3A_151, %dma_start3A_152, %dma_start3A_153] : memref<512x16x8x128xf32, #tpu.memory_space<hbm>> -> memref<8x2x8x128xf32, #tpu.memory_space<hbm>>
    tpu.enqueue_dma source(%dma_start3A_154 : memref<8x2x8x128xf32, #tpu.memory_space<hbm>>) target(%arg7 : memref<8x2x8x128xf32, #tpu.memory_space<vmem>>) target_semaphore(%arg11 : memref<!tpu.dma_semaphore, #tpu.memory_space<semaphore_mem>>)
    %mul3A_155 = arith.constant 4096 : i32
    %mul3A_156 = arith.muli %add3A, %mul3A_155 : i32
    "tpu.region"() ({
      %run_scoped3A = tpu.sem_alloc : memref<!tpu.dma_semaphore, #tpu.memory_space<semaphore_mem>>
      %dma_start3A_173 = tpu.memref_slice %arg3[%mul3A_156] : memref<131072xi32, #tpu.memory_space<hbm>> -> memref<4096xi32, #tpu.memory_space<hbm>>
      %dma_start3A_174 = tpu.memref_slice %arg3[%mul3A_156] : memref<131072xi32, #tpu.memory_space<hbm>> -> memref<4096xi32, #tpu.memory_space<hbm>>
      tpu.enqueue_dma source(%dma_start3A_174 : memref<4096xi32, #tpu.memory_space<hbm>>) target(%arg5 : memref<4096xi32, #tpu.memory_space<vmem>>) target_semaphore(%run_scoped3A : memref<!tpu.dma_semaphore, #tpu.memory_space<semaphore_mem>>)
      %dma_wait3A_175 = tpu.memref_slice %arg3[%mul3A_156] : memref<131072xi32, #tpu.memory_space<hbm>> -> memref<4096xi32, #tpu.memory_space<hbm>>
      %dma_wait3A_176 = tpu.memref_slice %arg3[%mul3A_156] : memref<131072xi32, #tpu.memory_space<hbm>> -> memref<4096xi32, #tpu.memory_space<hbm>>
      tpu.wait_dma2 semaphore(%run_scoped3A : memref<!tpu.dma_semaphore, #tpu.memory_space<semaphore_mem>>) src(%dma_wait3A_176 : memref<4096xi32, #tpu.memory_space<hbm>>) dst(%arg5 : memref<4096xi32, #tpu.memory_space<vmem>>)
      tpu.yield
    }) : () -> ()
    %scan3A = arith.constant 0 : i32
    %scan3A_157 = arith.constant 0 : i32
    %scan3A_158 = arith.constant 8 : i32
    %scan3A_159 = arith.addi %scan3A_157, %scan3A_158 : i32
    %scan3A_160 = arith.constant 1 : i32
    scf.for %scan3A_173 = %scan3A_157 to %scan3A_159 step %scan3A_160  : i32 {
      %mul3A_174 = arith.constant 2 : i32
      %mul3A_175 = arith.muli %mul3A_174, %scan3A_173 : i32
      %add3A_176 = arith.constant 0 : i32
      %add3A_177 = arith.addi %mul3A_175, %add3A_176 : i32
      %dma_wait3A_178 = arith.constant 0 : i32
      %dma_wait3A_179 = arith.constant 0 : i32
      %dma_wait3A_180 = arith.constant 0 : i32
      %dma_wait3A_181 = arith.constant 0 : i32
      %dma_wait3A_182 = tpu.memref_slice %arg2[%dma_wait3A_178, %dma_wait3A_179, %dma_wait3A_180, %dma_wait3A_181] : memref<512x16x8x128xf32, #tpu.memory_space<hbm>> -> memref<8x2x8x128xf32, #tpu.memory_space<hbm>>
      %dma_wait3A_183 = arith.constant 0 : i32
      %dma_wait3A_184 = arith.constant 0 : i32
      %dma_wait3A_185 = arith.constant 0 : i32
      %dma_wait3A_186 = arith.constant 0 : i32
      %dma_wait3A_187 = tpu.memref_slice %arg2[%dma_wait3A_183, %dma_wait3A_184, %dma_wait3A_185, %dma_wait3A_186] : memref<512x16x8x128xf32, #tpu.memory_space<hbm>> -> memref<8x2x8x128xf32, #tpu.memory_space<hbm>>
      tpu.wait_dma2 semaphore(%arg10 : memref<!tpu.dma_semaphore, #tpu.memory_space<semaphore_mem>>) src(%dma_wait3A_187 : memref<8x2x8x128xf32, #tpu.memory_space<hbm>>) dst(%arg6 : memref<8x2x8x128xf32, #tpu.memory_space<vmem>>)
      %gt3A = arith.constant 0 : i32
      %gt3A_188 = arith.cmpi sgt, %scan3A_173, %gt3A : i32
      %convert_element_type3A = arith.extui %gt3A_188 : i1 to i32
      %cond3A = arith.constant 0 : i32
      %cond3A_189 = arith.cmpi ne, %convert_element_type3A, %cond3A : i32
      scf.if %cond3A_189 {
        %dma_wait3A_235 = arith.constant 0 : i32
        %dma_wait3A_236 = arith.constant 0 : i32
        %dma_wait3A_237 = tpu.memref_slice %arg4[%dma_wait3A_235, %dma_wait3A_236] : memref<131072x64xf32, #tpu.memory_space<hbm>> -> memref<256x64xf32, #tpu.memory_space<hbm>>
        %dma_wait3A_238 = arith.constant 0 : i32
        %dma_wait3A_239 = arith.constant 0 : i32
        %dma_wait3A_240 = tpu.memref_slice %arg4[%dma_wait3A_238, %dma_wait3A_239] : memref<131072x64xf32, #tpu.memory_space<hbm>> -> memref<256x64xf32, #tpu.memory_space<hbm>>
        tpu.wait_dma2 semaphore(%arg12 : memref<!tpu.dma_semaphore, #tpu.memory_space<semaphore_mem>>) src(%arg8 : memref<256x64xf32, #tpu.memory_space<vmem>>) dst(%dma_wait3A_240 : memref<256x64xf32, #tpu.memory_space<hbm>>)
      } else {
      }
      %parallel_loop3A = arith.constant 0 : i32
      %parallel_loop3A_190 = arith.constant 64 : i32
      %parallel_loop3A_191 = arith.constant 1 : i32
      scf.for %parallel_loop3A_235 = %parallel_loop3A to %parallel_loop3A_190 step %parallel_loop3A_191  : i32 {
        %parallel_loop3A_236 = vector.broadcast %parallel_loop3A_235 : i32 to vector<16xi32>
        %parallel_loop3A_237 = arith.addi %parallel_loop3A_236, %iota3A : vector<16xi32>
        %parallel_loop3A_238 = arith.constant 63 : i32
        %parallel_loop3A_239 = vector.broadcast %parallel_loop3A_238 : i32 to vector<16xi32>
        %parallel_loop3A_240 = arith.andi %parallel_loop3A_237, %parallel_loop3A_239 : vector<16xi32>
        %parallel_loop3A_241 = arith.constant 3 : i32
        %parallel_loop3A_242 = vector.broadcast %parallel_loop3A_241 : i32 to vector<16xi32>
        %parallel_loop3A_243 = arith.shrsi %parallel_loop3A_240, %parallel_loop3A_242 : vector<16xi32>
        %parallel_loop3A_244 = arith.constant 7 : i32
        %parallel_loop3A_245 = vector.broadcast %parallel_loop3A_244 : i32 to vector<16xi32>
        %parallel_loop3A_246 = arith.andi %parallel_loop3A_240, %parallel_loop3A_245 : vector<16xi32>
        %parallel_loop3A_247 = tpu.vector_load_idx %arg6[%parallel_loop3A_243, %broadcast_in_dim3A_49, %parallel_loop3A_246, %add3A_82] : memref<8x2x8x128xf32, #tpu.memory_space<vmem>>[vector<16xi32>, vector<16xi32>, vector<16xi32>, vector<16xi32>], vector<16xf32>,
        tpu.vector_store_idx %arg8[%add3A_3, %parallel_loop3A_240], %parallel_loop3A_247 : memref<256x64xf32, #tpu.memory_space<vmem>>[vector<16xi32>, vector<16xi32>], vector<16xf32>,
        %parallel_loop3A_248 = tpu.vector_load_idx %arg6[%parallel_loop3A_243, %broadcast_in_dim3A_51, %parallel_loop3A_246, %add3A_85] : memref<8x2x8x128xf32, #tpu.memory_space<vmem>>[vector<16xi32>, vector<16xi32>, vector<16xi32>, vector<16xi32>], vector<16xf32>,
        tpu.vector_store_idx %arg8[%add3A_6, %parallel_loop3A_240], %parallel_loop3A_248 : memref<256x64xf32, #tpu.memory_space<vmem>>[vector<16xi32>, vector<16xi32>], vector<16xf32>,
        %parallel_loop3A_249 = tpu.vector_load_idx %arg6[%parallel_loop3A_243, %broadcast_in_dim3A_53, %parallel_loop3A_246, %add3A_88] : memref<8x2x8x128xf32, #tpu.memory_space<vmem>>[vector<16xi32>, vector<16xi32>, vector<16xi32>, vector<16xi32>], vector<16xf32>,
        tpu.vector_store_idx %arg8[%add3A_9, %parallel_loop3A_240], %parallel_loop3A_249 : memref<256x64xf32, #tpu.memory_space<vmem>>[vector<16xi32>, vector<16xi32>], vector<16xf32>,
        %parallel_loop3A_250 = tpu.vector_load_idx %arg6[%parallel_loop3A_243, %broadcast_in_dim3A_55, %parallel_loop3A_246, %add3A_91] : memref<8x2x8x128xf32, #tpu.memory_space<vmem>>[vector<16xi32>, vector<16xi32>, vector<16xi32>, vector<16xi32>], vector<16xf32>,
        tpu.vector_store_idx %arg8[%add3A_12, %parallel_loop3A_240], %parallel_loop3A_250 : memref<256x64xf32, #tpu.memory_space<vmem>>[vector<16xi32>, vector<16xi32>], vector<16xf32>,
        %parallel_loop3A_251 = tpu.vector_load_idx %arg6[%parallel_loop3A_243, %broadcast_in_dim3A_57, %parallel_loop3A_246, %add3A_94] : memref<8x2x8x128xf32, #tpu.memory_space<vmem>>[vector<16xi32>, vector<16xi32>, vector<16xi32>, vector<16xi32>], vector<16xf32>,
        tpu.vector_store_idx %arg8[%add3A_15, %parallel_loop3A_240], %parallel_loop3A_251 : memref<256x64xf32, #tpu.memory_space<vmem>>[vector<16xi32>, vector<16xi32>], vector<16xf32>,
        %parallel_loop3A_252 = tpu.vector_load_idx %arg6[%parallel_loop3A_243, %broadcast_in_dim3A_59, %parallel_loop3A_246, %add3A_97] : memref<8x2x8x128xf32, #tpu.memory_space<vmem>>[vector<16xi32>, vector<16xi32>, vector<16xi32>, vector<16xi32>], vector<16xf32>,
        tpu.vector_store_idx %arg8[%add3A_18, %parallel_loop3A_240], %parallel_loop3A_252 : memref<256x64xf32, #tpu.memory_space<vmem>>[vector<16xi32>, vector<16xi32>], vector<16xf32>,
        %parallel_loop3A_253 = tpu.vector_load_idx %arg6[%parallel_loop3A_243, %broadcast_in_dim3A_61, %parallel_loop3A_246, %add3A_100] : memref<8x2x8x128xf32, #tpu.memory_space<vmem>>[vector<16xi32>, vector<16xi32>, vector<16xi32>, vector<16xi32>], vector<16xf32>,
        tpu.vector_store_idx %arg8[%add3A_21, %parallel_loop3A_240], %parallel_loop3A_253 : memref<256x64xf32, #tpu.memory_space<vmem>>[vector<16xi32>, vector<16xi32>], vector<16xf32>,
        %parallel_loop3A_254 = tpu.vector_load_idx %arg6[%parallel_loop3A_243, %broadcast_in_dim3A_63, %parallel_loop3A_246, %add3A_103] : memref<8x2x8x128xf32, #tpu.memory_space<vmem>>[vector<16xi32>, vector<16xi32>, vector<16xi32>, vector<16xi32>], vector<16xf32>,
        tpu.vector_store_idx %arg8[%add3A_24, %parallel_loop3A_240], %parallel_loop3A_254 : memref<256x64xf32, #tpu.memory_space<vmem>>[vector<16xi32>, vector<16xi32>], vector<16xf32>,
        %parallel_loop3A_255 = tpu.vector_load_idx %arg6[%parallel_loop3A_243, %broadcast_in_dim3A_65, %parallel_loop3A_246, %add3A_106] : memref<8x2x8x128xf32, #tpu.memory_space<vmem>>[vector<16xi32>, vector<16xi32>, vector<16xi32>, vector<16xi32>], vector<16xf32>,
        tpu.vector_store_idx %arg8[%add3A_27, %parallel_loop3A_240], %parallel_loop3A_255 : memref<256x64xf32, #tpu.memory_space<vmem>>[vector<16xi32>, vector<16xi32>], vector<16xf32>,
        %parallel_loop3A_256 = tpu.vector_load_idx %arg6[%parallel_loop3A_243, %broadcast_in_dim3A_67, %parallel_loop3A_246, %add3A_109] : memref<8x2x8x128xf32, #tpu.memory_space<vmem>>[vector<16xi32>, vector<16xi32>, vector<16xi32>, vector<16xi32>], vector<16xf32>,
        tpu.vector_store_idx %arg8[%add3A_30, %parallel_loop3A_240], %parallel_loop3A_256 : memref<256x64xf32, #tpu.memory_space<vmem>>[vector<16xi32>, vector<16xi32>], vector<16xf32>,
        %parallel_loop3A_257 = tpu.vector_load_idx %arg6[%parallel_loop3A_243, %broadcast_in_dim3A_69, %parallel_loop3A_246, %add3A_112] : memref<8x2x8x128xf32, #tpu.memory_space<vmem>>[vector<16xi32>, vector<16xi32>, vector<16xi32>, vector<16xi32>], vector<16xf32>,
        tpu.vector_store_idx %arg8[%add3A_33, %parallel_loop3A_240], %parallel_loop3A_257 : memref<256x64xf32, #tpu.memory_space<vmem>>[vector<16xi32>, vector<16xi32>], vector<16xf32>,
        %parallel_loop3A_258 = tpu.vector_load_idx %arg6[%parallel_loop3A_243, %broadcast_in_dim3A_71, %parallel_loop3A_246, %add3A_115] : memref<8x2x8x128xf32, #tpu.memory_space<vmem>>[vector<16xi32>, vector<16xi32>, vector<16xi32>, vector<16xi32>], vector<16xf32>,
        tpu.vector_store_idx %arg8[%add3A_36, %parallel_loop3A_240], %parallel_loop3A_258 : memref<256x64xf32, #tpu.memory_space<vmem>>[vector<16xi32>, vector<16xi32>], vector<16xf32>,
        %parallel_loop3A_259 = tpu.vector_load_idx %arg6[%parallel_loop3A_243, %broadcast_in_dim3A_73, %parallel_loop3A_246, %add3A_118] : memref<8x2x8x128xf32, #tpu.memory_space<vmem>>[vector<16xi32>, vector<16xi32>, vector<16xi32>, vector<16xi32>], vector<16xf32>,
        tpu.vector_store_idx %arg8[%add3A_39, %parallel_loop3A_240], %parallel_loop3A_259 : memref<256x64xf32, #tpu.memory_space<vmem>>[vector<16xi32>, vector<16xi32>], vector<16xf32>,
        %parallel_loop3A_260 = tpu.vector_load_idx %arg6[%parallel_loop3A_243, %broadcast_in_dim3A_75, %parallel_loop3A_246, %add3A_121] : memref<8x2x8x128xf32, #tpu.memory_space<vmem>>[vector<16xi32>, vector<16xi32>, vector<16xi32>, vector<16xi32>], vector<16xf32>,
        tpu.vector_store_idx %arg8[%add3A_42, %parallel_loop3A_240], %parallel_loop3A_260 : memref<256x64xf32, #tpu.memory_space<vmem>>[vector<16xi32>, vector<16xi32>], vector<16xf32>,
        %parallel_loop3A_261 = tpu.vector_load_idx %arg6[%parallel_loop3A_243, %broadcast_in_dim3A_77, %parallel_loop3A_246, %add3A_124] : memref<8x2x8x128xf32, #tpu.memory_space<vmem>>[vector<16xi32>, vector<16xi32>, vector<16xi32>, vector<16xi32>], vector<16xf32>,
        tpu.vector_store_idx %arg8[%add3A_45, %parallel_loop3A_240], %parallel_loop3A_261 : memref<256x64xf32, #tpu.memory_space<vmem>>[vector<16xi32>, vector<16xi32>], vector<16xf32>,
        %parallel_loop3A_262 = tpu.vector_load_idx %arg6[%parallel_loop3A_243, %broadcast_in_dim3A_79, %parallel_loop3A_246, %add3A_127] : memref<8x2x8x128xf32, #tpu.memory_space<vmem>>[vector<16xi32>, vector<16xi32>, vector<16xi32>, vector<16xi32>], vector<16xf32>,
        tpu.vector_store_idx %arg8[%add3A_48, %parallel_loop3A_240], %parallel_loop3A_262 : memref<256x64xf32, #tpu.memory_space<vmem>>[vector<16xi32>, vector<16xi32>], vector<16xf32>,
      } {sc.loop_unroll_factor = 2 : i64, sc.parallel_access}
      %mul3A_192 = arith.constant 256 : i32
      %mul3A_193 = arith.muli %add3A_177, %mul3A_192 : i32
      %dma_start3A_194 = tpu.memref_slice %arg5[%mul3A_193] : memref<4096xi32, #tpu.memory_space<vmem>> -> memref<256xi32, #tpu.memory_space<vmem>>
      %dma_start3A_195 = arith.constant 0 : i32
      %dma_start3A_196 = arith.constant 0 : i32
      %dma_start3A_197 = tpu.memref_slice %arg4[%dma_start3A_195, %dma_start3A_196] : memref<131072x64xf32, #tpu.memory_space<hbm>> -> memref<131072x64xf32, #tpu.memory_space<hbm>>
      tpu.enqueue_indirect_dma source(%arg8 : memref<256x64xf32, #tpu.memory_space<vmem>>) target(%dma_start3A_197 : memref<131072x64xf32, #tpu.memory_space<hbm>>) offsets(%dma_start3A_194 : memref<256xi32, #tpu.memory_space<vmem>>) semaphore(%arg12 : memref<!tpu.dma_semaphore, #tpu.memory_space<semaphore_mem>>)
      %lt3A = arith.constant 7 : i32
      %lt3A_198 = arith.cmpi slt, %scan3A_173, %lt3A : i32
      %convert_element_type3A_199 = arith.extui %lt3A_198 : i1 to i32
      %cond3A_200 = arith.constant 0 : i32
      %cond3A_201 = arith.cmpi ne, %convert_element_type3A_199, %cond3A_200 : i32
      scf.if %cond3A_201 {
        %add3A_235 = arith.constant 2 : i32
        %add3A_236 = arith.addi %add3A_177, %add3A_235 : i32
        %mul3A_237 = arith.constant 2 : i32
        %mul3A_238 = arith.muli %mul3A_237, %add3A : i32
        %jit3A = arith.constant 8 : i32
        %div3A = arith.divsi %add3A_236, %jit3A : i32
        %sign3A = arith.constant 0 : i32
        %sign3A_239 = arith.cmpi sgt, %add3A_236, %sign3A : i32
        %sign3A_240 = arith.extui %sign3A_239 : i1 to i32
        %sign3A_241 = arith.constant 0 : i32
        %sign3A_242 = arith.cmpi slt, %add3A_236, %sign3A_241 : i32
        %sign3A_243 = arith.extui %sign3A_242 : i1 to i32
        %sign3A_244 = arith.subi %sign3A_240, %sign3A_243 : i32
        %sign3A_245 = arith.constant 0 : i32
        %sign3A_246 = arith.cmpi sgt, %jit3A, %sign3A_245 : i32
        %sign3A_247 = arith.extui %sign3A_246 : i1 to i32
        %sign3A_248 = arith.constant 0 : i32
        %sign3A_249 = arith.cmpi slt, %jit3A, %sign3A_248 : i32
        %sign3A_250 = arith.extui %sign3A_249 : i1 to i32
        %sign3A_251 = arith.subi %sign3A_247, %sign3A_250 : i32
        %ne3A = arith.cmpi ne, %sign3A_244, %sign3A_251 : i32
        %rem3A = arith.remsi %add3A_236, %jit3A : i32
        %ne3A_252 = arith.constant 0 : i32
        %ne3A_253 = arith.cmpi ne, %rem3A, %ne3A_252 : i32
        %and3A = arith.andi %ne3A, %ne3A_253 : i1
        %sub3A = arith.constant 1 : i32
        %sub3A_254 = arith.subi %div3A, %sub3A : i32
        %select_n3A = arith.select %and3A, %sub3A_254, %div3A : i32
        %add3A_255 = arith.addi %mul3A_238, %select_n3A : i32
        %jit3A_256 = arith.constant 8 : i32
        %eq3A = arith.constant 0 : i32
        %eq3A_257 = arith.cmpi eq, %jit3A_256, %eq3A : i32
        %jit3A_258 = arith.constant 1 : i32
        %select_n3A_259 = arith.select %eq3A_257, %jit3A_258, %jit3A_256 : i32
        %rem3A_260 = arith.remsi %add3A_236, %select_n3A_259 : i32
        %ne3A_261 = arith.constant 0 : i32
        %ne3A_262 = arith.cmpi ne, %rem3A_260, %ne3A_261 : i32
        %lt3A_263 = arith.constant 0 : i32
        %lt3A_264 = arith.cmpi slt, %rem3A_260, %lt3A_263 : i32
        %lt3A_265 = arith.constant 0 : i32
        %lt3A_266 = arith.cmpi slt, %select_n3A_259, %lt3A_265 : i32
        %ne3A_267 = arith.xori %lt3A_264, %lt3A_266 : i1
        %and3A_268 = arith.andi %ne3A_267, %ne3A_262 : i1
        %add3A_269 = arith.addi %rem3A_260, %select_n3A_259 : i32
        %select_n3A_270 = arith.select %and3A_268, %add3A_269, %rem3A_260 : i32
        %mul3A_271 = arith.constant 2 : i32
        %mul3A_272 = arith.muli %mul3A_271, %select_n3A_270 : i32
        %mul3A_273 = arith.constant 8 : i32
        %mul3A_274 = arith.muli %add3A_255, %mul3A_273 : i32
        %dma_start3A_275 = arith.constant 0 : i32
        %dma_start3A_276 = arith.constant 0 : i32
        %dma_start3A_277 = tpu.memref_slice %arg2[%mul3A_274, %mul3A_272, %dma_start3A_275, %dma_start3A_276] : memref<512x16x8x128xf32, #tpu.memory_space<hbm>> -> memref<8x2x8x128xf32, #tpu.memory_space<hbm>>
        %dma_start3A_278 = arith.constant 0 : i32
        %dma_start3A_279 = arith.constant 0 : i32
        %dma_start3A_280 = tpu.memref_slice %arg2[%mul3A_274, %mul3A_272, %dma_start3A_278, %dma_start3A_279] : memref<512x16x8x128xf32, #tpu.memory_space<hbm>> -> memref<8x2x8x128xf32, #tpu.memory_space<hbm>>
        tpu.enqueue_dma source(%dma_start3A_280 : memref<8x2x8x128xf32, #tpu.memory_space<hbm>>) target(%arg6 : memref<8x2x8x128xf32, #tpu.memory_space<vmem>>) target_semaphore(%arg10 : memref<!tpu.dma_semaphore, #tpu.memory_space<semaphore_mem>>)
      } else {
      }
      %mul3A_202 = arith.constant 2 : i32
      %mul3A_203 = arith.muli %mul3A_202, %scan3A_173 : i32
      %add3A_204 = arith.constant 1 : i32
      %add3A_205 = arith.addi %mul3A_203, %add3A_204 : i32
      %dma_wait3A_206 = arith.constant 0 : i32
      %dma_wait3A_207 = arith.constant 0 : i32
      %dma_wait3A_208 = arith.constant 0 : i32
      %dma_wait3A_209 = arith.constant 0 : i32
      %dma_wait3A_210 = tpu.memref_slice %arg2[%dma_wait3A_206, %dma_wait3A_207, %dma_wait3A_208, %dma_wait3A_209] : memref<512x16x8x128xf32, #tpu.memory_space<hbm>> -> memref<8x2x8x128xf32, #tpu.memory_space<hbm>>
      %dma_wait3A_211 = arith.constant 0 : i32
      %dma_wait3A_212 = arith.constant 0 : i32
      %dma_wait3A_213 = arith.constant 0 : i32
      %dma_wait3A_214 = arith.constant 0 : i32
      %dma_wait3A_215 = tpu.memref_slice %arg2[%dma_wait3A_211, %dma_wait3A_212, %dma_wait3A_213, %dma_wait3A_214] : memref<512x16x8x128xf32, #tpu.memory_space<hbm>> -> memref<8x2x8x128xf32, #tpu.memory_space<hbm>>
      tpu.wait_dma2 semaphore(%arg11 : memref<!tpu.dma_semaphore, #tpu.memory_space<semaphore_mem>>) src(%dma_wait3A_215 : memref<8x2x8x128xf32, #tpu.memory_space<hbm>>) dst(%arg7 : memref<8x2x8x128xf32, #tpu.memory_space<vmem>>)
      %gt3A_216 = arith.constant 0 : i32
      %gt3A_217 = arith.cmpi sgt, %scan3A_173, %gt3A_216 : i32
      %convert_element_type3A_218 = arith.extui %gt3A_217 : i1 to i32
      %cond3A_219 = arith.constant 0 : i32
      %cond3A_220 = arith.cmpi ne, %convert_element_type3A_218, %cond3A_219 : i32
      scf.if %cond3A_220 {
        %dma_wait3A_235 = arith.constant 0 : i32
        %dma_wait3A_236 = arith.constant 0 : i32
        %dma_wait3A_237 = tpu.memref_slice %arg4[%dma_wait3A_235, %dma_wait3A_236] : memref<131072x64xf32, #tpu.memory_space<hbm>> -> memref<256x64xf32, #tpu.memory_space<hbm>>
        %dma_wait3A_238 = arith.constant 0 : i32
        %dma_wait3A_239 = arith.constant 0 : i32
        %dma_wait3A_240 = tpu.memref_slice %arg4[%dma_wait3A_238, %dma_wait3A_239] : memref<131072x64xf32, #tpu.memory_space<hbm>> -> memref<256x64xf32, #tpu.memory_space<hbm>>
        tpu.wait_dma2 semaphore(%arg13 : memref<!tpu.dma_semaphore, #tpu.memory_space<semaphore_mem>>) src(%arg9 : memref<256x64xf32, #tpu.memory_space<vmem>>) dst(%dma_wait3A_240 : memref<256x64xf32, #tpu.memory_space<hbm>>)
      } else {
      }
      %parallel_loop3A_221 = arith.constant 0 : i32
      %parallel_loop3A_222 = arith.constant 64 : i32
      %parallel_loop3A_223 = arith.constant 1 : i32
      scf.for %parallel_loop3A_235 = %parallel_loop3A_221 to %parallel_loop3A_222 step %parallel_loop3A_223  : i32 {
        %parallel_loop3A_236 = vector.broadcast %parallel_loop3A_235 : i32 to vector<16xi32>
        %parallel_loop3A_237 = arith.addi %parallel_loop3A_236, %iota3A : vector<16xi32>
        %parallel_loop3A_238 = arith.constant 63 : i32
        %parallel_loop3A_239 = vector.broadcast %parallel_loop3A_238 : i32 to vector<16xi32>
        %parallel_loop3A_240 = arith.andi %parallel_loop3A_237, %parallel_loop3A_239 : vector<16xi32>
        %parallel_loop3A_241 = arith.constant 3 : i32
        %parallel_loop3A_242 = vector.broadcast %parallel_loop3A_241 : i32 to vector<16xi32>
        %parallel_loop3A_243 = arith.shrsi %parallel_loop3A_240, %parallel_loop3A_242 : vector<16xi32>
        %parallel_loop3A_244 = arith.constant 7 : i32
        %parallel_loop3A_245 = vector.broadcast %parallel_loop3A_244 : i32 to vector<16xi32>
        %parallel_loop3A_246 = arith.andi %parallel_loop3A_240, %parallel_loop3A_245 : vector<16xi32>
        %parallel_loop3A_247 = tpu.vector_load_idx %arg7[%parallel_loop3A_243, %broadcast_in_dim3A_49, %parallel_loop3A_246, %add3A_82] : memref<8x2x8x128xf32, #tpu.memory_space<vmem>>[vector<16xi32>, vector<16xi32>, vector<16xi32>, vector<16xi32>], vector<16xf32>,
        tpu.vector_store_idx %arg9[%add3A_3, %parallel_loop3A_240], %parallel_loop3A_247 : memref<256x64xf32, #tpu.memory_space<vmem>>[vector<16xi32>, vector<16xi32>], vector<16xf32>,
        %parallel_loop3A_248 = tpu.vector_load_idx %arg7[%parallel_loop3A_243, %broadcast_in_dim3A_51, %parallel_loop3A_246, %add3A_85] : memref<8x2x8x128xf32, #tpu.memory_space<vmem>>[vector<16xi32>, vector<16xi32>, vector<16xi32>, vector<16xi32>], vector<16xf32>,
        tpu.vector_store_idx %arg9[%add3A_6, %parallel_loop3A_240], %parallel_loop3A_248 : memref<256x64xf32, #tpu.memory_space<vmem>>[vector<16xi32>, vector<16xi32>], vector<16xf32>,
        %parallel_loop3A_249 = tpu.vector_load_idx %arg7[%parallel_loop3A_243, %broadcast_in_dim3A_53, %parallel_loop3A_246, %add3A_88] : memref<8x2x8x128xf32, #tpu.memory_space<vmem>>[vector<16xi32>, vector<16xi32>, vector<16xi32>, vector<16xi32>], vector<16xf32>,
        tpu.vector_store_idx %arg9[%add3A_9, %parallel_loop3A_240], %parallel_loop3A_249 : memref<256x64xf32, #tpu.memory_space<vmem>>[vector<16xi32>, vector<16xi32>], vector<16xf32>,
        %parallel_loop3A_250 = tpu.vector_load_idx %arg7[%parallel_loop3A_243, %broadcast_in_dim3A_55, %parallel_loop3A_246, %add3A_91] : memref<8x2x8x128xf32, #tpu.memory_space<vmem>>[vector<16xi32>, vector<16xi32>, vector<16xi32>, vector<16xi32>], vector<16xf32>,
        tpu.vector_store_idx %arg9[%add3A_12, %parallel_loop3A_240], %parallel_loop3A_250 : memref<256x64xf32, #tpu.memory_space<vmem>>[vector<16xi32>, vector<16xi32>], vector<16xf32>,
        %parallel_loop3A_251 = tpu.vector_load_idx %arg7[%parallel_loop3A_243, %broadcast_in_dim3A_57, %parallel_loop3A_246, %add3A_94] : memref<8x2x8x128xf32, #tpu.memory_space<vmem>>[vector<16xi32>, vector<16xi32>, vector<16xi32>, vector<16xi32>], vector<16xf32>,
        tpu.vector_store_idx %arg9[%add3A_15, %parallel_loop3A_240], %parallel_loop3A_251 : memref<256x64xf32, #tpu.memory_space<vmem>>[vector<16xi32>, vector<16xi32>], vector<16xf32>,
        %parallel_loop3A_252 = tpu.vector_load_idx %arg7[%parallel_loop3A_243, %broadcast_in_dim3A_59, %parallel_loop3A_246, %add3A_97] : memref<8x2x8x128xf32, #tpu.memory_space<vmem>>[vector<16xi32>, vector<16xi32>, vector<16xi32>, vector<16xi32>], vector<16xf32>,
        tpu.vector_store_idx %arg9[%add3A_18, %parallel_loop3A_240], %parallel_loop3A_252 : memref<256x64xf32, #tpu.memory_space<vmem>>[vector<16xi32>, vector<16xi32>], vector<16xf32>,
        %parallel_loop3A_253 = tpu.vector_load_idx %arg7[%parallel_loop3A_243, %broadcast_in_dim3A_61, %parallel_loop3A_246, %add3A_100] : memref<8x2x8x128xf32, #tpu.memory_space<vmem>>[vector<16xi32>, vector<16xi32>, vector<16xi32>, vector<16xi32>], vector<16xf32>,
        tpu.vector_store_idx %arg9[%add3A_21, %parallel_loop3A_240], %parallel_loop3A_253 : memref<256x64xf32, #tpu.memory_space<vmem>>[vector<16xi32>, vector<16xi32>], vector<16xf32>,
        %parallel_loop3A_254 = tpu.vector_load_idx %arg7[%parallel_loop3A_243, %broadcast_in_dim3A_63, %parallel_loop3A_246, %add3A_103] : memref<8x2x8x128xf32, #tpu.memory_space<vmem>>[vector<16xi32>, vector<16xi32>, vector<16xi32>, vector<16xi32>], vector<16xf32>,
        tpu.vector_store_idx %arg9[%add3A_24, %parallel_loop3A_240], %parallel_loop3A_254 : memref<256x64xf32, #tpu.memory_space<vmem>>[vector<16xi32>, vector<16xi32>], vector<16xf32>,
        %parallel_loop3A_255 = tpu.vector_load_idx %arg7[%parallel_loop3A_243, %broadcast_in_dim3A_65, %parallel_loop3A_246, %add3A_106] : memref<8x2x8x128xf32, #tpu.memory_space<vmem>>[vector<16xi32>, vector<16xi32>, vector<16xi32>, vector<16xi32>], vector<16xf32>,
        tpu.vector_store_idx %arg9[%add3A_27, %parallel_loop3A_240], %parallel_loop3A_255 : memref<256x64xf32, #tpu.memory_space<vmem>>[vector<16xi32>, vector<16xi32>], vector<16xf32>,
        %parallel_loop3A_256 = tpu.vector_load_idx %arg7[%parallel_loop3A_243, %broadcast_in_dim3A_67, %parallel_loop3A_246, %add3A_109] : memref<8x2x8x128xf32, #tpu.memory_space<vmem>>[vector<16xi32>, vector<16xi32>, vector<16xi32>, vector<16xi32>], vector<16xf32>,
        tpu.vector_store_idx %arg9[%add3A_30, %parallel_loop3A_240], %parallel_loop3A_256 : memref<256x64xf32, #tpu.memory_space<vmem>>[vector<16xi32>, vector<16xi32>], vector<16xf32>,
        %parallel_loop3A_257 = tpu.vector_load_idx %arg7[%parallel_loop3A_243, %broadcast_in_dim3A_69, %parallel_loop3A_246, %add3A_112] : memref<8x2x8x128xf32, #tpu.memory_space<vmem>>[vector<16xi32>, vector<16xi32>, vector<16xi32>, vector<16xi32>], vector<16xf32>,
        tpu.vector_store_idx %arg9[%add3A_33, %parallel_loop3A_240], %parallel_loop3A_257 : memref<256x64xf32, #tpu.memory_space<vmem>>[vector<16xi32>, vector<16xi32>], vector<16xf32>,
        %parallel_loop3A_258 = tpu.vector_load_idx %arg7[%parallel_loop3A_243, %broadcast_in_dim3A_71, %parallel_loop3A_246, %add3A_115] : memref<8x2x8x128xf32, #tpu.memory_space<vmem>>[vector<16xi32>, vector<16xi32>, vector<16xi32>, vector<16xi32>], vector<16xf32>,
        tpu.vector_store_idx %arg9[%add3A_36, %parallel_loop3A_240], %parallel_loop3A_258 : memref<256x64xf32, #tpu.memory_space<vmem>>[vector<16xi32>, vector<16xi32>], vector<16xf32>,
        %parallel_loop3A_259 = tpu.vector_load_idx %arg7[%parallel_loop3A_243, %broadcast_in_dim3A_73, %parallel_loop3A_246, %add3A_118] : memref<8x2x8x128xf32, #tpu.memory_space<vmem>>[vector<16xi32>, vector<16xi32>, vector<16xi32>, vector<16xi32>], vector<16xf32>,
        tpu.vector_store_idx %arg9[%add3A_39, %parallel_loop3A_240], %parallel_loop3A_259 : memref<256x64xf32, #tpu.memory_space<vmem>>[vector<16xi32>, vector<16xi32>], vector<16xf32>,
        %parallel_loop3A_260 = tpu.vector_load_idx %arg7[%parallel_loop3A_243, %broadcast_in_dim3A_75, %parallel_loop3A_246, %add3A_121] : memref<8x2x8x128xf32, #tpu.memory_space<vmem>>[vector<16xi32>, vector<16xi32>, vector<16xi32>, vector<16xi32>], vector<16xf32>,
        tpu.vector_store_idx %arg9[%add3A_42, %parallel_loop3A_240], %parallel_loop3A_260 : memref<256x64xf32, #tpu.memory_space<vmem>>[vector<16xi32>, vector<16xi32>], vector<16xf32>,
        %parallel_loop3A_261 = tpu.vector_load_idx %arg7[%parallel_loop3A_243, %broadcast_in_dim3A_77, %parallel_loop3A_246, %add3A_124] : memref<8x2x8x128xf32, #tpu.memory_space<vmem>>[vector<16xi32>, vector<16xi32>, vector<16xi32>, vector<16xi32>], vector<16xf32>,
        tpu.vector_store_idx %arg9[%add3A_45, %parallel_loop3A_240], %parallel_loop3A_261 : memref<256x64xf32, #tpu.memory_space<vmem>>[vector<16xi32>, vector<16xi32>], vector<16xf32>,
        %parallel_loop3A_262 = tpu.vector_load_idx %arg7[%parallel_loop3A_243, %broadcast_in_dim3A_79, %parallel_loop3A_246, %add3A_127] : memref<8x2x8x128xf32, #tpu.memory_space<vmem>>[vector<16xi32>, vector<16xi32>, vector<16xi32>, vector<16xi32>], vector<16xf32>,
        tpu.vector_store_idx %arg9[%add3A_48, %parallel_loop3A_240], %parallel_loop3A_262 : memref<256x64xf32, #tpu.memory_space<vmem>>[vector<16xi32>, vector<16xi32>], vector<16xf32>,
      } {sc.loop_unroll_factor = 2 : i64, sc.parallel_access}
      %mul3A_224 = arith.constant 256 : i32
      %mul3A_225 = arith.muli %add3A_205, %mul3A_224 : i32
      %dma_start3A_226 = tpu.memref_slice %arg5[%mul3A_225] : memref<4096xi32, #tpu.memory_space<vmem>> -> memref<256xi32, #tpu.memory_space<vmem>>
      %dma_start3A_227 = arith.constant 0 : i32
      %dma_start3A_228 = arith.constant 0 : i32
      %dma_start3A_229 = tpu.memref_slice %arg4[%dma_start3A_227, %dma_start3A_228] : memref<131072x64xf32, #tpu.memory_space<hbm>> -> memref<131072x64xf32, #tpu.memory_space<hbm>>
      tpu.enqueue_indirect_dma source(%arg9 : memref<256x64xf32, #tpu.memory_space<vmem>>) target(%dma_start3A_229 : memref<131072x64xf32, #tpu.memory_space<hbm>>) offsets(%dma_start3A_226 : memref<256xi32, #tpu.memory_space<vmem>>) semaphore(%arg13 : memref<!tpu.dma_semaphore, #tpu.memory_space<semaphore_mem>>)
      %lt3A_230 = arith.constant 7 : i32
      %lt3A_231 = arith.cmpi slt, %scan3A_173, %lt3A_230 : i32
      %convert_element_type3A_232 = arith.extui %lt3A_231 : i1 to i32
      %cond3A_233 = arith.constant 0 : i32
      %cond3A_234 = arith.cmpi ne, %convert_element_type3A_232, %cond3A_233 : i32
      scf.if %cond3A_234 {
        %add3A_235 = arith.constant 2 : i32
        %add3A_236 = arith.addi %add3A_205, %add3A_235 : i32
        %mul3A_237 = arith.constant 2 : i32
        %mul3A_238 = arith.muli %mul3A_237, %add3A : i32
        %jit3A = arith.constant 8 : i32
        %div3A = arith.divsi %add3A_236, %jit3A : i32
        %sign3A = arith.constant 0 : i32
        %sign3A_239 = arith.cmpi sgt, %add3A_236, %sign3A : i32
        %sign3A_240 = arith.extui %sign3A_239 : i1 to i32
        %sign3A_241 = arith.constant 0 : i32
        %sign3A_242 = arith.cmpi slt, %add3A_236, %sign3A_241 : i32
        %sign3A_243 = arith.extui %sign3A_242 : i1 to i32
        %sign3A_244 = arith.subi %sign3A_240, %sign3A_243 : i32
        %sign3A_245 = arith.constant 0 : i32
        %sign3A_246 = arith.cmpi sgt, %jit3A, %sign3A_245 : i32
        %sign3A_247 = arith.extui %sign3A_246 : i1 to i32
        %sign3A_248 = arith.constant 0 : i32
        %sign3A_249 = arith.cmpi slt, %jit3A, %sign3A_248 : i32
        %sign3A_250 = arith.extui %sign3A_249 : i1 to i32
        %sign3A_251 = arith.subi %sign3A_247, %sign3A_250 : i32
        %ne3A = arith.cmpi ne, %sign3A_244, %sign3A_251 : i32
        %rem3A = arith.remsi %add3A_236, %jit3A : i32
        %ne3A_252 = arith.constant 0 : i32
        %ne3A_253 = arith.cmpi ne, %rem3A, %ne3A_252 : i32
        %and3A = arith.andi %ne3A, %ne3A_253 : i1
        %sub3A = arith.constant 1 : i32
        %sub3A_254 = arith.subi %div3A, %sub3A : i32
        %select_n3A = arith.select %and3A, %sub3A_254, %div3A : i32
        %add3A_255 = arith.addi %mul3A_238, %select_n3A : i32
        %jit3A_256 = arith.constant 8 : i32
        %eq3A = arith.constant 0 : i32
        %eq3A_257 = arith.cmpi eq, %jit3A_256, %eq3A : i32
        %jit3A_258 = arith.constant 1 : i32
        %select_n3A_259 = arith.select %eq3A_257, %jit3A_258, %jit3A_256 : i32
        %rem3A_260 = arith.remsi %add3A_236, %select_n3A_259 : i32
        %ne3A_261 = arith.constant 0 : i32
        %ne3A_262 = arith.cmpi ne, %rem3A_260, %ne3A_261 : i32
        %lt3A_263 = arith.constant 0 : i32
        %lt3A_264 = arith.cmpi slt, %rem3A_260, %lt3A_263 : i32
        %lt3A_265 = arith.constant 0 : i32
        %lt3A_266 = arith.cmpi slt, %select_n3A_259, %lt3A_265 : i32
        %ne3A_267 = arith.xori %lt3A_264, %lt3A_266 : i1
        %and3A_268 = arith.andi %ne3A_267, %ne3A_262 : i1
        %add3A_269 = arith.addi %rem3A_260, %select_n3A_259 : i32
        %select_n3A_270 = arith.select %and3A_268, %add3A_269, %rem3A_260 : i32
        %mul3A_271 = arith.constant 2 : i32
        %mul3A_272 = arith.muli %mul3A_271, %select_n3A_270 : i32
        %mul3A_273 = arith.constant 8 : i32
        %mul3A_274 = arith.muli %add3A_255, %mul3A_273 : i32
        %dma_start3A_275 = arith.constant 0 : i32
        %dma_start3A_276 = arith.constant 0 : i32
        %dma_start3A_277 = tpu.memref_slice %arg2[%mul3A_274, %mul3A_272, %dma_start3A_275, %dma_start3A_276] : memref<512x16x8x128xf32, #tpu.memory_space<hbm>> -> memref<8x2x8x128xf32, #tpu.memory_space<hbm>>
        %dma_start3A_278 = arith.constant 0 : i32
        %dma_start3A_279 = arith.constant 0 : i32
        %dma_start3A_280 = tpu.memref_slice %arg2[%mul3A_274, %mul3A_272, %dma_start3A_278, %dma_start3A_279] : memref<512x16x8x128xf32, #tpu.memory_space<hbm>> -> memref<8x2x8x128xf32, #tpu.memory_space<hbm>>
        tpu.enqueue_dma source(%dma_start3A_280 : memref<8x2x8x128xf32, #tpu.memory_space<hbm>>) target(%arg7 : memref<8x2x8x128xf32, #tpu.memory_space<vmem>>) target_semaphore(%arg11 : memref<!tpu.dma_semaphore, #tpu.memory_space<semaphore_mem>>)
      } else {
      }
    }
    %scan3A_161 = arith.constant 8 : i32
    %dma_wait3A = arith.constant 0 : i32
    %dma_wait3A_162 = arith.constant 0 : i32
    %dma_wait3A_163 = tpu.memref_slice %arg4[%dma_wait3A, %dma_wait3A_162] : memref<131072x64xf32, #tpu.memory_space<hbm>> -> memref<256x64xf32, #tpu.memory_space<hbm>>
    %dma_wait3A_164 = arith.constant 0 : i32
    %dma_wait3A_165 = arith.constant 0 : i32
    %dma_wait3A_166 = tpu.memref_slice %arg4[%dma_wait3A_164, %dma_wait3A_165] : memref<131072x64xf32, #tpu.memory_space<hbm>> -> memref<256x64xf32, #tpu.memory_space<hbm>>
    tpu.wait_dma2 semaphore(%arg12 : memref<!tpu.dma_semaphore, #tpu.memory_space<semaphore_mem>>) src(%arg8 : memref<256x64xf32, #tpu.memory_space<vmem>>) dst(%dma_wait3A_166 : memref<256x64xf32, #tpu.memory_space<hbm>>)
    %dma_wait3A_167 = arith.constant 0 : i32
    %dma_wait3A_168 = arith.constant 0 : i32
    %dma_wait3A_169 = tpu.memref_slice %arg4[%dma_wait3A_167, %dma_wait3A_168] : memref<131072x64xf32, #tpu.memory_space<hbm>> -> memref<256x64xf32, #tpu.memory_space<hbm>>
    %dma_wait3A_170 = arith.constant 0 : i32
    %dma_wait3A_171 = arith.constant 0 : i32
    %dma_wait3A_172 = tpu.memref_slice %arg4[%dma_wait3A_170, %dma_wait3A_171] : memref<131072x64xf32, #tpu.memory_space<hbm>> -> memref<256x64xf32, #tpu.memory_space<hbm>>
    tpu.wait_dma2 semaphore(%arg13 : memref<!tpu.dma_semaphore, #tpu.memory_space<semaphore_mem>>) src(%arg9 : memref<256x64xf32, #tpu.memory_space<vmem>>) dst(%dma_wait3A_172 : memref<256x64xf32, #tpu.memory_space<hbm>>)
    return
  }
}

#map = affine_map<(d0, d1) -> (0, 0)>
#map1 = affine_map<(d0, d1) -> (0, 0, 0, 0)>
module attributes {stable_mosaic.version = 14 : i64} {
  func.func @_untranspose_pass(%arg0: i32, %arg1: i32, %arg2: memref<131072x64xf32, #tpu.memory_space<hbm>>, %arg3: memref<512x16x8x128xf32, #tpu.memory_space<hbm>>, %arg4: memref<256x64xf32, #tpu.memory_space<vmem>>, %arg5: memref<256x64xf32, #tpu.memory_space<vmem>>, %arg6: memref<8x2x8x128xf32, #tpu.memory_space<vmem>>, %arg7: memref<8x2x8x128xf32, #tpu.memory_space<vmem>>, %arg8: memref<!tpu.dma_semaphore, #tpu.memory_space<semaphore_mem>>, %arg9: memref<!tpu.dma_semaphore, #tpu.memory_space<semaphore_mem>>, %arg10: memref<!tpu.dma_semaphore, #tpu.memory_space<semaphore_mem>>, %arg11: memref<!tpu.dma_semaphore, #tpu.memory_space<semaphore_mem>>) attributes {dimension_semantics = [#tpu.dimension_semantics<core_parallel>, #tpu.dimension_semantics<subcore_parallel>], iteration_bounds = array<i64: 2, 16>, scalar_prefetch = 0 : i64, scratch_operands = 8 : i64, tpu.core_type = #tpu.core_type<sc_vector_subcore>, window_params = [{transform_indices = #map}, {transform_indices = #map1}]} {
    %mul3A = arith.constant 2 : i32
    %mul3A_0 = arith.muli %arg1, %mul3A : i32
    %add3A = arith.addi %mul3A_0, %arg0 : i32
    %mul3A_1 = arith.constant 4096 : i32
    %mul3A_2 = arith.muli %add3A, %mul3A_1 : i32
    %iota3A = tpu.iota {dimensions = array<i32: 0>} : vector<16xi32>
    %add3A_3 = arith.constant 0 : i32
    %add3A_4 = vector.broadcast %add3A_3 : i32 to vector<16xi32>
    %add3A_5 = arith.addi %iota3A, %add3A_4 : vector<16xi32>
    %add3A_6 = arith.constant 16 : i32
    %add3A_7 = vector.broadcast %add3A_6 : i32 to vector<16xi32>
    %add3A_8 = arith.addi %iota3A, %add3A_7 : vector<16xi32>
    %add3A_9 = arith.constant 32 : i32
    %add3A_10 = vector.broadcast %add3A_9 : i32 to vector<16xi32>
    %add3A_11 = arith.addi %iota3A, %add3A_10 : vector<16xi32>
    %add3A_12 = arith.constant 48 : i32
    %add3A_13 = vector.broadcast %add3A_12 : i32 to vector<16xi32>
    %add3A_14 = arith.addi %iota3A, %add3A_13 : vector<16xi32>
    %add3A_15 = arith.constant 64 : i32
    %add3A_16 = vector.broadcast %add3A_15 : i32 to vector<16xi32>
    %add3A_17 = arith.addi %iota3A, %add3A_16 : vector<16xi32>
    %add3A_18 = arith.constant 80 : i32
    %add3A_19 = vector.broadcast %add3A_18 : i32 to vector<16xi32>
    %add3A_20 = arith.addi %iota3A, %add3A_19 : vector<16xi32>
    %add3A_21 = arith.constant 96 : i32
    %add3A_22 = vector.broadcast %add3A_21 : i32 to vector<16xi32>
    %add3A_23 = arith.addi %iota3A, %add3A_22 : vector<16xi32>
    %add3A_24 = arith.constant 112 : i32
    %add3A_25 = vector.broadcast %add3A_24 : i32 to vector<16xi32>
    %add3A_26 = arith.addi %iota3A, %add3A_25 : vector<16xi32>
    %add3A_27 = arith.constant 128 : i32
    %add3A_28 = vector.broadcast %add3A_27 : i32 to vector<16xi32>
    %add3A_29 = arith.addi %iota3A, %add3A_28 : vector<16xi32>
    %add3A_30 = arith.constant 144 : i32
    %add3A_31 = vector.broadcast %add3A_30 : i32 to vector<16xi32>
    %add3A_32 = arith.addi %iota3A, %add3A_31 : vector<16xi32>
    %add3A_33 = arith.constant 160 : i32
    %add3A_34 = vector.broadcast %add3A_33 : i32 to vector<16xi32>
    %add3A_35 = arith.addi %iota3A, %add3A_34 : vector<16xi32>
    %add3A_36 = arith.constant 176 : i32
    %add3A_37 = vector.broadcast %add3A_36 : i32 to vector<16xi32>
    %add3A_38 = arith.addi %iota3A, %add3A_37 : vector<16xi32>
    %add3A_39 = arith.constant 192 : i32
    %add3A_40 = vector.broadcast %add3A_39 : i32 to vector<16xi32>
    %add3A_41 = arith.addi %iota3A, %add3A_40 : vector<16xi32>
    %add3A_42 = arith.constant 208 : i32
    %add3A_43 = vector.broadcast %add3A_42 : i32 to vector<16xi32>
    %add3A_44 = arith.addi %iota3A, %add3A_43 : vector<16xi32>
    %add3A_45 = arith.constant 224 : i32
    %add3A_46 = vector.broadcast %add3A_45 : i32 to vector<16xi32>
    %add3A_47 = arith.addi %iota3A, %add3A_46 : vector<16xi32>
    %add3A_48 = arith.constant 240 : i32
    %add3A_49 = vector.broadcast %add3A_48 : i32 to vector<16xi32>
    %add3A_50 = arith.addi %iota3A, %add3A_49 : vector<16xi32>
    %broadcast_in_dim3A = arith.constant 0 : i32
    %broadcast_in_dim3A_51 = vector.broadcast %broadcast_in_dim3A : i32 to vector<16xi32>
    %broadcast_in_dim3A_52 = arith.constant 0 : i32
    %broadcast_in_dim3A_53 = vector.broadcast %broadcast_in_dim3A_52 : i32 to vector<16xi32>
    %broadcast_in_dim3A_54 = arith.constant 0 : i32
    %broadcast_in_dim3A_55 = vector.broadcast %broadcast_in_dim3A_54 : i32 to vector<16xi32>
    %broadcast_in_dim3A_56 = arith.constant 0 : i32
    %broadcast_in_dim3A_57 = vector.broadcast %broadcast_in_dim3A_56 : i32 to vector<16xi32>
    %broadcast_in_dim3A_58 = arith.constant 0 : i32
    %broadcast_in_dim3A_59 = vector.broadcast %broadcast_in_dim3A_58 : i32 to vector<16xi32>
    %broadcast_in_dim3A_60 = arith.constant 0 : i32
    %broadcast_in_dim3A_61 = vector.broadcast %broadcast_in_dim3A_60 : i32 to vector<16xi32>
    %broadcast_in_dim3A_62 = arith.constant 0 : i32
    %broadcast_in_dim3A_63 = vector.broadcast %broadcast_in_dim3A_62 : i32 to vector<16xi32>
    %broadcast_in_dim3A_64 = arith.constant 0 : i32
    %broadcast_in_dim3A_65 = vector.broadcast %broadcast_in_dim3A_64 : i32 to vector<16xi32>
    %broadcast_in_dim3A_66 = arith.constant 1 : i32
    %broadcast_in_dim3A_67 = vector.broadcast %broadcast_in_dim3A_66 : i32 to vector<16xi32>
    %broadcast_in_dim3A_68 = arith.constant 1 : i32
    %broadcast_in_dim3A_69 = vector.broadcast %broadcast_in_dim3A_68 : i32 to vector<16xi32>
    %broadcast_in_dim3A_70 = arith.constant 1 : i32
    %broadcast_in_dim3A_71 = vector.broadcast %broadcast_in_dim3A_70 : i32 to vector<16xi32>
    %broadcast_in_dim3A_72 = arith.constant 1 : i32
    %broadcast_in_dim3A_73 = vector.broadcast %broadcast_in_dim3A_72 : i32 to vector<16xi32>
    %broadcast_in_dim3A_74 = arith.constant 1 : i32
    %broadcast_in_dim3A_75 = vector.broadcast %broadcast_in_dim3A_74 : i32 to vector<16xi32>
    %broadcast_in_dim3A_76 = arith.constant 1 : i32
    %broadcast_in_dim3A_77 = vector.broadcast %broadcast_in_dim3A_76 : i32 to vector<16xi32>
    %broadcast_in_dim3A_78 = arith.constant 1 : i32
    %broadcast_in_dim3A_79 = vector.broadcast %broadcast_in_dim3A_78 : i32 to vector<16xi32>
    %broadcast_in_dim3A_80 = arith.constant 1 : i32
    %broadcast_in_dim3A_81 = vector.broadcast %broadcast_in_dim3A_80 : i32 to vector<16xi32>
    %add3A_82 = arith.constant 0 : i32
    %add3A_83 = vector.broadcast %add3A_82 : i32 to vector<16xi32>
    %add3A_84 = arith.addi %iota3A, %add3A_83 : vector<16xi32>
    %add3A_85 = arith.constant 16 : i32
    %add3A_86 = vector.broadcast %add3A_85 : i32 to vector<16xi32>
    %add3A_87 = arith.addi %iota3A, %add3A_86 : vector<16xi32>
    %add3A_88 = arith.constant 32 : i32
    %add3A_89 = vector.broadcast %add3A_88 : i32 to vector<16xi32>
    %add3A_90 = arith.addi %iota3A, %add3A_89 : vector<16xi32>
    %add3A_91 = arith.constant 48 : i32
    %add3A_92 = vector.broadcast %add3A_91 : i32 to vector<16xi32>
    %add3A_93 = arith.addi %iota3A, %add3A_92 : vector<16xi32>
    %add3A_94 = arith.constant 64 : i32
    %add3A_95 = vector.broadcast %add3A_94 : i32 to vector<16xi32>
    %add3A_96 = arith.addi %iota3A, %add3A_95 : vector<16xi32>
    %add3A_97 = arith.constant 80 : i32
    %add3A_98 = vector.broadcast %add3A_97 : i32 to vector<16xi32>
    %add3A_99 = arith.addi %iota3A, %add3A_98 : vector<16xi32>
    %add3A_100 = arith.constant 96 : i32
    %add3A_101 = vector.broadcast %add3A_100 : i32 to vector<16xi32>
    %add3A_102 = arith.addi %iota3A, %add3A_101 : vector<16xi32>
    %add3A_103 = arith.constant 112 : i32
    %add3A_104 = vector.broadcast %add3A_103 : i32 to vector<16xi32>
    %add3A_105 = arith.addi %iota3A, %add3A_104 : vector<16xi32>
    %add3A_106 = arith.constant 0 : i32
    %add3A_107 = vector.broadcast %add3A_106 : i32 to vector<16xi32>
    %add3A_108 = arith.addi %iota3A, %add3A_107 : vector<16xi32>
    %add3A_109 = arith.constant 16 : i32
    %add3A_110 = vector.broadcast %add3A_109 : i32 to vector<16xi32>
    %add3A_111 = arith.addi %iota3A, %add3A_110 : vector<16xi32>
    %add3A_112 = arith.constant 32 : i32
    %add3A_113 = vector.broadcast %add3A_112 : i32 to vector<16xi32>
    %add3A_114 = arith.addi %iota3A, %add3A_113 : vector<16xi32>
    %add3A_115 = arith.constant 48 : i32
    %add3A_116 = vector.broadcast %add3A_115 : i32 to vector<16xi32>
    %add3A_117 = arith.addi %iota3A, %add3A_116 : vector<16xi32>
    %add3A_118 = arith.constant 64 : i32
    %add3A_119 = vector.broadcast %add3A_118 : i32 to vector<16xi32>
    %add3A_120 = arith.addi %iota3A, %add3A_119 : vector<16xi32>
    %add3A_121 = arith.constant 80 : i32
    %add3A_122 = vector.broadcast %add3A_121 : i32 to vector<16xi32>
    %add3A_123 = arith.addi %iota3A, %add3A_122 : vector<16xi32>
    %add3A_124 = arith.constant 96 : i32
    %add3A_125 = vector.broadcast %add3A_124 : i32 to vector<16xi32>
    %add3A_126 = arith.addi %iota3A, %add3A_125 : vector<16xi32>
    %add3A_127 = arith.constant 112 : i32
    %add3A_128 = vector.broadcast %add3A_127 : i32 to vector<16xi32>
    %add3A_129 = arith.addi %iota3A, %add3A_128 : vector<16xi32>
    %add3A_130 = arith.constant 0 : i32
    %add3A_131 = arith.addi %mul3A_2, %add3A_130 : i32
    %dma_start3A = arith.constant 0 : i32
    %dma_start3A_132 = tpu.memref_slice %arg2[%add3A_131, %dma_start3A] : memref<131072x64xf32, #tpu.memory_space<hbm>> -> memref<256x64xf32, #tpu.memory_space<hbm>>
    %dma_start3A_133 = arith.constant 0 : i32
    %dma_start3A_134 = tpu.memref_slice %arg2[%add3A_131, %dma_start3A_133] : memref<131072x64xf32, #tpu.memory_space<hbm>> -> memref<256x64xf32, #tpu.memory_space<hbm>>
    tpu.enqueue_dma source(%dma_start3A_134 : memref<256x64xf32, #tpu.memory_space<hbm>>) target(%arg4 : memref<256x64xf32, #tpu.memory_space<vmem>>) target_semaphore(%arg8 : memref<!tpu.dma_semaphore, #tpu.memory_space<semaphore_mem>>)
    %add3A_135 = arith.constant 256 : i32
    %add3A_136 = arith.addi %mul3A_2, %add3A_135 : i32
    %dma_start3A_137 = arith.constant 0 : i32
    %dma_start3A_138 = tpu.memref_slice %arg2[%add3A_136, %dma_start3A_137] : memref<131072x64xf32, #tpu.memory_space<hbm>> -> memref<256x64xf32, #tpu.memory_space<hbm>>
    %dma_start3A_139 = arith.constant 0 : i32
    %dma_start3A_140 = tpu.memref_slice %arg2[%add3A_136, %dma_start3A_139] : memref<131072x64xf32, #tpu.memory_space<hbm>> -> memref<256x64xf32, #tpu.memory_space<hbm>>
    tpu.enqueue_dma source(%dma_start3A_140 : memref<256x64xf32, #tpu.memory_space<hbm>>) target(%arg5 : memref<256x64xf32, #tpu.memory_space<vmem>>) target_semaphore(%arg9 : memref<!tpu.dma_semaphore, #tpu.memory_space<semaphore_mem>>)
    %scan3A = arith.constant 0 : i32
    %scan3A_141 = arith.constant 0 : i32
    %scan3A_142 = arith.constant 8 : i32
    %scan3A_143 = arith.addi %scan3A_141, %scan3A_142 : i32
    %scan3A_144 = arith.constant 1 : i32
    scf.for %scan3A_165 = %scan3A_141 to %scan3A_143 step %scan3A_144  : i32 {
      %mul3A_166 = arith.constant 2 : i32
      %mul3A_167 = arith.muli %mul3A_166, %scan3A_165 : i32
      %add3A_168 = arith.constant 0 : i32
      %add3A_169 = arith.addi %mul3A_167, %add3A_168 : i32
      %dma_wait3A_170 = arith.constant 0 : i32
      %dma_wait3A_171 = arith.constant 0 : i32
      %dma_wait3A_172 = tpu.memref_slice %arg2[%dma_wait3A_170, %dma_wait3A_171] : memref<131072x64xf32, #tpu.memory_space<hbm>> -> memref<256x64xf32, #tpu.memory_space<hbm>>
      %dma_wait3A_173 = arith.constant 0 : i32
      %dma_wait3A_174 = arith.constant 0 : i32
      %dma_wait3A_175 = tpu.memref_slice %arg2[%dma_wait3A_173, %dma_wait3A_174] : memref<131072x64xf32, #tpu.memory_space<hbm>> -> memref<256x64xf32, #tpu.memory_space<hbm>>
      tpu.wait_dma2 semaphore(%arg8 : memref<!tpu.dma_semaphore, #tpu.memory_space<semaphore_mem>>) src(%dma_wait3A_175 : memref<256x64xf32, #tpu.memory_space<hbm>>) dst(%arg4 : memref<256x64xf32, #tpu.memory_space<vmem>>)
      %gt3A = arith.constant 0 : i32
      %gt3A_176 = arith.cmpi sgt, %scan3A_165, %gt3A : i32
      %convert_element_type3A = arith.extui %gt3A_176 : i1 to i32
      %cond3A = arith.constant 0 : i32
      %cond3A_177 = arith.cmpi ne, %convert_element_type3A, %cond3A : i32
      scf.if %cond3A_177 {
        %dma_wait3A_304 = arith.constant 0 : i32
        %dma_wait3A_305 = arith.constant 0 : i32
        %dma_wait3A_306 = arith.constant 0 : i32
        %dma_wait3A_307 = arith.constant 0 : i32
        %dma_wait3A_308 = tpu.memref_slice %arg3[%dma_wait3A_304, %dma_wait3A_305, %dma_wait3A_306, %dma_wait3A_307] : memref<512x16x8x128xf32, #tpu.memory_space<hbm>> -> memref<8x2x8x128xf32, #tpu.memory_space<hbm>>
        %dma_wait3A_309 = arith.constant 0 : i32
        %dma_wait3A_310 = arith.constant 0 : i32
        %dma_wait3A_311 = arith.constant 0 : i32
        %dma_wait3A_312 = arith.constant 0 : i32
        %dma_wait3A_313 = tpu.memref_slice %arg3[%dma_wait3A_309, %dma_wait3A_310, %dma_wait3A_311, %dma_wait3A_312] : memref<512x16x8x128xf32, #tpu.memory_space<hbm>> -> memref<8x2x8x128xf32, #tpu.memory_space<hbm>>
        tpu.wait_dma2 semaphore(%arg10 : memref<!tpu.dma_semaphore, #tpu.memory_space<semaphore_mem>>) src(%arg6 : memref<8x2x8x128xf32, #tpu.memory_space<vmem>>) dst(%dma_wait3A_313 : memref<8x2x8x128xf32, #tpu.memory_space<hbm>>)
      } else {
      }
      %parallel_loop3A = arith.constant 0 : i32
      %parallel_loop3A_178 = arith.constant 64 : i32
      %parallel_loop3A_179 = arith.constant 1 : i32
      scf.for %parallel_loop3A_304 = %parallel_loop3A to %parallel_loop3A_178 step %parallel_loop3A_179  : i32 {
        %parallel_loop3A_305 = vector.broadcast %parallel_loop3A_304 : i32 to vector<16xi32>
        %parallel_loop3A_306 = arith.addi %parallel_loop3A_305, %iota3A : vector<16xi32>
        %parallel_loop3A_307 = arith.constant 63 : i32
        %parallel_loop3A_308 = vector.broadcast %parallel_loop3A_307 : i32 to vector<16xi32>
        %parallel_loop3A_309 = arith.andi %parallel_loop3A_306, %parallel_loop3A_308 : vector<16xi32>
        %parallel_loop3A_310 = arith.constant 3 : i32
        %parallel_loop3A_311 = vector.broadcast %parallel_loop3A_310 : i32 to vector<16xi32>
        %parallel_loop3A_312 = arith.shrsi %parallel_loop3A_309, %parallel_loop3A_311 : vector<16xi32>
        %parallel_loop3A_313 = arith.constant 7 : i32
        %parallel_loop3A_314 = vector.broadcast %parallel_loop3A_313 : i32 to vector<16xi32>
        %parallel_loop3A_315 = arith.andi %parallel_loop3A_309, %parallel_loop3A_314 : vector<16xi32>
        %parallel_loop3A_316 = tpu.vector_load_idx %arg4[%add3A_5, %parallel_loop3A_309] : memref<256x64xf32, #tpu.memory_space<vmem>>[vector<16xi32>, vector<16xi32>], vector<16xf32>,
        tpu.vector_store_idx %arg6[%parallel_loop3A_312, %broadcast_in_dim3A_51, %parallel_loop3A_315, %add3A_84], %parallel_loop3A_316 : memref<8x2x8x128xf32, #tpu.memory_space<vmem>>[vector<16xi32>, vector<16xi32>, vector<16xi32>, vector<16xi32>], vector<16xf32>,
        %parallel_loop3A_317 = tpu.vector_load_idx %arg4[%add3A_8, %parallel_loop3A_309] : memref<256x64xf32, #tpu.memory_space<vmem>>[vector<16xi32>, vector<16xi32>], vector<16xf32>,
        tpu.vector_store_idx %arg6[%parallel_loop3A_312, %broadcast_in_dim3A_53, %parallel_loop3A_315, %add3A_87], %parallel_loop3A_317 : memref<8x2x8x128xf32, #tpu.memory_space<vmem>>[vector<16xi32>, vector<16xi32>, vector<16xi32>, vector<16xi32>], vector<16xf32>,
        %parallel_loop3A_318 = tpu.vector_load_idx %arg4[%add3A_11, %parallel_loop3A_309] : memref<256x64xf32, #tpu.memory_space<vmem>>[vector<16xi32>, vector<16xi32>], vector<16xf32>,
        tpu.vector_store_idx %arg6[%parallel_loop3A_312, %broadcast_in_dim3A_55, %parallel_loop3A_315, %add3A_90], %parallel_loop3A_318 : memref<8x2x8x128xf32, #tpu.memory_space<vmem>>[vector<16xi32>, vector<16xi32>, vector<16xi32>, vector<16xi32>], vector<16xf32>,
        %parallel_loop3A_319 = tpu.vector_load_idx %arg4[%add3A_14, %parallel_loop3A_309] : memref<256x64xf32, #tpu.memory_space<vmem>>[vector<16xi32>, vector<16xi32>], vector<16xf32>,
        tpu.vector_store_idx %arg6[%parallel_loop3A_312, %broadcast_in_dim3A_57, %parallel_loop3A_315, %add3A_93], %parallel_loop3A_319 : memref<8x2x8x128xf32, #tpu.memory_space<vmem>>[vector<16xi32>, vector<16xi32>, vector<16xi32>, vector<16xi32>], vector<16xf32>,
        %parallel_loop3A_320 = tpu.vector_load_idx %arg4[%add3A_17, %parallel_loop3A_309] : memref<256x64xf32, #tpu.memory_space<vmem>>[vector<16xi32>, vector<16xi32>], vector<16xf32>,
        tpu.vector_store_idx %arg6[%parallel_loop3A_312, %broadcast_in_dim3A_59, %parallel_loop3A_315, %add3A_96], %parallel_loop3A_320 : memref<8x2x8x128xf32, #tpu.memory_space<vmem>>[vector<16xi32>, vector<16xi32>, vector<16xi32>, vector<16xi32>], vector<16xf32>,
        %parallel_loop3A_321 = tpu.vector_load_idx %arg4[%add3A_20, %parallel_loop3A_309] : memref<256x64xf32, #tpu.memory_space<vmem>>[vector<16xi32>, vector<16xi32>], vector<16xf32>,
        tpu.vector_store_idx %arg6[%parallel_loop3A_312, %broadcast_in_dim3A_61, %parallel_loop3A_315, %add3A_99], %parallel_loop3A_321 : memref<8x2x8x128xf32, #tpu.memory_space<vmem>>[vector<16xi32>, vector<16xi32>, vector<16xi32>, vector<16xi32>], vector<16xf32>,
        %parallel_loop3A_322 = tpu.vector_load_idx %arg4[%add3A_23, %parallel_loop3A_309] : memref<256x64xf32, #tpu.memory_space<vmem>>[vector<16xi32>, vector<16xi32>], vector<16xf32>,
        tpu.vector_store_idx %arg6[%parallel_loop3A_312, %broadcast_in_dim3A_63, %parallel_loop3A_315, %add3A_102], %parallel_loop3A_322 : memref<8x2x8x128xf32, #tpu.memory_space<vmem>>[vector<16xi32>, vector<16xi32>, vector<16xi32>, vector<16xi32>], vector<16xf32>,
        %parallel_loop3A_323 = tpu.vector_load_idx %arg4[%add3A_26, %parallel_loop3A_309] : memref<256x64xf32, #tpu.memory_space<vmem>>[vector<16xi32>, vector<16xi32>], vector<16xf32>,
        tpu.vector_store_idx %arg6[%parallel_loop3A_312, %broadcast_in_dim3A_65, %parallel_loop3A_315, %add3A_105], %parallel_loop3A_323 : memref<8x2x8x128xf32, #tpu.memory_space<vmem>>[vector<16xi32>, vector<16xi32>, vector<16xi32>, vector<16xi32>], vector<16xf32>,
        %parallel_loop3A_324 = tpu.vector_load_idx %arg4[%add3A_29, %parallel_loop3A_309] : memref<256x64xf32, #tpu.memory_space<vmem>>[vector<16xi32>, vector<16xi32>], vector<16xf32>,
        tpu.vector_store_idx %arg6[%parallel_loop3A_312, %broadcast_in_dim3A_67, %parallel_loop3A_315, %add3A_108], %parallel_loop3A_324 : memref<8x2x8x128xf32, #tpu.memory_space<vmem>>[vector<16xi32>, vector<16xi32>, vector<16xi32>, vector<16xi32>], vector<16xf32>,
        %parallel_loop3A_325 = tpu.vector_load_idx %arg4[%add3A_32, %parallel_loop3A_309] : memref<256x64xf32, #tpu.memory_space<vmem>>[vector<16xi32>, vector<16xi32>], vector<16xf32>,
        tpu.vector_store_idx %arg6[%parallel_loop3A_312, %broadcast_in_dim3A_69, %parallel_loop3A_315, %add3A_111], %parallel_loop3A_325 : memref<8x2x8x128xf32, #tpu.memory_space<vmem>>[vector<16xi32>, vector<16xi32>, vector<16xi32>, vector<16xi32>], vector<16xf32>,
        %parallel_loop3A_326 = tpu.vector_load_idx %arg4[%add3A_35, %parallel_loop3A_309] : memref<256x64xf32, #tpu.memory_space<vmem>>[vector<16xi32>, vector<16xi32>], vector<16xf32>,
        tpu.vector_store_idx %arg6[%parallel_loop3A_312, %broadcast_in_dim3A_71, %parallel_loop3A_315, %add3A_114], %parallel_loop3A_326 : memref<8x2x8x128xf32, #tpu.memory_space<vmem>>[vector<16xi32>, vector<16xi32>, vector<16xi32>, vector<16xi32>], vector<16xf32>,
        %parallel_loop3A_327 = tpu.vector_load_idx %arg4[%add3A_38, %parallel_loop3A_309] : memref<256x64xf32, #tpu.memory_space<vmem>>[vector<16xi32>, vector<16xi32>], vector<16xf32>,
        tpu.vector_store_idx %arg6[%parallel_loop3A_312, %broadcast_in_dim3A_73, %parallel_loop3A_315, %add3A_117], %parallel_loop3A_327 : memref<8x2x8x128xf32, #tpu.memory_space<vmem>>[vector<16xi32>, vector<16xi32>, vector<16xi32>, vector<16xi32>], vector<16xf32>,
        %parallel_loop3A_328 = tpu.vector_load_idx %arg4[%add3A_41, %parallel_loop3A_309] : memref<256x64xf32, #tpu.memory_space<vmem>>[vector<16xi32>, vector<16xi32>], vector<16xf32>,
        tpu.vector_store_idx %arg6[%parallel_loop3A_312, %broadcast_in_dim3A_75, %parallel_loop3A_315, %add3A_120], %parallel_loop3A_328 : memref<8x2x8x128xf32, #tpu.memory_space<vmem>>[vector<16xi32>, vector<16xi32>, vector<16xi32>, vector<16xi32>], vector<16xf32>,
        %parallel_loop3A_329 = tpu.vector_load_idx %arg4[%add3A_44, %parallel_loop3A_309] : memref<256x64xf32, #tpu.memory_space<vmem>>[vector<16xi32>, vector<16xi32>], vector<16xf32>,
        tpu.vector_store_idx %arg6[%parallel_loop3A_312, %broadcast_in_dim3A_77, %parallel_loop3A_315, %add3A_123], %parallel_loop3A_329 : memref<8x2x8x128xf32, #tpu.memory_space<vmem>>[vector<16xi32>, vector<16xi32>, vector<16xi32>, vector<16xi32>], vector<16xf32>,
        %parallel_loop3A_330 = tpu.vector_load_idx %arg4[%add3A_47, %parallel_loop3A_309] : memref<256x64xf32, #tpu.memory_space<vmem>>[vector<16xi32>, vector<16xi32>], vector<16xf32>,
        tpu.vector_store_idx %arg6[%parallel_loop3A_312, %broadcast_in_dim3A_79, %parallel_loop3A_315, %add3A_126], %parallel_loop3A_330 : memref<8x2x8x128xf32, #tpu.memory_space<vmem>>[vector<16xi32>, vector<16xi32>, vector<16xi32>, vector<16xi32>], vector<16xf32>,
        %parallel_loop3A_331 = tpu.vector_load_idx %arg4[%add3A_50, %parallel_loop3A_309] : memref<256x64xf32, #tpu.memory_space<vmem>>[vector<16xi32>, vector<16xi32>], vector<16xf32>,
        tpu.vector_store_idx %arg6[%parallel_loop3A_312, %broadcast_in_dim3A_81, %parallel_loop3A_315, %add3A_129], %parallel_loop3A_331 : memref<8x2x8x128xf32, #tpu.memory_space<vmem>>[vector<16xi32>, vector<16xi32>, vector<16xi32>, vector<16xi32>], vector<16xf32>,
      } {sc.loop_unroll_factor = 2 : i64, sc.parallel_access}
      %mul3A_180 = arith.constant 2 : i32
      %mul3A_181 = arith.muli %mul3A_180, %add3A : i32
      %jit3A = arith.constant 8 : i32
      %div3A = arith.divsi %add3A_169, %jit3A : i32
      %sign3A = arith.constant 0 : i32
      %sign3A_182 = arith.cmpi sgt, %add3A_169, %sign3A : i32
      %sign3A_183 = arith.extui %sign3A_182 : i1 to i32
      %sign3A_184 = arith.constant 0 : i32
      %sign3A_185 = arith.cmpi slt, %add3A_169, %sign3A_184 : i32
      %sign3A_186 = arith.extui %sign3A_185 : i1 to i32
      %sign3A_187 = arith.subi %sign3A_183, %sign3A_186 : i32
      %sign3A_188 = arith.constant 0 : i32
      %sign3A_189 = arith.cmpi sgt, %jit3A, %sign3A_188 : i32
      %sign3A_190 = arith.extui %sign3A_189 : i1 to i32
      %sign3A_191 = arith.constant 0 : i32
      %sign3A_192 = arith.cmpi slt, %jit3A, %sign3A_191 : i32
      %sign3A_193 = arith.extui %sign3A_192 : i1 to i32
      %sign3A_194 = arith.subi %sign3A_190, %sign3A_193 : i32
      %ne3A = arith.cmpi ne, %sign3A_187, %sign3A_194 : i32
      %rem3A = arith.remsi %add3A_169, %jit3A : i32
      %ne3A_195 = arith.constant 0 : i32
      %ne3A_196 = arith.cmpi ne, %rem3A, %ne3A_195 : i32
      %and3A = arith.andi %ne3A, %ne3A_196 : i1
      %sub3A = arith.constant 1 : i32
      %sub3A_197 = arith.subi %div3A, %sub3A : i32
      %select_n3A = arith.select %and3A, %sub3A_197, %div3A : i32
      %add3A_198 = arith.addi %mul3A_181, %select_n3A : i32
      %jit3A_199 = arith.constant 8 : i32
      %eq3A = arith.constant 0 : i32
      %eq3A_200 = arith.cmpi eq, %jit3A_199, %eq3A : i32
      %jit3A_201 = arith.constant 1 : i32
      %select_n3A_202 = arith.select %eq3A_200, %jit3A_201, %jit3A_199 : i32
      %rem3A_203 = arith.remsi %add3A_169, %select_n3A_202 : i32
      %ne3A_204 = arith.constant 0 : i32
      %ne3A_205 = arith.cmpi ne, %rem3A_203, %ne3A_204 : i32
      %lt3A = arith.constant 0 : i32
      %lt3A_206 = arith.cmpi slt, %rem3A_203, %lt3A : i32
      %lt3A_207 = arith.constant 0 : i32
      %lt3A_208 = arith.cmpi slt, %select_n3A_202, %lt3A_207 : i32
      %ne3A_209 = arith.xori %lt3A_206, %lt3A_208 : i1
      %and3A_210 = arith.andi %ne3A_209, %ne3A_205 : i1
      %add3A_211 = arith.addi %rem3A_203, %select_n3A_202 : i32
      %select_n3A_212 = arith.select %and3A_210, %add3A_211, %rem3A_203 : i32
      %mul3A_213 = arith.constant 2 : i32
      %mul3A_214 = arith.muli %mul3A_213, %select_n3A_212 : i32
      %mul3A_215 = arith.constant 8 : i32
      %mul3A_216 = arith.muli %add3A_198, %mul3A_215 : i32
      %dma_start3A_217 = arith.constant 0 : i32
      %dma_start3A_218 = arith.constant 0 : i32
      %dma_start3A_219 = tpu.memref_slice %arg3[%mul3A_216, %mul3A_214, %dma_start3A_217, %dma_start3A_218] : memref<512x16x8x128xf32, #tpu.memory_space<hbm>> -> memref<8x2x8x128xf32, #tpu.memory_space<hbm>>
      %dma_start3A_220 = arith.constant 0 : i32
      %dma_start3A_221 = arith.constant 0 : i32
      %dma_start3A_222 = tpu.memref_slice %arg3[%mul3A_216, %mul3A_214, %dma_start3A_220, %dma_start3A_221] : memref<512x16x8x128xf32, #tpu.memory_space<hbm>> -> memref<8x2x8x128xf32, #tpu.memory_space<hbm>>
      tpu.enqueue_dma source(%arg6 : memref<8x2x8x128xf32, #tpu.memory_space<vmem>>) target(%dma_start3A_222 : memref<8x2x8x128xf32, #tpu.memory_space<hbm>>) target_semaphore(%arg10 : memref<!tpu.dma_semaphore, #tpu.memory_space<semaphore_mem>>)
      %lt3A_223 = arith.constant 7 : i32
      %lt3A_224 = arith.cmpi slt, %scan3A_165, %lt3A_223 : i32
      %convert_element_type3A_225 = arith.extui %lt3A_224 : i1 to i32
      %cond3A_226 = arith.constant 0 : i32
      %cond3A_227 = arith.cmpi ne, %convert_element_type3A_225, %cond3A_226 : i32
      scf.if %cond3A_227 {
        %add3A_304 = arith.constant 2 : i32
        %add3A_305 = arith.addi %add3A_169, %add3A_304 : i32
        %mul3A_306 = arith.constant 256 : i32
        %mul3A_307 = arith.muli %add3A_305, %mul3A_306 : i32
        %add3A_308 = arith.addi %mul3A_2, %mul3A_307 : i32
        %dma_start3A_309 = arith.constant 0 : i32
        %dma_start3A_310 = tpu.memref_slice %arg2[%add3A_308, %dma_start3A_309] : memref<131072x64xf32, #tpu.memory_space<hbm>> -> memref<256x64xf32, #tpu.memory_space<hbm>>
        %dma_start3A_311 = arith.constant 0 : i32
        %dma_start3A_312 = tpu.memref_slice %arg2[%add3A_308, %dma_start3A_311] : memref<131072x64xf32, #tpu.memory_space<hbm>> -> memref<256x64xf32, #tpu.memory_space<hbm>>
        tpu.enqueue_dma source(%dma_start3A_312 : memref<256x64xf32, #tpu.memory_space<hbm>>) target(%arg4 : memref<256x64xf32, #tpu.memory_space<vmem>>) target_semaphore(%arg8 : memref<!tpu.dma_semaphore, #tpu.memory_space<semaphore_mem>>)
      } else {
      }
      %mul3A_228 = arith.constant 2 : i32
      %mul3A_229 = arith.muli %mul3A_228, %scan3A_165 : i32
      %add3A_230 = arith.constant 1 : i32
      %add3A_231 = arith.addi %mul3A_229, %add3A_230 : i32
      %dma_wait3A_232 = arith.constant 0 : i32
      %dma_wait3A_233 = arith.constant 0 : i32
      %dma_wait3A_234 = tpu.memref_slice %arg2[%dma_wait3A_232, %dma_wait3A_233] : memref<131072x64xf32, #tpu.memory_space<hbm>> -> memref<256x64xf32, #tpu.memory_space<hbm>>
      %dma_wait3A_235 = arith.constant 0 : i32
      %dma_wait3A_236 = arith.constant 0 : i32
      %dma_wait3A_237 = tpu.memref_slice %arg2[%dma_wait3A_235, %dma_wait3A_236] : memref<131072x64xf32, #tpu.memory_space<hbm>> -> memref<256x64xf32, #tpu.memory_space<hbm>>
      tpu.wait_dma2 semaphore(%arg9 : memref<!tpu.dma_semaphore, #tpu.memory_space<semaphore_mem>>) src(%dma_wait3A_237 : memref<256x64xf32, #tpu.memory_space<hbm>>) dst(%arg5 : memref<256x64xf32, #tpu.memory_space<vmem>>)
      %gt3A_238 = arith.constant 0 : i32
      %gt3A_239 = arith.cmpi sgt, %scan3A_165, %gt3A_238 : i32
      %convert_element_type3A_240 = arith.extui %gt3A_239 : i1 to i32
      %cond3A_241 = arith.constant 0 : i32
      %cond3A_242 = arith.cmpi ne, %convert_element_type3A_240, %cond3A_241 : i32
      scf.if %cond3A_242 {
        %dma_wait3A_304 = arith.constant 0 : i32
        %dma_wait3A_305 = arith.constant 0 : i32
        %dma_wait3A_306 = arith.constant 0 : i32
        %dma_wait3A_307 = arith.constant 0 : i32
        %dma_wait3A_308 = tpu.memref_slice %arg3[%dma_wait3A_304, %dma_wait3A_305, %dma_wait3A_306, %dma_wait3A_307] : memref<512x16x8x128xf32, #tpu.memory_space<hbm>> -> memref<8x2x8x128xf32, #tpu.memory_space<hbm>>
        %dma_wait3A_309 = arith.constant 0 : i32
        %dma_wait3A_310 = arith.constant 0 : i32
        %dma_wait3A_311 = arith.constant 0 : i32
        %dma_wait3A_312 = arith.constant 0 : i32
        %dma_wait3A_313 = tpu.memref_slice %arg3[%dma_wait3A_309, %dma_wait3A_310, %dma_wait3A_311, %dma_wait3A_312] : memref<512x16x8x128xf32, #tpu.memory_space<hbm>> -> memref<8x2x8x128xf32, #tpu.memory_space<hbm>>
        tpu.wait_dma2 semaphore(%arg11 : memref<!tpu.dma_semaphore, #tpu.memory_space<semaphore_mem>>) src(%arg7 : memref<8x2x8x128xf32, #tpu.memory_space<vmem>>) dst(%dma_wait3A_313 : memref<8x2x8x128xf32, #tpu.memory_space<hbm>>)
      } else {
      }
      %parallel_loop3A_243 = arith.constant 0 : i32
      %parallel_loop3A_244 = arith.constant 64 : i32
      %parallel_loop3A_245 = arith.constant 1 : i32
      scf.for %parallel_loop3A_304 = %parallel_loop3A_243 to %parallel_loop3A_244 step %parallel_loop3A_245  : i32 {
        %parallel_loop3A_305 = vector.broadcast %parallel_loop3A_304 : i32 to vector<16xi32>
        %parallel_loop3A_306 = arith.addi %parallel_loop3A_305, %iota3A : vector<16xi32>
        %parallel_loop3A_307 = arith.constant 63 : i32
        %parallel_loop3A_308 = vector.broadcast %parallel_loop3A_307 : i32 to vector<16xi32>
        %parallel_loop3A_309 = arith.andi %parallel_loop3A_306, %parallel_loop3A_308 : vector<16xi32>
        %parallel_loop3A_310 = arith.constant 3 : i32
        %parallel_loop3A_311 = vector.broadcast %parallel_loop3A_310 : i32 to vector<16xi32>
        %parallel_loop3A_312 = arith.shrsi %parallel_loop3A_309, %parallel_loop3A_311 : vector<16xi32>
        %parallel_loop3A_313 = arith.constant 7 : i32
        %parallel_loop3A_314 = vector.broadcast %parallel_loop3A_313 : i32 to vector<16xi32>
        %parallel_loop3A_315 = arith.andi %parallel_loop3A_309, %parallel_loop3A_314 : vector<16xi32>
        %parallel_loop3A_316 = tpu.vector_load_idx %arg5[%add3A_5, %parallel_loop3A_309] : memref<256x64xf32, #tpu.memory_space<vmem>>[vector<16xi32>, vector<16xi32>], vector<16xf32>,
        tpu.vector_store_idx %arg7[%parallel_loop3A_312, %broadcast_in_dim3A_51, %parallel_loop3A_315, %add3A_84], %parallel_loop3A_316 : memref<8x2x8x128xf32, #tpu.memory_space<vmem>>[vector<16xi32>, vector<16xi32>, vector<16xi32>, vector<16xi32>], vector<16xf32>,
        %parallel_loop3A_317 = tpu.vector_load_idx %arg5[%add3A_8, %parallel_loop3A_309] : memref<256x64xf32, #tpu.memory_space<vmem>>[vector<16xi32>, vector<16xi32>], vector<16xf32>,
        tpu.vector_store_idx %arg7[%parallel_loop3A_312, %broadcast_in_dim3A_53, %parallel_loop3A_315, %add3A_87], %parallel_loop3A_317 : memref<8x2x8x128xf32, #tpu.memory_space<vmem>>[vector<16xi32>, vector<16xi32>, vector<16xi32>, vector<16xi32>], vector<16xf32>,
        %parallel_loop3A_318 = tpu.vector_load_idx %arg5[%add3A_11, %parallel_loop3A_309] : memref<256x64xf32, #tpu.memory_space<vmem>>[vector<16xi32>, vector<16xi32>], vector<16xf32>,
        tpu.vector_store_idx %arg7[%parallel_loop3A_312, %broadcast_in_dim3A_55, %parallel_loop3A_315, %add3A_90], %parallel_loop3A_318 : memref<8x2x8x128xf32, #tpu.memory_space<vmem>>[vector<16xi32>, vector<16xi32>, vector<16xi32>, vector<16xi32>], vector<16xf32>,
        %parallel_loop3A_319 = tpu.vector_load_idx %arg5[%add3A_14, %parallel_loop3A_309] : memref<256x64xf32, #tpu.memory_space<vmem>>[vector<16xi32>, vector<16xi32>], vector<16xf32>,
        tpu.vector_store_idx %arg7[%parallel_loop3A_312, %broadcast_in_dim3A_57, %parallel_loop3A_315, %add3A_93], %parallel_loop3A_319 : memref<8x2x8x128xf32, #tpu.memory_space<vmem>>[vector<16xi32>, vector<16xi32>, vector<16xi32>, vector<16xi32>], vector<16xf32>,
        %parallel_loop3A_320 = tpu.vector_load_idx %arg5[%add3A_17, %parallel_loop3A_309] : memref<256x64xf32, #tpu.memory_space<vmem>>[vector<16xi32>, vector<16xi32>], vector<16xf32>,
        tpu.vector_store_idx %arg7[%parallel_loop3A_312, %broadcast_in_dim3A_59, %parallel_loop3A_315, %add3A_96], %parallel_loop3A_320 : memref<8x2x8x128xf32, #tpu.memory_space<vmem>>[vector<16xi32>, vector<16xi32>, vector<16xi32>, vector<16xi32>], vector<16xf32>,
        %parallel_loop3A_321 = tpu.vector_load_idx %arg5[%add3A_20, %parallel_loop3A_309] : memref<256x64xf32, #tpu.memory_space<vmem>>[vector<16xi32>, vector<16xi32>], vector<16xf32>,
        tpu.vector_store_idx %arg7[%parallel_loop3A_312, %broadcast_in_dim3A_61, %parallel_loop3A_315, %add3A_99], %parallel_loop3A_321 : memref<8x2x8x128xf32, #tpu.memory_space<vmem>>[vector<16xi32>, vector<16xi32>, vector<16xi32>, vector<16xi32>], vector<16xf32>,
        %parallel_loop3A_322 = tpu.vector_load_idx %arg5[%add3A_23, %parallel_loop3A_309] : memref<256x64xf32, #tpu.memory_space<vmem>>[vector<16xi32>, vector<16xi32>], vector<16xf32>,
        tpu.vector_store_idx %arg7[%parallel_loop3A_312, %broadcast_in_dim3A_63, %parallel_loop3A_315, %add3A_102], %parallel_loop3A_322 : memref<8x2x8x128xf32, #tpu.memory_space<vmem>>[vector<16xi32>, vector<16xi32>, vector<16xi32>, vector<16xi32>], vector<16xf32>,
        %parallel_loop3A_323 = tpu.vector_load_idx %arg5[%add3A_26, %parallel_loop3A_309] : memref<256x64xf32, #tpu.memory_space<vmem>>[vector<16xi32>, vector<16xi32>], vector<16xf32>,
        tpu.vector_store_idx %arg7[%parallel_loop3A_312, %broadcast_in_dim3A_65, %parallel_loop3A_315, %add3A_105], %parallel_loop3A_323 : memref<8x2x8x128xf32, #tpu.memory_space<vmem>>[vector<16xi32>, vector<16xi32>, vector<16xi32>, vector<16xi32>], vector<16xf32>,
        %parallel_loop3A_324 = tpu.vector_load_idx %arg5[%add3A_29, %parallel_loop3A_309] : memref<256x64xf32, #tpu.memory_space<vmem>>[vector<16xi32>, vector<16xi32>], vector<16xf32>,
        tpu.vector_store_idx %arg7[%parallel_loop3A_312, %broadcast_in_dim3A_67, %parallel_loop3A_315, %add3A_108], %parallel_loop3A_324 : memref<8x2x8x128xf32, #tpu.memory_space<vmem>>[vector<16xi32>, vector<16xi32>, vector<16xi32>, vector<16xi32>], vector<16xf32>,
        %parallel_loop3A_325 = tpu.vector_load_idx %arg5[%add3A_32, %parallel_loop3A_309] : memref<256x64xf32, #tpu.memory_space<vmem>>[vector<16xi32>, vector<16xi32>], vector<16xf32>,
        tpu.vector_store_idx %arg7[%parallel_loop3A_312, %broadcast_in_dim3A_69, %parallel_loop3A_315, %add3A_111], %parallel_loop3A_325 : memref<8x2x8x128xf32, #tpu.memory_space<vmem>>[vector<16xi32>, vector<16xi32>, vector<16xi32>, vector<16xi32>], vector<16xf32>,
        %parallel_loop3A_326 = tpu.vector_load_idx %arg5[%add3A_35, %parallel_loop3A_309] : memref<256x64xf32, #tpu.memory_space<vmem>>[vector<16xi32>, vector<16xi32>], vector<16xf32>,
        tpu.vector_store_idx %arg7[%parallel_loop3A_312, %broadcast_in_dim3A_71, %parallel_loop3A_315, %add3A_114], %parallel_loop3A_326 : memref<8x2x8x128xf32, #tpu.memory_space<vmem>>[vector<16xi32>, vector<16xi32>, vector<16xi32>, vector<16xi32>], vector<16xf32>,
        %parallel_loop3A_327 = tpu.vector_load_idx %arg5[%add3A_38, %parallel_loop3A_309] : memref<256x64xf32, #tpu.memory_space<vmem>>[vector<16xi32>, vector<16xi32>], vector<16xf32>,
        tpu.vector_store_idx %arg7[%parallel_loop3A_312, %broadcast_in_dim3A_73, %parallel_loop3A_315, %add3A_117], %parallel_loop3A_327 : memref<8x2x8x128xf32, #tpu.memory_space<vmem>>[vector<16xi32>, vector<16xi32>, vector<16xi32>, vector<16xi32>], vector<16xf32>,
        %parallel_loop3A_328 = tpu.vector_load_idx %arg5[%add3A_41, %parallel_loop3A_309] : memref<256x64xf32, #tpu.memory_space<vmem>>[vector<16xi32>, vector<16xi32>], vector<16xf32>,
        tpu.vector_store_idx %arg7[%parallel_loop3A_312, %broadcast_in_dim3A_75, %parallel_loop3A_315, %add3A_120], %parallel_loop3A_328 : memref<8x2x8x128xf32, #tpu.memory_space<vmem>>[vector<16xi32>, vector<16xi32>, vector<16xi32>, vector<16xi32>], vector<16xf32>,
        %parallel_loop3A_329 = tpu.vector_load_idx %arg5[%add3A_44, %parallel_loop3A_309] : memref<256x64xf32, #tpu.memory_space<vmem>>[vector<16xi32>, vector<16xi32>], vector<16xf32>,
        tpu.vector_store_idx %arg7[%parallel_loop3A_312, %broadcast_in_dim3A_77, %parallel_loop3A_315, %add3A_123], %parallel_loop3A_329 : memref<8x2x8x128xf32, #tpu.memory_space<vmem>>[vector<16xi32>, vector<16xi32>, vector<16xi32>, vector<16xi32>], vector<16xf32>,
        %parallel_loop3A_330 = tpu.vector_load_idx %arg5[%add3A_47, %parallel_loop3A_309] : memref<256x64xf32, #tpu.memory_space<vmem>>[vector<16xi32>, vector<16xi32>], vector<16xf32>,
        tpu.vector_store_idx %arg7[%parallel_loop3A_312, %broadcast_in_dim3A_79, %parallel_loop3A_315, %add3A_126], %parallel_loop3A_330 : memref<8x2x8x128xf32, #tpu.memory_space<vmem>>[vector<16xi32>, vector<16xi32>, vector<16xi32>, vector<16xi32>], vector<16xf32>,
        %parallel_loop3A_331 = tpu.vector_load_idx %arg5[%add3A_50, %parallel_loop3A_309] : memref<256x64xf32, #tpu.memory_space<vmem>>[vector<16xi32>, vector<16xi32>], vector<16xf32>,
        tpu.vector_store_idx %arg7[%parallel_loop3A_312, %broadcast_in_dim3A_81, %parallel_loop3A_315, %add3A_129], %parallel_loop3A_331 : memref<8x2x8x128xf32, #tpu.memory_space<vmem>>[vector<16xi32>, vector<16xi32>, vector<16xi32>, vector<16xi32>], vector<16xf32>,
      } {sc.loop_unroll_factor = 2 : i64, sc.parallel_access}
      %mul3A_246 = arith.constant 2 : i32
      %mul3A_247 = arith.muli %mul3A_246, %add3A : i32
      %jit3A_248 = arith.constant 8 : i32
      %div3A_249 = arith.divsi %add3A_231, %jit3A_248 : i32
      %sign3A_250 = arith.constant 0 : i32
      %sign3A_251 = arith.cmpi sgt, %add3A_231, %sign3A_250 : i32
      %sign3A_252 = arith.extui %sign3A_251 : i1 to i32
      %sign3A_253 = arith.constant 0 : i32
      %sign3A_254 = arith.cmpi slt, %add3A_231, %sign3A_253 : i32
      %sign3A_255 = arith.extui %sign3A_254 : i1 to i32
      %sign3A_256 = arith.subi %sign3A_252, %sign3A_255 : i32
      %sign3A_257 = arith.constant 0 : i32
      %sign3A_258 = arith.cmpi sgt, %jit3A_248, %sign3A_257 : i32
      %sign3A_259 = arith.extui %sign3A_258 : i1 to i32
      %sign3A_260 = arith.constant 0 : i32
      %sign3A_261 = arith.cmpi slt, %jit3A_248, %sign3A_260 : i32
      %sign3A_262 = arith.extui %sign3A_261 : i1 to i32
      %sign3A_263 = arith.subi %sign3A_259, %sign3A_262 : i32
      %ne3A_264 = arith.cmpi ne, %sign3A_256, %sign3A_263 : i32
      %rem3A_265 = arith.remsi %add3A_231, %jit3A_248 : i32
      %ne3A_266 = arith.constant 0 : i32
      %ne3A_267 = arith.cmpi ne, %rem3A_265, %ne3A_266 : i32
      %and3A_268 = arith.andi %ne3A_264, %ne3A_267 : i1
      %sub3A_269 = arith.constant 1 : i32
      %sub3A_270 = arith.subi %div3A_249, %sub3A_269 : i32
      %select_n3A_271 = arith.select %and3A_268, %sub3A_270, %div3A_249 : i32
      %add3A_272 = arith.addi %mul3A_247, %select_n3A_271 : i32
      %jit3A_273 = arith.constant 8 : i32
      %eq3A_274 = arith.constant 0 : i32
      %eq3A_275 = arith.cmpi eq, %jit3A_273, %eq3A_274 : i32
      %jit3A_276 = arith.constant 1 : i32
      %select_n3A_277 = arith.select %eq3A_275, %jit3A_276, %jit3A_273 : i32
      %rem3A_278 = arith.remsi %add3A_231, %select_n3A_277 : i32
      %ne3A_279 = arith.constant 0 : i32
      %ne3A_280 = arith.cmpi ne, %rem3A_278, %ne3A_279 : i32
      %lt3A_281 = arith.constant 0 : i32
      %lt3A_282 = arith.cmpi slt, %rem3A_278, %lt3A_281 : i32
      %lt3A_283 = arith.constant 0 : i32
      %lt3A_284 = arith.cmpi slt, %select_n3A_277, %lt3A_283 : i32
      %ne3A_285 = arith.xori %lt3A_282, %lt3A_284 : i1
      %and3A_286 = arith.andi %ne3A_285, %ne3A_280 : i1
      %add3A_287 = arith.addi %rem3A_278, %select_n3A_277 : i32
      %select_n3A_288 = arith.select %and3A_286, %add3A_287, %rem3A_278 : i32
      %mul3A_289 = arith.constant 2 : i32
      %mul3A_290 = arith.muli %mul3A_289, %select_n3A_288 : i32
      %mul3A_291 = arith.constant 8 : i32
      %mul3A_292 = arith.muli %add3A_272, %mul3A_291 : i32
      %dma_start3A_293 = arith.constant 0 : i32
      %dma_start3A_294 = arith.constant 0 : i32
      %dma_start3A_295 = tpu.memref_slice %arg3[%mul3A_292, %mul3A_290, %dma_start3A_293, %dma_start3A_294] : memref<512x16x8x128xf32, #tpu.memory_space<hbm>> -> memref<8x2x8x128xf32, #tpu.memory_space<hbm>>
      %dma_start3A_296 = arith.constant 0 : i32
      %dma_start3A_297 = arith.constant 0 : i32
      %dma_start3A_298 = tpu.memref_slice %arg3[%mul3A_292, %mul3A_290, %dma_start3A_296, %dma_start3A_297] : memref<512x16x8x128xf32, #tpu.memory_space<hbm>> -> memref<8x2x8x128xf32, #tpu.memory_space<hbm>>
      tpu.enqueue_dma source(%arg7 : memref<8x2x8x128xf32, #tpu.memory_space<vmem>>) target(%dma_start3A_298 : memref<8x2x8x128xf32, #tpu.memory_space<hbm>>) target_semaphore(%arg11 : memref<!tpu.dma_semaphore, #tpu.memory_space<semaphore_mem>>)
      %lt3A_299 = arith.constant 7 : i32
      %lt3A_300 = arith.cmpi slt, %scan3A_165, %lt3A_299 : i32
      %convert_element_type3A_301 = arith.extui %lt3A_300 : i1 to i32
      %cond3A_302 = arith.constant 0 : i32
      %cond3A_303 = arith.cmpi ne, %convert_element_type3A_301, %cond3A_302 : i32
      scf.if %cond3A_303 {
        %add3A_304 = arith.constant 2 : i32
        %add3A_305 = arith.addi %add3A_231, %add3A_304 : i32
        %mul3A_306 = arith.constant 256 : i32
        %mul3A_307 = arith.muli %add3A_305, %mul3A_306 : i32
        %add3A_308 = arith.addi %mul3A_2, %mul3A_307 : i32
        %dma_start3A_309 = arith.constant 0 : i32
        %dma_start3A_310 = tpu.memref_slice %arg2[%add3A_308, %dma_start3A_309] : memref<131072x64xf32, #tpu.memory_space<hbm>> -> memref<256x64xf32, #tpu.memory_space<hbm>>
        %dma_start3A_311 = arith.constant 0 : i32
        %dma_start3A_312 = tpu.memref_slice %arg2[%add3A_308, %dma_start3A_311] : memref<131072x64xf32, #tpu.memory_space<hbm>> -> memref<256x64xf32, #tpu.memory_space<hbm>>
        tpu.enqueue_dma source(%dma_start3A_312 : memref<256x64xf32, #tpu.memory_space<hbm>>) target(%arg5 : memref<256x64xf32, #tpu.memory_space<vmem>>) target_semaphore(%arg9 : memref<!tpu.dma_semaphore, #tpu.memory_space<semaphore_mem>>)
      } else {
      }
    }
    %scan3A_145 = arith.constant 8 : i32
    %dma_wait3A = arith.constant 0 : i32
    %dma_wait3A_146 = arith.constant 0 : i32
    %dma_wait3A_147 = arith.constant 0 : i32
    %dma_wait3A_148 = arith.constant 0 : i32
    %dma_wait3A_149 = tpu.memref_slice %arg3[%dma_wait3A, %dma_wait3A_146, %dma_wait3A_147, %dma_wait3A_148] : memref<512x16x8x128xf32, #tpu.memory_space<hbm>> -> memref<8x2x8x128xf32, #tpu.memory_space<hbm>>
    %dma_wait3A_150 = arith.constant 0 : i32
    %dma_wait3A_151 = arith.constant 0 : i32
    %dma_wait3A_152 = arith.constant 0 : i32
    %dma_wait3A_153 = arith.constant 0 : i32
    %dma_wait3A_154 = tpu.memref_slice %arg3[%dma_wait3A_150, %dma_wait3A_151, %dma_wait3A_152, %dma_wait3A_153] : memref<512x16x8x128xf32, #tpu.memory_space<hbm>> -> memref<8x2x8x128xf32, #tpu.memory_space<hbm>>
    tpu.wait_dma2 semaphore(%arg10 : memref<!tpu.dma_semaphore, #tpu.memory_space<semaphore_mem>>) src(%arg6 : memref<8x2x8x128xf32, #tpu.memory_space<vmem>>) dst(%dma_wait3A_154 : memref<8x2x8x128xf32, #tpu.memory_space<hbm>>)
    %dma_wait3A_155 = arith.constant 0 : i32
    %dma_wait3A_156 = arith.constant 0 : i32
    %dma_wait3A_157 = arith.constant 0 : i32
    %dma_wait3A_158 = arith.constant 0 : i32
    %dma_wait3A_159 = tpu.memref_slice %arg3[%dma_wait3A_155, %dma_wait3A_156, %dma_wait3A_157, %dma_wait3A_158] : memref<512x16x8x128xf32, #tpu.memory_space<hbm>> -> memref<8x2x8x128xf32, #tpu.memory_space<hbm>>
    %dma_wait3A_160 = arith.constant 0 : i32
    %dma_wait3A_161 = arith.constant 0 : i32
    %dma_wait3A_162 = arith.constant 0 : i32
    %dma_wait3A_163 = arith.constant 0 : i32
    %dma_wait3A_164 = tpu.memref_slice %arg3[%dma_wait3A_160, %dma_wait3A_161, %dma_wait3A_162, %dma_wait3A_163] : memref<512x16x8x128xf32, #tpu.memory_space<hbm>> -> memref<8x2x8x128xf32, #tpu.memory_space<hbm>>
    tpu.wait_dma2 semaphore(%arg11 : memref<!tpu.dma_semaphore, #tpu.memory_space<semaphore_mem>>) src(%arg7 : memref<8x2x8x128xf32, #tpu.memory_space<vmem>>) dst(%dma_wait3A_164 : memref<8x2x8x128xf32, #tpu.memory_space<hbm>>)
    return
  }
}

</mosaic_0001>

<sc_bundles>
// kernel: kernel.4.cloned.1.call-start
scs
__scs_entry_jumppad:
0x0: {  	(pc) =	sbr.rel $0x88, $3  }
0x1: {  	(tag) =	ssettag $0x0;
	lr =	simm.s32 $0x1  }
0x2: {  	[smem:$0x3FA0] =	sst lr;
	_ =	strace $0xD0000000  }
0x3: {  	_ = 	snop  }
0x4: {  	_ = 	snop  }
0x5: {  	_ = 	snop  }
0x6: {  	_ = 	snop  }
0x7: {  	_ = 	snop  }
__scs_overlays_trampoline_lowered:
0x8: {  	[smem:$0x3FAF] =	sst s0  }
0x9: {  	[smem:$0x3FB0] =	sst s1  }
0xa: {  	[smem:$0x3FB1] =	sst s2  }
0xb: {  	[smem:$0x3FB2] =	sst s3  }
0xc: {  	[smem:$0x3FB3] =	sst s4  }
0xd: {  	[smem:$0x3FB4] =	sst s5  }
0xe: {  	[smem:$0x3FB5] =	sst s6  }
0xf: {  	[smem:$0x3FB6] =	sst s7  }
0x10: {  	[smem:$0x3FB7] =	sst s8  }
0x11: {  	[smem:$0x3FB8] =	sst s9;
	s0 =	simm.s32 @!p0 $0x0  }
0x12: {  	s1 =	sld [smem:$0x3F9E];
	s0 =	simm.s32 @p0 $0x1  }
0x13: {  	[smem:$0x3FB9] =	sst s0;
	s0 =	simm.s32 @!p1 $0x0  }
0x14: {  	s2 =	sld [smem:$0x3F9D];
	s0 =	simm.s32 @p1 $0x1  }
0x15: {  	[smem:$0x3FBA] =	sst s0;
	s0 =	simm.s32 @!p2 $0x0  }
0x16: {  	s3 =	sld [smem:$0x3FDB];
	s0 =	simm.s32 @p2 $0x1  }
0x17: {  	s4 =	simm.s32 $0x1BF5;
	[smem:$0x3FBC] =	sst s0  }
0x18: {  	s0 =	sld [smem:$0x3F9F];
	_ =	swait.ge [sflag:s4], $0x0  }
0x19: {  	s7 =	sld [smem:$0x3FA0]  }
0x1a: {  	s8 =	sadd.s32 $0xFFFFE003, lr  }
0x1b: {  	s9 =	sadd.s32 $0xFFFFFEF7, lr;
	s5 =	simm.s32 $0xFFFFFFFF;
	p2 =	slt.u32 s8, $0xFFFFF086  }
0x1c: {  	p1 =	slt.u32 s9, $0xF7A;
	s5 =	simm.s32 @!p2 $0x0  }
0x1d: {  	s5 =	simm.s32 @p1 $0x1;
	p0 =	seq.s32 s7, s2  }
0x1e: {  	s7 =	smul.u32 @!p0 $0xF7A, s2;
	p2 =	seq.s32 @!p0 s5, $0x0  }
0x1f: {  	s9 =	smul.u32 $0xF7A, s1;
	s8 =	simm.s32 @!p0 $0x1BF5;
	p2 =	por !p2, p0  }
0x20: {  	[sflag:s8] =	ssyncset.s32 @!p0 $0xFFFFF086;
	s6 =	sadd.s32 @!p0 s3, s7;
	s7 =	simm.s32 @!p0 $0x108  }
0x21: {  	s3 =	sadd.s32 s3, s9;
	s6 =	sadd.s32 @!p0 $0x88, s6;
	s7 =	simm.s32 @p2 $0x1082  }
0x22: {  	[simem:s7], [sflag:s8] =	dma.local @!p0 [hbm:s6], $0xF7A  }
0x23: {  	s9 =	sor.u32 $0xD0000000, s2;
	s6 =	simm.s32 $0x108;
	_ =	swait.ge @!p0 [sflag:s8], $0x0  }
0x24: {  	s3 =	sadd.s32 $0x88, s3;
	s6 =	simm.s32 @!p1 $0x1082;
	[sflag:s4] =	ssyncset.s32 $0xFFFFF086  }
0x25: {  	[simem:s6], [sflag:s4] =	dma.local [hbm:s3], $0xF7A  }
0x26: {  	[smem:$0x3FA0] =	sst s1;
	(tag) =	ssettag s2;
	_ =	strace s9  }
0x27: {  	s1 =	sld [smem:$0x3FB0]  }
0x28: {  	s2 =	sld [smem:$0x3FB1]  }
0x29: {  	s4 =	sld [smem:$0x3FB3]  }
0x2a: {  	p0 =	seq.s32 s5, $0x0;
	s5 =	sld [smem:$0x3FB4]  }
0x2b: {  	s6 =	sld [smem:$0x3FB5]  }
0x2c: {  	s7 =	sld [smem:$0x3FB6]  }
0x2d: {  	s3 =	simm.s32 $0x108;
	s8 =	sld [smem:$0x3FB7]  }
0x2e: {  	s3 =	simm.s32 @!p0 $0x1082;
	s9 =	sld [smem:$0x3FB8]  }
0x2f: {  	lr =	sadd.s32 s0, s3;
	s0 =	sld [smem:$0x3FAF]  }
0x30: {  	s3 =	sld [smem:$0x3FB2]  }
0x31: {  	[smem:$0x3FBB] =	sst s10  }
0x32: {  	s10 =	sld [smem:$0x3FB9];
	_ =	sdelay $0x3  }
0x33: {  	p0 =	seq.s32 s10, $0x1;
	s10 =	sld [smem:$0x3FBB];
	_ =	sdelay $0x3  }
0x34: {  	[smem:$0x3FBB] =	sst s10  }
0x35: {  	s10 =	sld [smem:$0x3FBA];
	_ =	sdelay $0x3  }
0x36: {  	p1 =	seq.s32 s10, $0x1;
	s10 =	sld [smem:$0x3FBB];
	_ =	sdelay $0x3  }
0x37: {  	[smem:$0x3FBB] =	sst s10  }
0x38: {  	s10 =	sld [smem:$0x3FBC]  }
0x39: {  	_ = 	snop;
	(pc) =	sbr.ind lr, $3  }
0x3a: {  	_ = 	snop  }
0x3b: {  	_ = 	snop  }
0x3c: {  	p2 =	seq.s32 s10, $0x1;
	s10 =	sld [smem:$0x3FBB]  }
0x3d: {  	_ =	shalt  }
0x3e: {  	_ =	shalt  }
0x3f: {  	_ =	shalt  }
0x40: {  	_ =	shalt  }
0x41: {  	_ =	shalt  }
0x42: {  	_ =	shalt  }
0x43: {  	_ =	shalt  }
0x44: {  	_ =	shalt  }
0x45: {  	_ =	shalt  }
0x46: {  	_ =	shalt  }
0x47: {  	_ =	shalt  }
0x48: {  	_ =	shalt  }
0x49: {  	_ =	shalt  }
0x4a: {  	_ =	shalt  }
0x4b: {  	_ =	shalt  }
0x4c: {  	_ =	shalt  }
0x4d: {  	_ =	shalt  }
0x4e: {  	_ =	shalt  }
0x4f: {  	_ =	shalt  }
0x50: {  	_ =	shalt  }
0x51: {  	_ =	shalt  }
0x52: {  	_ =	shalt  }
0x53: {  	_ =	shalt  }
0x54: {  	_ =	shalt  }
0x55: {  	_ =	shalt  }
0x56: {  	_ =	shalt  }
0x57: {  	_ =	shalt  }
0x58: {  	_ =	shalt  }
0x59: {  	_ =	shalt  }
0x5a: {  	_ =	shalt  }
0x5b: {  	_ =	shalt  }
0x5c: {  	_ =	shalt  }
0x5d: {  	_ =	shalt  }
0x5e: {  	_ =	shalt  }
0x5f: {  	_ =	shalt  }
0x60: {  	_ =	shalt  }
0x61: {  	_ =	shalt  }
0x62: {  	_ =	shalt  }
0x63: {  	_ =	shalt  }
0x64: {  	_ =	shalt  }
0x65: {  	_ =	shalt  }
0x66: {  	_ =	shalt  }
0x67: {  	_ =	shalt  }
0x68: {  	_ =	shalt  }
0x69: {  	_ =	shalt  }
0x6a: {  	_ =	shalt  }
0x6b: {  	_ =	shalt  }
0x6c: {  	_ =	shalt  }
0x6d: {  	_ =	shalt  }
0x6e: {  	_ =	shalt  }
0x6f: {  	_ =	shalt  }
0x70: {  	_ =	shalt  }
0x71: {  	_ =	shalt  }
0x72: {  	_ =	shalt  }
0x73: {  	_ =	shalt  }
0x74: {  	_ =	shalt  }
0x75: {  	_ =	shalt  }
0x76: {  	_ =	shalt  }
0x77: {  	_ =	shalt  }
0x78: {  	_ =	shalt  }
0x79: {  	_ =	shalt  }
0x7a: {  	_ =	shalt  }
0x7b: {  	_ =	shalt  }
0x7c: {  	_ =	shalt  }
0x7d: {  	_ =	shalt  }
0x7e: {  	_ =	shalt  }
0x7f: {  	_ =	shalt  }
0x80: {  	_ =	shalt  }
0x81: {  	_ =	shalt  }
0x82: {  	_ =	shalt  }
0x83: {  	_ =	shalt  }
0x84: {  	_ =	shalt  }
0x85: {  	_ =	shalt  }
0x86: {  	_ =	shalt  }
0x87: {  	_ =	shalt  }
.Lfunc_end0:
.L_simem_size_0:
called_computation_lowered:
.L_overlay_start_0:
0x88: {  	s2 =	sld [smem:$0x3FD9]  }
0x89: {  	s3 =	sld [smem:$0x3FFE];
	_ =	sdelay $0x1  }
0x8a: {  	s1 =	srdreg.scid  }
0x8b: {  	s0 =	sand.u32 $0x1, s1  }
0x8c: {  	s17 =	sshll.u32 s0, $0xA;
	s2 =	sadd.s32 s3, s2  }
0x8d: {  	s2 =	sadd.s32 s2, s17  }
0x8e: {  	[smem:$0x3FC7] =	sst s2  }
0x8f: {  	_ = 	snop  }
0x90: {  	s2 =	sld [smem:$0x3FC9]  }
0x91: {  	s18 =	sld [smem:$0x3FD0];
	(tm) =	ssettm $0x1  }
0x92: {  	s4 =	sld [smem:$0x3FFB];
	_ =	sdelay $0x3  }
0x93: {  	_ =	strace s4  }
0x94: {  	s4 =	sld [smem:$0x3FFC];
	_ =	sdelay $0x3  }
0x95: {  	_ =	strace s4  }
0x96: {  	s4 =	sld [smem:$0x3FFD];
	_ =	sdelay $0x3  }
0x97: {  	_ =	strace s4  }
0x98: {  	_ =	strace $0x8FFFFFFF  }
0x99: {  	s19 =	sld [smem:$0x3FDB];
	_ =	sdelay $0x1  }
0x9a: {  	s5 =	simm.s32 $_scs_section_size  }
0x9b: {  	s6 =	simm.s32 $_size__tile_overlayer_lowered;
	s7 =	simm.s32 $_tile_overlayer_lowered  }
0x9c: {  	s22 =	simm.s32 $0x1BFF;
	s21 =	sshll.u32 s7, $0x1;
	s4 =	sadd.s32 s5, s19  }
0x9d: {  	s8 =	simm.s32 $0x0;
	s20 =	sshll.u32 s6, $0x1;
	s6 =	sadd.s32 s21, s4  }
0x9e: {  	[timem:s8], [sflag:s22] =	dma.local [hbm:s6], s20  }
0x9f: {  	_ =	swait.ge [sflag:s22], s20  }
0xa0: {  	s5 =	ssub.s32 $0x0, s20;
	[sflag:s22] =	ssyncset.done $0x0  }
0xa1: {  	[sflag:s22] =	ssyncadd.s32 s5;
	_ =	sdelay $0x1  }
0xa2: {  	s23 =	simm.s32 $0x1B8B  }
0xa3: {  	_ =	swait.ge [sflag:s23], $0x1  }
0xa4: {  	[sflag:s23] =	ssyncset.done $0x0  }
0xa5: {  	s25 =	simm.s32 $0x1B8E;
	s24 =	sld [smem:$0x3FFE];
	[sflag:s23] =	ssyncadd.s32 $0xFFFFFFFF  }
0xa6: {  	s26 =	simm.s32 $execute0_lowered;
	[smem:$0x3FD2] =	sst s25  }
0xa7: {  	s6 =	sshll.u32 s26, $0x1;
	_ =	strace $0x80000046;
	[dreg:$0x1] =	wrdreg $0xFFFFFFFF  }
0xa8: {  	s28 =	simm.s32 $_size_execute0_lowered;
	s4 =	sadd.s32 s4, s6;
	[dreg:$0x0] =	wrdreg $0x0  }
0xa9: {  	s6 =	sshll.u32 s28, $0x1;
	[dreg:$0x2] =	wrdreg s4  }
0xaa: {  	[dreg:$0x3] =	wrdreg s6  }
0xab: {  	[dreg:$0x4] =	wrdreg $0xC0  }
0xac: {  	_ =	task [dreg:s8], $0x5FFFF  }
0xad: {  	[dreg:$0x1] =	wrdreg $0xFFFFFFFF  }
0xae: {  	[dreg:$0x0] =	wrdreg $0x60  }
0xaf: {  	[dreg:$0x2] =	wrdreg s2  }
0xb0: {  	[dreg:$0x3] =	wrdreg s18  }
0xb1: {  	[dreg:$0x4] =	wrdreg s24  }
0xb2: {  	[dreg:$0x5] =	wrdreg $0x9  }
0xb3: {  	_ =	task.clear_ibuf [dreg:s8], $0x6FFFF;
	_ =	strace $0x90000046  }
0xb4: {  	s29 =	simm.s32 $0x9;
	_ =	strace $0x80000048  }
0xb5: {  	_ =	swait.ge [sflag:s29], $0x1  }
0xb6: {  	[sflag:s29] =	ssyncadd.s32 $0xFFFFFFFF  }
0xb7: {  	_ =	strace $0x90000048  }
0xb8: {  	_ =	sfence  }
0xb9: {  	s30 =	sld [smem:$0x0];
	_ =	sdelay $0x2  }
0xba: {  	s31 =	sshll.u32 s1, $0xD;
	s1 =	sshrl.u32 s1, $0x2  }
0xbb: {  	s3 =	sand.u32 $0x4000, s31;
	s1 =	sadd.s32 s1, s30  }
0xbc: {  	s0 =	sor.u32 s3, s0;
	s1 =	sshll.u32 s1, $0x11  }
0xbd: {  	s0 =	sor.u32 s1, s0  }
0xbe: {  	s0 =	sadd.s32 $0x8F2B, s0  }
0xbf: {  	[sflag:s0] =	ssyncadd.remote.s32 $0x1  }
0xc0: {  	_ =	sfence.sel $0xFFFF  }
0xc1: {  	[dreg:$0x0] =	wrdreg $0xFFFFFFFF;
	(pc) =	sbr.abs _section_cstart, $3  }
0xc2: {  	[dreg:$0x1] =	wrdreg $0xFFFFFFFF  }
0xc3: {  	_ =	task.clear_ibuf [dreg:s8], $0x2FFFF;
	_ =	strace $0x9FFFFFFF  }
0xc4: {  	(tm) =	ssettm $0x7FFFFFFF  }
0xc5: {  	_ =	shalt  }
tec
execute0_lowered:
.L_overlay_start_1:
0x0: {  	(tag) =	ssettag $0x1  }
0x1: {  	s4 =	rddreg [dreg:$0x0]  }
0x2: {  	s6 =	rddreg [dreg:$0x1]  }
0x3: {  	s3 =	rddreg [dreg:$0x2];
	v5 =	vlaneseq.u32;
	s2 =	simm.s32 $0x0  }
0x4: {  	[smem:$0x7FF] =	sst s2;
	v0 =	vor.u32 $0x460, v5  }
0x5: {  	s0 =	rddreg [dreg:$0x3];
	v2 =	vor.u32 $0x470, v5;
	_ =	strace $0x80000047;
	[tilespmem:$0x1FF30] =	vst v0  }
0x6: {  	v24 =	vor.u32 $0x430, v5;
	[tilespmem:$0x1FF50] =	vst v2  }
0x7: {  	v25 =	vor.u32 $0x440, v5;
	[tilespmem:$0x1FF80] =	vst v24  }
0x8: {  	s5 =	srdreg.scid;
	s1 =	stileid.u32;
	v29 =	vor.u32 $0x420, v5;
	[tilespmem:$0x1FF90] =	vst v25  }
0x9: {  	s10 =	simm.s32 $0x1000;
	s11 =	simm.s32 $0x5000;
	s12 =	simm.s32 $0x5;
	v7 =	vmul.u32 $0x40, v5;
	v4 =	vor.u32 $0x410, v5;
	[tilespmem:$0x1FFB0] =	vst v29  }
0xa: {  	s13 =	simm.s32 $0x1;
	s14 =	simm.s32 $0x9000;
	s15 =	simm.s32 $0x100;
	v8 =	vor.u32 $0x10, v5;
	v10 =	vor.u32 $0x20, v5;
	v31 =	vor.u32 $0x450, v5;
	[tilespmem:$0x1FFE0] =	vst v4  }
0xb: {  	s16 =	simm.s32 $0x2;
	s17 =	simm.s32 $0x4;
	s18 =	simm.s32 $0xD000;
	v12 =	vor.u32 $0x30, v5;
	v14 =	vor.u32 $0x40, v5;
	[tilespmem:$0x1FFF0] =	vst v31;
	v1 =	vor.u32 $0x3800, v7  }
0xc: {  	s19 =	simm.s32 $0x3;
	s5 =	sand.u32 $0x1, s5;
	s7 =	sshll.u32 s1, $0x1;
	v16 =	vor.u32 $0x50, v5;
	v18 =	vor.u32 $0x60, v5;
	v3 =	vor.u32 $0x3C00, v7;
	[tilespmem:$0x1FF40] =	vst v1  }
.Ltmp0:
0xd: {  	s20 =	simm.s32 $0x0;
	v20 =	vor.u32 $0x70, v5;
	v22 =	vor.u32 $0x400, v5;
	s7 =	sor.u32 s5, s7;
	v26 =	vor.u32 $0x3400, v7;
	[tilespmem:$0x1FF60] =	vst v3;
	(pc) =	sbr.rel .LBB2_1-.Ltmp0, $4  }
0xe: {  	s3 =	sadd.s32 $0x800, s3;
	s5 =	ssub.s32 $0x2, s5;
	v9 =	vor.u32 $0x400, v7;
	v11 =	vor.u32 $0x800, v7;
	s8 =	sshll.u32 s7, $0xF;
	v27 =	vor.u32 $0x2C00, v7;
	[tilespmem:$0x1FF70] =	vst v26  }
0xf: {  	v13 =	vor.u32 $0xC00, v7;
	v15 =	vor.u32 $0x1000, v7;
	s9 =	sshrl.u32 s5, $0x1;
	s7 =	sshll.u32 s7, $0x9;
	v28 =	vor.u32 $0x2800, v7;
	s4 =	sadd.s32 s4, s8;
	[tilespmem:$0x1FFA0] =	vst v27  }
0x10: {  	v17 =	vor.u32 $0x1400, v7;
	v19 =	vor.u32 $0x1800, v7;
	v23 =	vor.u32 $0x2000, v7;
	s31 =	ssub.s32 s5, s9;
	s6 =	sadd.s32 s6, s7;
	s8 =	simm.s32 $0x800;
	[tilespmem:$0x1FFC0] =	vst v28  }
0x11: {  	v21 =	vor.u32 $0x1C00, v7;
	v6 =	vor.u32 $0x2400, v7;
	v30 =	vor.u32 $0x3000, v7;
	s9 =	simm.s32 $0x4000;
	[tilespmem:$0x1FFD0] =	vst v23;
	s5 =	sadd.s32 $0x100, s4;
	s7 =	smax.u32 s31, $0x1  }
.LBB2_12:
0x12: {  	s20 =	sadd.s32 $0x1, s20  }
0x13: {  	_ =	swait.ge [sflag:s19], $0x4000;
	p0 =	sne.s32 s20, s7  }
.Ltmp1:
0x14: {  	[sflag:s19] =	ssyncset.done $0x0;
	(pc) =	sbr.rel @!p0 .LBB2_13-.Ltmp1, $4  }
0x15: {  	[sflag:s19] =	ssyncadd.s32 $0xFFFFC000  }
0x16: {  	_ =	swait.ge [sflag:s17], $0x4000  }
0x17: {  	v5 =	vlaneseq.u32;
	v6 =	vmov v54;
	v24 =	vmov v55;
	[sflag:s17] =	ssyncset.done $0x0  }
0x18: {  	v27 =	vmovc v56;
	v25 =	vmovc v57;
	v30 =	vmov v58;
	v31 =	vmov v59;
	v26 =	vmov v60;
	v23 =	vld [tilespmem:$0x1FFD0];
	[sflag:s17] =	ssyncadd.s32 $0xFFFFC000  }
.LBB2_1:
0x19: {  	[tilespmem:s10], [sflag:$0x1] =	stream.strided.gather [hbm4b:s4+s8], $0x4000, s9, s8, $0x38;
	[tilespmem:$0x11000] =	vst v63  }
0x1a: {  	_ = 	snop  }
0x1b: {  	[tilespmem:s11], [sflag:$0x2] =	stream.strided.gather [hbm4b:s5+s8], $0x4000, s9, s8, $0x38;
	[tilespmem:$0x11000] =	vst v63  }
0x1c: {  	_ = 	snop  }
0x1d: {  	[tilespmem:s2], [sflag:$0x5] =	stream.linear.gather [hbm4b:s6+s2], $0x1000, $0x38;
	[tilespmem:$0x11000] =	vst v63  }
0x1e: {  	_ =	swait.ge [sflag:s12], $0x1000  }
0x1f: {  	[sflag:s12] =	ssyncset.done $0x0  }
0x20: {  	s21 =	simm.s32 $0x0;
	[sflag:s12] =	ssyncadd.s32 $0xFFFFF000  }
.LBB2_2:
0x21: {  	s22 =	simm.s32 $0x0;
	s25 =	simm.s32 $0x1  }
0x22: {  	v32 =	vadd.s32 s22, v5;
	v35 =	vadd.s32 s25, v5  }
0x23: {  	v33 =	vshll.u32 v32, $0x8;
	v34 =	vshll.u32 v32, $0x7;
	v36 =	vshll.u32 v35, $0x8  }
0x24: {  	v37 =	vshll.u32 v35, $0x7;
	v33 =	vand.u32 $0x3800, v33;
	v34 =	vand.u32 $0x380, v34  }
0x25: {  	_ =	swait.ge [sflag:s13], $0x4000;
	v43 =	vand.u32 $0x3800, v36;
	v44 =	vand.u32 $0x380, v37;
	v45 =	vor.u32 v34, v33  }
0x26: {  	p0 =	seq.s32 s21, $0x0;
	[sflag:s13] =	ssyncset.done $0x0;
	v38 =	vor.u32 v44, v43;
	v46 =	vor.u32 v5, v45  }
0x27: {  	s22 =	simm.s32 @!p0 $0x3;
	[sflag:s13] =	ssyncadd.s32 $0xFFFFC000;
	v33 =	vor.u32 v5, v38  }
0x28: {  	_ =	swait.ge @!p0 [sflag:s22], $0x4000  }
0x29: {  	[sflag:s22] =	ssyncset.done @!p0 $0x0  }
0x2a: {  	v42 =	vand.u32 $0x3F, v32;
	[sflag:s22] =	ssyncadd.s32 @!p0 $0xFFFFC000  }
0x2b: {  	v48 =	vor.u32 v7, v42;
	v37 =	vand.u32 $0x3F, v35;
	v47 =	vld.idx.msk [tilespmem:v46+s10+$0x0], $0xffff  }
0x2c: {  	v50 =	vor.u32 v7, v37;
	v49 =	vor.u32 v8, v45;
	v33 =	vld.idx.msk [tilespmem:v33+s10+$0x0], $0xffff  }
0x2d: {  	v39 =	vor.u32 v8, v38;
	_ =	sdelay $0x2  }
0x2e: {  	[tilespmem:v48+s14+$0x0] =	vst.idx.msk $0xffff, v47  }
0x2f: {  	v51 =	vor.u32 v9, v42;
	[tilespmem:v50+s14+$0x0] =	vst.idx.msk $0xffff, v33;
	v32 =	vld.idx.msk [tilespmem:v49+s10+$0x0], $0xffff  }
0x30: {  	v54 =	vor.u32 v9, v37;
	v52 =	vor.u32 v10, v45;
	v53 =	vld.idx.msk [tilespmem:v39+s10+$0x0], $0xffff  }
0x31: {  	v55 =	vor.u32 v10, v38;
	_ =	sdelay $0x2  }
0x32: {  	[tilespmem:v51+s14+$0x0] =	vst.idx.msk $0xffff, v32  }
0x33: {  	v56 =	vor.u32 v11, v42;
	[tilespmem:v54+s14+$0x0] =	vst.idx.msk $0xffff, v53;
	v32 =	vld.idx.msk [tilespmem:v52+s10+$0x0], $0xffff  }
0x34: {  	s26 =	simm.s32 $0x2;
	v58 =	vor.u32 v11, v37;
	v57 =	vor.u32 v12, v45;
	v35 =	vld.idx.msk [tilespmem:v55+s10+$0x0], $0xffff  }
0x35: {  	v61 =	vadd.s32 s26, v5;
	v59 =	vor.u32 v12, v38  }
0x36: {  	v63 =	vshll.u32 v61, $0x8;
	v41 =	vshll.u32 v61, $0x7  }
0x37: {  	v41 =	vand.u32 $0x380, v41;
	v33 =	vand.u32 $0x3800, v63  }
0x38: {  	v33 =	vor.u32 v41, v33;
	[tilespmem:v56+s14+$0x0] =	vst.idx.msk $0xffff, v32  }
0x39: {  	s28 =	simm.s32 $0x3;
	v60 =	vor.u32 v13, v42;
	v41 =	vor.u32 v5, v33;
	[tilespmem:v58+s14+$0x0] =	vst.idx.msk $0xffff, v35;
	v32 =	vld.idx.msk [tilespmem:v57+s10+$0x0], $0xffff  }
0x3a: {  	v40 =	vor.u32 v13, v37;
	v44 =	vadd.s32 s28, v5;
	v62 =	vor.u32 v14, v45;
	v39 =	vld.idx.msk [tilespmem:v59+s10+$0x0], $0xffff  }
0x3b: {  	v43 =	vor.u32 v14, v38;
	v1 =	vshll.u32 v44, $0x8;
	v47 =	vshll.u32 v44, $0x7  }
0x3c: {  	v34 =	vand.u32 $0x3800, v1;
	v52 =	vand.u32 $0x380, v47  }
0x3d: {  	v34 =	vor.u32 v52, v34;
	v35 =	vand.u32 $0x3F, v61  }
0x3e: {  	v41 =	vld.idx.msk [tilespmem:v41+s10+$0x0], $0xffff;
	v54 =	vor.u32 v5, v34;
	v48 =	vor.u32 v7, v35;
	[tilespmem:v60+s14+$0x0] =	vst.idx.msk $0xffff, v32  }
0x3f: {  	v0 =	vor.u32 v15, v42;
	v49 =	vor.u32 v8, v33;
	[tilespmem:v40+s14+$0x0] =	vst.idx.msk $0xffff, v39;
	v36 =	vld.idx.msk [tilespmem:v62+s10+$0x0], $0xffff  }
0x40: {  	v2 =	vor.u32 v15, v37;
	v46 =	vor.u32 v16, v45;
	v39 =	vld.idx.msk [tilespmem:v43+s10+$0x0], $0xffff  }
0x41: {  	v53 =	vor.u32 v16, v38  }
0x42: {  	v32 =	vand.u32 $0x3F, v44  }
0x43: {  	v58 =	vld.idx.msk [tilespmem:v54+s10+$0x0], $0xffff;
	[tilespmem:v48+s14+$0x0] =	vst.idx.msk $0xffff, v41;
	v59 =	vor.u32 v7, v32  }
0x44: {  	v61 =	vor.u32 v9, v35;
	v48 =	vld.idx.msk [tilespmem:v49+s10+$0x0], $0xffff;
	[tilespmem:v0+s14+$0x0] =	vst.idx.msk $0xffff, v36  }
0x45: {  	v55 =	vor.u32 v17, v42;
	v60 =	vor.u32 v8, v34;
	[tilespmem:v2+s14+$0x0] =	vst.idx.msk $0xffff, v39;
	v46 =	vld.idx.msk [tilespmem:v46+s10+$0x0], $0xffff  }
0x46: {  	v51 =	vor.u32 v10, v33;
	v57 =	vor.u32 v17, v37;
	v40 =	vld.idx.msk [tilespmem:v53+s10+$0x0], $0xffff  }
0x47: {  	v56 =	vor.u32 v18, v45  }
0x48: {  	v50 =	vor.u32 v18, v38;
	[tilespmem:v59+s14+$0x0] =	vst.idx.msk $0xffff, v58  }
0x49: {  	[tilespmem:v61+s14+$0x0] =	vst.idx.msk $0xffff, v48  }
0x4a: {  	v1 =	vor.u32 v9, v32;
	v41 =	vld.idx.msk [tilespmem:v60+s10+$0x0], $0xffff;
	[tilespmem:v55+s14+$0x0] =	vst.idx.msk $0xffff, v46  }
0x4b: {  	v58 =	vor.u32 v11, v35;
	[tilespmem:v57+s14+$0x0] =	vst.idx.msk $0xffff, v40;
	v57 =	vld.idx.msk [tilespmem:v51+s10+$0x0], $0xffff  }
0x4c: {  	v62 =	vor.u32 v19, v42;
	v36 =	vld.idx.msk [tilespmem:v56+s10+$0x0], $0xffff;
	v56 =	vor.u32 v10, v34  }
0x4d: {  	v63 =	vor.u32 v20, v45;
	v0 =	vor.u32 v19, v37;
	v43 =	vld.idx.msk [tilespmem:v50+s10+$0x0], $0xffff  }
0x4e: {  	v2 =	vor.u32 v20, v38  }
0x4f: {  	s29 =	simm.s32 $0x4;
	v53 =	vor.u32 v12, v33;
	[tilespmem:v1+s14+$0x0] =	vst.idx.msk $0xffff, v41  }
0x50: {  	v49 =	vadd.s32 s29, v5;
	[tilespmem:v58+s14+$0x0] =	vst.idx.msk $0xffff, v57  }
0x51: {  	v52 =	vshll.u32 v49, $0x8;
	v59 =	vshll.u32 v49, $0x7;
	v1 =	vor.u32 v11, v32;
	[tilespmem:v62+s14+$0x0] =	vst.idx.msk $0xffff, v36;
	v46 =	vld.idx.msk [tilespmem:v56+s10+$0x0], $0xffff  }
0x52: {  	v61 =	vor.u32 v21, v42;
	v57 =	vor.u32 v12, v34;
	[tilespmem:v0+s14+$0x0] =	vst.idx.msk $0xffff, v43;
	v40 =	vld.idx.msk [tilespmem:v63+s10+$0x0], $0xffff  }
0x53: {  	v60 =	vand.u32 $0x3800, v52;
	v62 =	vor.u32 v22, v45;
	v0 =	vor.u32 v21, v37;
	v63 =	vld.idx.msk [tilespmem:v2+s10+$0x0], $0xffff  }
0x54: {  	v36 =	vand.u32 $0x380, v59;
	v50 =	vld.idx.msk [tilespmem:v53+s10+$0x0], $0xffff;
	v59 =	vor.u32 v13, v35;
	v2 =	vor.u32 v22, v38  }
0x55: {  	v54 =	vor.u32 v14, v33;
	v36 =	vor.u32 v36, v60  }
0x56: {  	v58 =	vor.u32 v5, v36;
	[tilespmem:v1+s14+$0x0] =	vst.idx.msk $0xffff, v46  }
0x57: {  	v48 =	vor.u32 v13, v32;
	[tilespmem:v61+s14+$0x0] =	vst.idx.msk $0xffff, v40;
	v47 =	vld.idx.msk [tilespmem:v57+s10+$0x0], $0xffff  }
0x58: {  	v60 =	vor.u32 v23, v42;
	[tilespmem:v0+s14+$0x0] =	vst.idx.msk $0xffff, v63;
	v0 =	vor.u32 v14, v34;
	v40 =	vld.idx.msk [tilespmem:v62+s10+$0x0], $0xffff  }
0x59: {  	[tilespmem:v59+s14+$0x0] =	vst.idx.msk $0xffff, v50;
	v61 =	vor.u32 v4, v45;
	v44 =	vld.idx.msk [tilespmem:v2+s10+$0x0], $0xffff;
	v62 =	vor.u32 v23, v37  }
0x5a: {  	v39 =	vand.u32 $0x3F, v49;
	v63 =	vor.u32 v4, v38;
	v53 =	vld.idx.msk [tilespmem:v54+s10+$0x0], $0xffff  }
0x5b: {  	s30 =	simm.s32 $0x5;
	v56 =	vor.u32 v16, v33;
	v55 =	vor.u32 v8, v36;
	v1 =	vor.u32 v7, v39;
	v49 =	vld.idx.msk [tilespmem:v58+s10+$0x0], $0xffff  }
0x5c: {  	v57 =	vadd.s32 s30, v5;
	v2 =	vor.u32 v15, v35;
	v58 =	vor.u32 v29, v45;
	[tilespmem:v48+s14+$0x0] =	vst.idx.msk $0xffff, v47  }
0x5d: {  	v47 =	vor.u32 v15, v32;
	[tilespmem:v60+s14+$0x0] =	vst.idx.msk $0xffff, v40;
	v60 =	vor.u32 v6, v42;
	v50 =	vld.idx.msk [tilespmem:v0+s10+$0x0], $0xffff  }
0x5e: {  	[tilespmem:v62+s14+$0x0] =	vst.idx.msk $0xffff, v44;
	v62 =	vshll.u32 v57, $0x7;
	v0 =	vor.u32 v16, v34;
	v41 =	vld.idx.msk [tilespmem:v61+s10+$0x0], $0xffff;
	v61 =	vshll.u32 v57, $0x8  }
0x5f: {  	v46 =	vld.idx.msk [tilespmem:v63+s10+$0x0], $0xffff;
	v63 =	vor.u32 v6, v37;
	v44 =	vand.u32 $0x380, v62;
	v40 =	vand.u32 $0x3800, v61  }
0x60: {  	v52 =	vor.u32 v29, v38;
	[tilespmem:v1+s14+$0x0] =	vst.idx.msk $0xffff, v49;
	v40 =	vor.u32 v44, v40  }
0x61: {  	v51 =	vor.u32 v9, v39;
	[tilespmem:v2+s14+$0x0] =	vst.idx.msk $0xffff, v53;
	v49 =	vld.idx.msk [tilespmem:v55+s10+$0x0], $0xffff;
	v1 =	vor.u32 v5, v40  }
0x62: {  	v59 =	vor.u32 v11, v39;
	v54 =	vor.u32 v17, v35;
	v2 =	vld.idx.msk [tilespmem:v56+s10+$0x0], $0xffff;
	[tilespmem:v47+s14+$0x0] =	vst.idx.msk $0xffff, v50  }
0x63: {  	[tilespmem:v60+s14+$0x0] =	vst.idx.msk $0xffff, v41;
	v60 =	vor.u32 v10, v36;
	v44 =	vld.idx.msk [tilespmem:v0+s10+$0x0], $0xffff;
	v0 =	vor.u32 v17, v32  }
0x64: {  	v62 =	vor.u32 v28, v42;
	[tilespmem:v63+s14+$0x0] =	vst.idx.msk $0xffff, v46;
	v63 =	vor.u32 v18, v33;
	v61 =	vld.idx.msk [tilespmem:v58+s10+$0x0], $0xffff  }
0x65: {  	v48 =	vor.u32 v24, v45;
	v50 =	vor.u32 v28, v37;
	v41 =	vand.u32 $0x3F, v57;
	v47 =	vld.idx.msk [tilespmem:v52+s10+$0x0], $0xffff  }
0x66: {  	s31 =	simm.s32 $0x6;
	v57 =	vor.u32 v24, v38;
	[tilespmem:v51+s14+$0x0] =	vst.idx.msk $0xffff, v49;
	v51 =	vor.u32 v7, v41;
	v49 =	vld.idx.msk [tilespmem:v1+s10+$0x0], $0xffff  }
0x67: {  	v55 =	vor.u32 v8, v40;
	[tilespmem:v54+s14+$0x0] =	vst.idx.msk $0xffff, v2;
	v54 =	vadd.s32 s31, v5;
	v1 =	vor.u32 v18, v34  }
0x68: {  	v58 =	vshll.u32 v54, $0x7;
	v52 =	vor.u32 v27, v37;
	v43 =	vld.idx.msk [tilespmem:v60+s10+$0x0], $0xffff;
	[tilespmem:v0+s14+$0x0] =	vst.idx.msk $0xffff, v44  }
0x69: {  	v46 =	vld.idx.msk [tilespmem:v63+s10+$0x0], $0xffff;
	v60 =	vor.u32 v12, v36;
	[tilespmem:v62+s14+$0x0] =	vst.idx.msk $0xffff, v61;
	v61 =	vor.u32 v19, v35  }
0x6a: {  	v0 =	vor.u32 v27, v42;
	[tilespmem:v50+s14+$0x0] =	vst.idx.msk $0xffff, v47;
	v47 =	vor.u32 v20, v33;
	v48 =	vld.idx.msk [tilespmem:v48+s10+$0x0], $0xffff  }
0x6b: {  	v2 =	vshll.u32 v54, $0x8;
	v58 =	vand.u32 $0x380, v58;
	v50 =	vld.idx.msk [tilespmem:v57+s10+$0x0], $0xffff;
	[tilespmem:v51+s14+$0x0] =	vst.idx.msk $0xffff, v49;
	v51 =	vor.u32 v25, v45  }
0x6c: {  	v57 =	vor.u32 v25, v38;
	v49 =	vld.idx.msk [tilespmem:v1+s10+$0x0], $0xffff;
	v1 =	vand.u32 $0x3800, v2;
	v2 =	vor.u32 v19, v32  }
0x6d: {  	v62 =	vor.u32 v20, v34;
	v55 =	vld.idx.msk [tilespmem:v55+s10+$0x0], $0xffff;
	[tilespmem:v59+s14+$0x0] =	vst.idx.msk $0xffff, v43;
	v59 =	vor.u32 v9, v41  }
0x6e: {  	v53 =	vor.u32 v10, v40;
	v43 =	vor.u32 v58, v1;
	[tilespmem:v61+s14+$0x0] =	vst.idx.msk $0xffff, v46;
	v46 =	vld.idx.msk [tilespmem:v60+s10+$0x0], $0xffff  }
0x6f: {  	v58 =	vor.u32 v5, v43;
	v60 =	vor.u32 v13, v39;
	[tilespmem:v0+s14+$0x0] =	vst.idx.msk $0xffff, v48;
	v47 =	vld.idx.msk [tilespmem:v47+s10+$0x0], $0xffff  }
0x70: {  	v48 =	vor.u32 v14, v36;
	v0 =	vor.u32 v21, v35;
	[tilespmem:v52+s14+$0x0] =	vst.idx.msk $0xffff, v50;
	v1 =	vld.idx.msk [tilespmem:v51+s10+$0x0], $0xffff  }
0x71: {  	v51 =	vor.u32 v22, v33;
	[tilespmem:v2+s14+$0x0] =	vst.idx.msk $0xffff, v49;
	v2 =	vor.u32 v30, v42;
	v63 =	vld.idx.msk [tilespmem:v57+s10+$0x0], $0xffff  }
0x72: {  	v56 =	vor.u32 v30, v37;
	v57 =	vld.idx.msk [tilespmem:v62+s10+$0x0], $0xffff;
	[tilespmem:v59+s14+$0x0] =	vst.idx.msk $0xffff, v55  }
0x73: {  	v44 =	vand.u32 $0x3F, v54;
	v54 =	vor.u32 v21, v32;
	v55 =	vor.u32 v31, v45;
	v53 =	vld.idx.msk [tilespmem:v53+s10+$0x0], $0xffff  }
0x74: {  	v59 =	vor.u32 v31, v38;
	[tilespmem:v60+s14+$0x0] =	vst.idx.msk $0xffff, v46;
	v46 =	vor.u32 v11, v41;
	v58 =	vld.idx.msk [tilespmem:v58+s10+$0x0], $0xffff  }
0x75: {  	[tilespmem:v0+s14+$0x0] =	vst.idx.msk $0xffff, v47;
	v48 =	vld.idx.msk [tilespmem:v48+s10+$0x0], $0xffff  }
0x76: {  	[tilespmem:v2+s14+$0x0] =	vst.idx.msk $0xffff, v1;
	v24 =	vld.idx.msk [tilespmem:v51+s10+$0x0], $0xffff  }
0x77: {  	v62 =	vor.u32 v7, v44;
	v0 =	vld [tilespmem:$0x1FF40];
	[tilespmem:v56+s14+$0x0] =	vst.idx.msk $0xffff, v63  }
0x78: {  	v61 =	vor.u32 v15, v39;
	v60 =	vor.u32 v22, v34;
	[tilespmem:v54+s14+$0x0] =	vst.idx.msk $0xffff, v57;
	v55 =	vld.idx.msk [tilespmem:v55+s10+$0x0], $0xffff  }
0x79: {  	v51 =	vor.u32 v23, v35;
	v2 =	vld.idx.msk [tilespmem:v59+s10+$0x0], $0xffff;
	[tilespmem:v46+s14+$0x0] =	vst.idx.msk $0xffff, v53  }
0x7a: {  	v52 =	vor.u32 v12, v40;
	v54 =	vor.u32 v26, v42;
	v59 =	vld [tilespmem:$0x1FF30];
	_ =	sdelay $0x1  }
0x7b: {  	v50 =	vor.u32 v8, v43;
	v63 =	vor.u32 v26, v37;
	[tilespmem:v62+s14+$0x0] =	vst.idx.msk $0xffff, v58  }
0x7c: {  	v3 =	vor.u32 v23, v32;
	v49 =	vor.u32 v4, v33;
	v1 =	vld.idx.msk [tilespmem:v60+s10+$0x0], $0xffff;
	[tilespmem:v61+s14+$0x0] =	vst.idx.msk $0xffff, v48  }
0x7d: {  	[tilespmem:v51+s14+$0x0] =	vst.idx.msk $0xffff, v24  }
0x7e: {  	v57 =	vld.idx.msk [tilespmem:v52+s10+$0x0], $0xffff;
	[tilespmem:v54+s14+$0x0] =	vst.idx.msk $0xffff, v55;
	v46 =	vor.u32 v59, v45  }
0x7f: {  	v47 =	vor.u32 v0, v42;
	v25 =	vld [tilespmem:$0x1FF50];
	v0 =	vor.u32 v59, v38  }
0x80: {  	v60 =	vld.idx.msk [tilespmem:v50+s10+$0x0], $0xffff;
	[tilespmem:v63+s14+$0x0] =	vst.idx.msk $0xffff, v2  }
0x81: {  	v56 =	vor.u32 v16, v36;
	v53 =	vld.idx.msk [tilespmem:v49+s10+$0x0], $0xffff;
	[tilespmem:v3+s14+$0x0] =	vst.idx.msk $0xffff, v1  }
0x82: {  	s23 =	simm.s32 $0x7;
	v58 =	vor.u32 v13, v41;
	v52 =	vor.u32 v4, v34;
	v62 =	vor.u32 v9, v44;
	v24 =	vld [tilespmem:$0x1FF60]  }
0x83: {  	v27 =	vmovc v4;
	v61 =	vadd.s32 s23, v5;
	v50 =	vor.u32 v6, v35;
	v49 =	vor.u32 v29, v33;
	v54 =	vld.idx.msk [tilespmem:v46+s10+$0x0], $0xffff  }
0x84: {  	s22 =	sshll.u32 s21, $0x1;
	s23 =	simm.s32 $0x8;
	v55 =	vor.u32 v17, v39;
	v59 =	vor.u32 v14, v40;
	v48 =	vor.u32 v25, v45;
	v51 =	vld.idx.msk [tilespmem:v0+s10+$0x0], $0xffff  }
.LBB2_3:
0x85: {  	v2 =	vld [tilespmem:$0x1FF40];
	_ =	sdelay $0x4  }
0x86: {  	[tilespmem:v58+s14+$0x0] =	vst.idx.msk $0xffff, v57;
	v57 =	vor.u32 v2, v37  }
0x87: {  	v45 =	vmovc v36;
	v36 =	vmov v43;
	v46 =	vmov v44;
	v58 =	vor.u32 v6, v32;
	v52 =	vld.idx.msk [tilespmem:v52+s10+$0x0], $0xffff  }
0x88: {  	v44 =	vor.u32 v15, v41;
	v43 =	vld.idx.msk [tilespmem:v59+s10+$0x0], $0xffff;
	v59 =	vor.u32 v25, v38;
	[tilespmem:v62+s14+$0x0] =	vst.idx.msk $0xffff, v60  }
0x89: {  	v63 =	vshll.u32 v61, $0x8;
	v0 =	vshll.u32 v61, $0x7;
	v60 =	vor.u32 v29, v34;
	v56 =	vld.idx.msk [tilespmem:v56+s10+$0x0], $0xffff;
	[tilespmem:v50+s14+$0x0] =	vst.idx.msk $0xffff, v53  }
0x8a: {  	v1 =	vand.u32 $0x3800, v63;
	v0 =	vand.u32 $0x380, v0;
	v49 =	vld.idx.msk [tilespmem:v49+s10+$0x0], $0xffff;
	[tilespmem:v47+s14+$0x0] =	vst.idx.msk $0xffff, v54  }
0x8b: {  	v38 =	vmov v34;
	v0 =	vor.u32 v0, v1;
	v1 =	vld [tilespmem:$0x1FF90];
	[tilespmem:v57+s14+$0x0] =	vst.idx.msk $0xffff, v51  }
0x8c: {  	v62 =	vor.u32 v16, v40;
	v63 =	vor.u32 v5, v0;
	v47 =	vld.idx.msk [tilespmem:v48+s10+$0x0], $0xffff;
	[tilespmem:v58+s14+$0x0] =	vst.idx.msk $0xffff, v52  }
0x8d: {  	v34 =	vmov v40;
	v40 =	vmov v0;
	v0 =	vor.u32 v28, v35;
	v51 =	vld.idx.msk [tilespmem:v59+s10+$0x0], $0xffff;
	[tilespmem:v44+s14+$0x0] =	vst.idx.msk $0xffff, v43  }
0x8e: {  	v48 =	vor.u32 v10, v36;
	v43 =	vld.idx.msk [tilespmem:v60+s10+$0x0], $0xffff  }
0x8f: {  	v60 =	vld [tilespmem:$0x1FF80];
	_ =	sdelay $0x1  }
0x90: {  	v42 =	vor.u32 v24, v42;
	[tilespmem:v55+s14+$0x0] =	vst.idx.msk $0xffff, v56  }
0x91: {  	v3 =	vld [tilespmem:$0x1FFA0];
	[tilespmem:v0+s14+$0x0] =	vst.idx.msk $0xffff, v49;
	v44 =	vor.u32 v24, v37  }
0x92: {  	v55 =	vor.u32 v28, v32;
	v56 =	vand.u32 $0x3F, v61;
	v48 =	vld.idx.msk [tilespmem:v48+s10+$0x0], $0xffff;
	v52 =	vor.u32 v18, v45  }
0x93: {  	v61 =	vor.u32 v1, v38;
	v57 =	vor.u32 v17, v41;
	v53 =	vld.idx.msk [tilespmem:v62+s10+$0x0], $0xffff;
	v54 =	vor.u32 v60, v33  }
0x94: {  	v0 =	vadd.s32 s23, v5;
	v59 =	vor.u32 v7, v56;
	v50 =	vld.idx.msk [tilespmem:v63+s10+$0x0], $0xffff;
	v58 =	vor.u32 v60, v38  }
0x95: {  	[tilespmem:v42+s14+$0x0] =	vst.idx.msk $0xffff, v47;
	v37 =	vmovc v32;
	v32 =	vmov v41;
	v41 =	vmov v56;
	v60 =	vor.u32 v18, v34  }
0x96: {  	v56 =	vor.u32 v11, v46;
	v62 =	vor.u32 v8, v40;
	v63 =	vshll.u32 v0, $0x8;
	[tilespmem:v44+s14+$0x0] =	vst.idx.msk $0xffff, v51  }
0x97: {  	v52 =	vld.idx.msk [tilespmem:v52+s10+$0x0], $0xffff;
	v44 =	vor.u32 v12, v36;
	v51 =	vor.u32 v19, v39;
	[tilespmem:v55+s14+$0x0] =	vst.idx.msk $0xffff, v43  }
0x98: {  	v55 =	vor.u32 v20, v45;
	[tilespmem:v57+s14+$0x0] =	vst.idx.msk $0xffff, v53;
	v53 =	vor.u32 v3, v35;
	v54 =	vld.idx.msk [tilespmem:v54+s10+$0x0], $0xffff  }
0x99: {  	v47 =	vshll.u32 v0, $0x7;
	v43 =	vand.u32 $0x3800, v63;
	v57 =	vld.idx.msk [tilespmem:v58+s10+$0x0], $0xffff;
	[tilespmem:v59+s14+$0x0] =	vst.idx.msk $0xffff, v50;
	v59 =	vor.u32 v3, v37  }
0x9a: {  	v58 =	vor.u32 v1, v33;
	v1 =	vand.u32 $0x380, v47;
	v50 =	vld.idx.msk [tilespmem:v60+s10+$0x0], $0xffff;
	v60 =	vor.u32 v19, v32  }
0x9b: {  	[tilespmem:v56+s14+$0x0] =	vst.idx.msk $0xffff, v48;
	v49 =	vld.idx.msk [tilespmem:v62+s10+$0x0], $0xffff;
	v43 =	vor.u32 v1, v43  }
0x9c: {  	v62 =	vor.u32 v9, v41;
	v56 =	vld.idx.msk [tilespmem:v44+s10+$0x0], $0xffff;
	[tilespmem:v51+s14+$0x0] =	vst.idx.msk $0xffff, v52;
	v51 =	vor.u32 v5, v43  }
0x9d: {  	v63 =	vor.u32 v20, v34;
	v55 =	vld.idx.msk [tilespmem:v55+s10+$0x0], $0xffff;
	[tilespmem:v53+s14+$0x0] =	vst.idx.msk $0xffff, v54  }
0x9e: {  	v4 =	vld [tilespmem:$0x1FF30];
	v42 =	vmov v35;
	v1 =	vor.u32 v10, v40;
	v52 =	vor.u32 v13, v46;
	[tilespmem:v59+s14+$0x0] =	vst.idx.msk $0xffff, v57  }
0x9f: {  	v53 =	vor.u32 v14, v36;
	v54 =	vor.u32 v21, v39;
	v58 =	vld.idx.msk [tilespmem:v58+s10+$0x0], $0xffff;
	[tilespmem:v60+s14+$0x0] =	vst.idx.msk $0xffff, v50  }
0xa0: {  	v57 =	vor.u32 v22, v45;
	v50 =	vor.u32 v30, v42;
	v59 =	vld.idx.msk [tilespmem:v61+s10+$0x0], $0xffff  }
0xa1: {  	v35 =	vmov v39;
	v60 =	vor.u32 v30, v37;
	[tilespmem:v62+s14+$0x0] =	vst.idx.msk $0xffff, v49;
	v39 =	vld.idx.msk [tilespmem:v51+s10+$0x0], $0xffff  }
0xa2: {  	v44 =	vand.u32 $0x3F, v0;
	v49 =	vor.u32 v31, v33;
	v61 =	vor.u32 v21, v32;
	v48 =	vld.idx.msk [tilespmem:v63+s10+$0x0], $0xffff  }
0xa3: {  	v62 =	vor.u32 v31, v38;
	[tilespmem:v52+s14+$0x0] =	vst.idx.msk $0xffff, v56;
	v51 =	vor.u32 v11, v41;
	v0 =	vld.idx.msk [tilespmem:v1+s10+$0x0], $0xffff  }
0xa4: {  	v52 =	vor.u32 v22, v34;
	v53 =	vld.idx.msk [tilespmem:v53+s10+$0x0], $0xffff;
	[tilespmem:v54+s14+$0x0] =	vst.idx.msk $0xffff, v55  }
0xa5: {  	v56 =	vor.u32 v7, v44;
	v63 =	vor.u32 v12, v40;
	v55 =	vld.idx.msk [tilespmem:v57+s10+$0x0], $0xffff;
	[tilespmem:v50+s14+$0x0] =	vst.idx.msk $0xffff, v58  }
0xa6: {  	v47 =	vor.u32 v2, v42;
	v54 =	vor.u32 v15, v46;
	[tilespmem:v60+s14+$0x0] =	vst.idx.msk $0xffff, v59  }
0xa7: {  	v1 =	vor.u32 v23, v35;
	v50 =	vor.u32 v8, v43;
	v49 =	vld.idx.msk [tilespmem:v49+s10+$0x0], $0xffff;
	[tilespmem:v61+s14+$0x0] =	vst.idx.msk $0xffff, v48  }
0xa8: {  	v2 =	vor.u32 v27, v45;
	v48 =	vor.u32 v26, v42;
	v61 =	vld.idx.msk [tilespmem:v62+s10+$0x0], $0xffff;
	[tilespmem:v51+s14+$0x0] =	vst.idx.msk $0xffff, v0  }
0xa9: {  	v3 =	vor.u32 v26, v37;
	v0 =	vld.idx.msk [tilespmem:v52+s10+$0x0], $0xffff  }
0xaa: {  	[tilespmem:v56+s14+$0x0] =	vst.idx.msk $0xffff, v39;
	v51 =	vor.u32 v4, v33;
	v57 =	vld.idx.msk [tilespmem:v63+s10+$0x0], $0xffff;
	v63 =	vor.u32 v23, v32  }
0xab: {  	p1 =	slt.u32 s23, $0x3E;
	v4 =	vor.u32 v4, v38;
	[tilespmem:v54+s14+$0x0] =	vst.idx.msk $0xffff, v53  }
.Ltmp2:
0xac: {  	v58 =	vor.u32 v13, v41;
	v60 =	vld.idx.msk [tilespmem:v50+s10+$0x0], $0xffff;
	[tilespmem:v1+s14+$0x0] =	vst.idx.msk $0xffff, v55;
	(pc) =	sbr.rel @p1 .LBB2_3-.Ltmp2, $4  }
0xad: {  	v59 =	vor.u32 v14, v40;
	v56 =	vor.u32 v16, v36;
	v53 =	vld.idx.msk [tilespmem:v2+s10+$0x0], $0xffff;
	[tilespmem:v48+s14+$0x0] =	vst.idx.msk $0xffff, v49  }
0xae: {  	v39 =	vmov v46;
	v62 =	vor.u32 v9, v44;
	v52 =	vor.u32 v27, v34;
	[tilespmem:v3+s14+$0x0] =	vst.idx.msk $0xffff, v61  }
0xaf: {  	s24 =	sadd.s32 $0x1, s23;
	v50 =	vor.u32 v6, v35;
	v55 =	vor.u32 v17, v39;
	v54 =	vld.idx.msk [tilespmem:v51+s10+$0x0], $0xffff;
	[tilespmem:v63+s14+$0x0] =	vst.idx.msk $0xffff, v0  }
0xb0: {  	s23 =	sadd.s32 $0x2, s23;
	v48 =	vor.u32 v25, v33;
	v49 =	vor.u32 v29, v45;
	v33 =	vmovc v45;
	v61 =	vadd.s32 s24, v5;
	v51 =	vld.idx.msk [tilespmem:v4+s10+$0x0], $0xffff  }
0xb1: {  	v0 =	vshll.u32 v61, $0x8;
	v1 =	vshll.u32 v61, $0x7  }
0xb2: {  	v0 =	vand.u32 $0x3800, v0;
	v1 =	vand.u32 $0x380, v1  }
0xb3: {  	v46 =	vor.u32 v1, v0  }
0xb4: {  	v0 =	vor.u32 v5, v46;
	_ =	sdelay $0x3  }
0xb5: {  	v45 =	vand.u32 $0x3F, v61  }
0xb6: {  	v63 =	vor.u32 v7, v45;
	v0 =	vld.idx.msk [tilespmem:v0+s10+$0x0], $0xffff  }
0xb7: {  	v2 =	vor.u32 v8, v46;
	_ =	sdelay $0x3  }
0xb8: {  	[tilespmem:v63+s14+$0x0] =	vst.idx.msk $0xffff, v0  }
0xb9: {  	v63 =	vor.u32 v9, v45;
	v1 =	vld.idx.msk [tilespmem:v2+s10+$0x0], $0xffff  }
0xba: {  	v3 =	vor.u32 v10, v46  }
0xbb: {  	v61 =	vor.u32 v10, v43;
	_ =	sdelay $0x2  }
0xbc: {  	[tilespmem:v63+s14+$0x0] =	vst.idx.msk $0xffff, v1  }
0xbd: {  	[tilespmem:v62+s14+$0x0] =	vst.idx.msk $0xffff, v60;
	v2 =	vld.idx.msk [tilespmem:v3+s10+$0x0], $0xffff;
	v3 =	vor.u32 v11, v45  }
0xbe: {  	v4 =	vor.u32 v11, v44;
	v60 =	vor.u32 v12, v46;
	v0 =	vld.idx.msk [tilespmem:v61+s10+$0x0], $0xffff  }
0xbf: {  	v1 =	vor.u32 v12, v43;
	_ =	sdelay $0x2  }
0xc0: {  	[tilespmem:v3+s14+$0x0] =	vst.idx.msk $0xffff, v2  }
0xc1: {  	[tilespmem:v4+s14+$0x0] =	vst.idx.msk $0xffff, v0;
	v4 =	vor.u32 v13, v45;
	v3 =	vld.idx.msk [tilespmem:v60+s10+$0x0], $0xffff  }
0xc2: {  	v0 =	vld.idx.msk [tilespmem:v1+s10+$0x0], $0xffff;
	v1 =	vor.u32 v13, v44;
	v60 =	vor.u32 v14, v46  }
0xc3: {  	v2 =	vor.u32 v14, v43;
	_ =	sdelay $0x1  }
0xc4: {  	[tilespmem:v58+s14+$0x0] =	vst.idx.msk $0xffff, v57  }
0xc5: {  	v58 =	vor.u32 v15, v41;
	v57 =	vld.idx.msk [tilespmem:v59+s10+$0x0], $0xffff;
	[tilespmem:v4+s14+$0x0] =	vst.idx.msk $0xffff, v3  }
0xc6: {  	v59 =	vor.u32 v15, v45;
	[tilespmem:v1+s14+$0x0] =	vst.idx.msk $0xffff, v0;
	v0 =	vor.u32 v16, v40;
	v4 =	vld.idx.msk [tilespmem:v60+s10+$0x0], $0xffff  }
0xc7: {  	v1 =	vld.idx.msk [tilespmem:v2+s10+$0x0], $0xffff;
	v2 =	vor.u32 v15, v44;
	v60 =	vor.u32 v16, v46  }
0xc8: {  	v3 =	vor.u32 v16, v43;
	_ =	sdelay $0x1  }
0xc9: {  	v56 =	vld.idx.msk [tilespmem:v56+s10+$0x0], $0xffff;
	[tilespmem:v58+s14+$0x0] =	vst.idx.msk $0xffff, v57  }
0xca: {  	v57 =	vor.u32 v18, v36;
	v58 =	vor.u32 v17, v41;
	v0 =	vld.idx.msk [tilespmem:v0+s10+$0x0], $0xffff;
	[tilespmem:v59+s14+$0x0] =	vst.idx.msk $0xffff, v4  }
0xcb: {  	[tilespmem:v2+s14+$0x0] =	vst.idx.msk $0xffff, v1;
	v1 =	vor.u32 v18, v40;
	v59 =	vld.idx.msk [tilespmem:v60+s10+$0x0], $0xffff;
	v60 =	vor.u32 v17, v45  }
0xcc: {  	v61 =	vor.u32 v18, v46;
	v2 =	vor.u32 v17, v44;
	v3 =	vld.idx.msk [tilespmem:v3+s10+$0x0], $0xffff  }
0xcd: {  	v4 =	vor.u32 v18, v43  }
0xce: {  	[tilespmem:v55+s14+$0x0] =	vst.idx.msk $0xffff, v56  }
0xcf: {  	v56 =	vor.u32 v19, v39;
	v55 =	vld.idx.msk [tilespmem:v57+s10+$0x0], $0xffff;
	[tilespmem:v58+s14+$0x0] =	vst.idx.msk $0xffff, v0  }
0xd0: {  	v57 =	vor.u32 v19, v41;
	v1 =	vld.idx.msk [tilespmem:v1+s10+$0x0], $0xffff;
	[tilespmem:v60+s14+$0x0] =	vst.idx.msk $0xffff, v59  }
0xd1: {  	v0 =	vor.u32 v20, v36;
	[tilespmem:v2+s14+$0x0] =	vst.idx.msk $0xffff, v3;
	v60 =	vor.u32 v19, v45;
	v59 =	vld.idx.msk [tilespmem:v61+s10+$0x0], $0xffff  }
0xd2: {  	[tilespmem:v50+s14+$0x0] =	vst.idx.msk $0xffff, v53;
	v3 =	vld.idx.msk [tilespmem:v4+s10+$0x0], $0xffff;
	v4 =	vor.u32 v19, v44;
	v61 =	vor.u32 v20, v46  }
0xd3: {  	[tilespmem:v47+s14+$0x0] =	vst.idx.msk $0xffff, v54  }
0xd4: {  	[tilespmem:v56+s14+$0x0] =	vst.idx.msk $0xffff, v55  }
0xd5: {  	v2 =	vor.u32 v20, v40;
	[tilespmem:v57+s14+$0x0] =	vst.idx.msk $0xffff, v1  }
0xd6: {  	v58 =	vor.u32 v20, v43;
	v0 =	vld.idx.msk [tilespmem:v0+s10+$0x0], $0xffff;
	[tilespmem:v60+s14+$0x0] =	vst.idx.msk $0xffff, v59  }
0xd7: {  	[tilespmem:v4+s14+$0x0] =	vst.idx.msk $0xffff, v3;
	v53 =	vld.idx.msk [tilespmem:v61+s10+$0x0], $0xffff  }
0xd8: {  	v1 =	vor.u32 v21, v39;
	v61 =	vld [tilespmem:$0x1FF40]  }
0xd9: {  	v52 =	vld.idx.msk [tilespmem:v52+s10+$0x0], $0xffff;
	v63 =	vor.u32 v6, v32  }
0xda: {  	v2 =	vld.idx.msk [tilespmem:v2+s10+$0x0], $0xffff;
	v3 =	vor.u32 v22, v36;
	v4 =	vor.u32 v21, v41  }
0xdb: {  	v55 =	vor.u32 v22, v40;
	v57 =	vor.u32 v21, v44;
	v56 =	vld.idx.msk [tilespmem:v58+s10+$0x0], $0xffff  }
0xdc: {  	v50 =	vor.u32 v22, v43;
	v58 =	vor.u32 v21, v45  }
0xdd: {  	v62 =	vor.u32 v22, v46;
	[tilespmem:v1+s14+$0x0] =	vst.idx.msk $0xffff, v0;
	v60 =	vor.u32 v61, v37  }
0xde: {  	v42 =	vor.u32 v24, v42;
	v48 =	vld.idx.msk [tilespmem:v48+s10+$0x0], $0xffff;
	[tilespmem:v63+s14+$0x0] =	vst.idx.msk $0xffff, v52  }
0xdf: {  	v1 =	vld.idx.msk [tilespmem:v3+s10+$0x0], $0xffff;
	v3 =	vor.u32 v23, v39;
	[tilespmem:v4+s14+$0x0] =	vst.idx.msk $0xffff, v2  }
0xe0: {  	v4 =	vld.idx.msk [tilespmem:v55+s10+$0x0], $0xffff;
	v55 =	vor.u32 v23, v41;
	[tilespmem:v57+s14+$0x0] =	vst.idx.msk $0xffff, v56  }
0xe1: {  	v57 =	vor.u32 v23, v44;
	v50 =	vld.idx.msk [tilespmem:v50+s10+$0x0], $0xffff;
	[tilespmem:v58+s14+$0x0] =	vst.idx.msk $0xffff, v53  }
0xe2: {  	v53 =	vor.u32 v23, v45;
	[tilespmem:v60+s14+$0x0] =	vst.idx.msk $0xffff, v51;
	v51 =	vld.idx.msk [tilespmem:v62+s10+$0x0], $0xffff  }
0xe3: {  	v49 =	vld.idx.msk [tilespmem:v49+s10+$0x0], $0xffff;
	[tilespmem:v42+s14+$0x0] =	vst.idx.msk $0xffff, v48;
	v2 =	vor.u32 v27, v36;
	v60 =	vor.u32 v28, v35  }
0xe4: {  	[tilespmem:v3+s14+$0x0] =	vst.idx.msk $0xffff, v1  }
0xe5: {  	v56 =	vor.u32 v27, v40;
	[tilespmem:v55+s14+$0x0] =	vst.idx.msk $0xffff, v4  }
0xe6: {  	v47 =	vor.u32 v27, v43;
	[tilespmem:v57+s14+$0x0] =	vst.idx.msk $0xffff, v50  }
0xe7: {  	v38 =	vor.u32 v25, v38;
	[tilespmem:v53+s14+$0x0] =	vst.idx.msk $0xffff, v51  }
0xe8: {  	v63 =	vor.u32 v29, v34;
	v2 =	vld.idx.msk [tilespmem:v2+s10+$0x0], $0xffff;
	[tilespmem:v60+s14+$0x0] =	vst.idx.msk $0xffff, v49  }
0xe9: {  	v58 =	vmov v27;
	v3 =	vor.u32 v6, v39;
	v62 =	vor.u32 v27, v46;
	v27 =	vld [tilespmem:$0x1FF80]  }
0xea: {  	v55 =	vor.u32 v6, v41;
	v52 =	vld.idx.msk [tilespmem:v56+s10+$0x0], $0xffff  }
0xeb: {  	v56 =	vor.u32 v6, v44;
	v47 =	vld.idx.msk [tilespmem:v47+s10+$0x0], $0xffff  }
0xec: {  	v37 =	vor.u32 v24, v37;
	v38 =	vld.idx.msk [tilespmem:v38+s10+$0x0], $0xffff  }
0xed: {  	v1 =	vld.idx.msk [tilespmem:v63+s10+$0x0], $0xffff;
	v63 =	vor.u32 v28, v32;
	v4 =	vor.u32 v29, v36  }
0xee: {  	v51 =	vor.u32 v6, v45;
	v0 =	vld.idx.msk [tilespmem:v62+s10+$0x0], $0xffff;
	[tilespmem:v3+s14+$0x0] =	vst.idx.msk $0xffff, v2;
	v62 =	vor.u32 v27, v33  }
0xef: {  	[tilespmem:v55+s14+$0x0] =	vst.idx.msk $0xffff, v52  }
0xf0: {  	[tilespmem:v56+s14+$0x0] =	vst.idx.msk $0xffff, v47  }
0xf1: {  	v50 =	vor.u32 v29, v40;
	[tilespmem:v37+s14+$0x0] =	vst.idx.msk $0xffff, v38  }
0xf2: {  	v49 =	vor.u32 v29, v43;
	[tilespmem:v63+s14+$0x0] =	vst.idx.msk $0xffff, v1;
	v3 =	vld.idx.msk [tilespmem:v4+s10+$0x0], $0xffff  }
0xf3: {  	v60 =	vor.u32 v29, v46;
	[tilespmem:v51+s14+$0x0] =	vst.idx.msk $0xffff, v0;
	v42 =	vld.idx.msk [tilespmem:v62+s10+$0x0], $0xffff  }
0xf4: {  	v62 =	vld [tilespmem:$0x1FFA0]  }
0xf5: {  	v4 =	vor.u32 v28, v39;
	v2 =	vor.u32 v27, v34;
	v56 =	vld [tilespmem:$0x1FF90]  }
0xf6: {  	v54 =	vor.u32 v28, v41;
	v50 =	vld.idx.msk [tilespmem:v50+s10+$0x0], $0xffff;
	v52 =	vor.u32 v27, v36  }
0xf7: {  	v55 =	vor.u32 v28, v44;
	v49 =	vld.idx.msk [tilespmem:v49+s10+$0x0], $0xffff;
	v47 =	vor.u32 v27, v40  }
0xf8: {  	v38 =	vor.u32 v28, v45;
	v37 =	vor.u32 v27, v43;
	v0 =	vld.idx.msk [tilespmem:v60+s10+$0x0], $0xffff  }
0xf9: {  	v48 =	vor.u32 v27, v46;
	v1 =	vor.u32 v62, v35  }
0xfa: {  	v2 =	vld.idx.msk [tilespmem:v2+s10+$0x0], $0xffff;
	[tilespmem:v4+s14+$0x0] =	vst.idx.msk $0xffff, v3;
	v60 =	vor.u32 v56, v33;
	v63 =	vor.u32 v62, v32  }
0xfb: {  	[tilespmem:v54+s14+$0x0] =	vst.idx.msk $0xffff, v50;
	v3 =	vor.u32 v56, v34;
	v4 =	vld.idx.msk [tilespmem:v52+s10+$0x0], $0xffff;
	v50 =	vor.u32 v62, v39  }
0xfc: {  	[tilespmem:v55+s14+$0x0] =	vst.idx.msk $0xffff, v49;
	v47 =	vld.idx.msk [tilespmem:v47+s10+$0x0], $0xffff;
	v54 =	vor.u32 v62, v41  }
0xfd: {  	v37 =	vld.idx.msk [tilespmem:v37+s10+$0x0], $0xffff;
	[tilespmem:v38+s14+$0x0] =	vst.idx.msk $0xffff, v0;
	v0 =	vor.u32 v62, v44  }
0xfe: {  	v52 =	vor.u32 v56, v36;
	[tilespmem:v1+s14+$0x0] =	vst.idx.msk $0xffff, v42;
	v1 =	vld.idx.msk [tilespmem:v48+s10+$0x0], $0xffff;
	v42 =	vor.u32 v62, v45  }
0xff: {  	v38 =	vor.u32 v56, v43;
	[tilespmem:v63+s14+$0x0] =	vst.idx.msk $0xffff, v2;
	v48 =	vld.idx.msk [tilespmem:v60+s10+$0x0], $0xffff;
	v60 =	vor.u32 v30, v35  }
0x100: {  	v55 =	vor.u32 v30, v32;
	v63 =	vor.u32 v56, v46;
	[tilespmem:v50+s14+$0x0] =	vst.idx.msk $0xffff, v4;
	v3 =	vld.idx.msk [tilespmem:v3+s10+$0x0], $0xffff  }
0x101: {  	[tilespmem:v54+s14+$0x0] =	vst.idx.msk $0xffff, v47  }
0x102: {  	v49 =	vor.u32 v56, v40;
	[tilespmem:v0+s14+$0x0] =	vst.idx.msk $0xffff, v37  }
0x103: {  	v50 =	vld.idx.msk [tilespmem:v52+s10+$0x0], $0xffff;
	[tilespmem:v42+s14+$0x0] =	vst.idx.msk $0xffff, v1  }
0x104: {  	v53 =	vor.u32 v31, v33;
	v51 =	vor.u32 v31, v46;
	v37 =	vld.idx.msk [tilespmem:v38+s10+$0x0], $0xffff;
	[tilespmem:v60+s14+$0x0] =	vst.idx.msk $0xffff, v48  }
0x105: {  	v4 =	vor.u32 v31, v34;
	v47 =	vor.u32 v30, v39;
	v2 =	vld.idx.msk [tilespmem:v63+s10+$0x0], $0xffff;
	[tilespmem:v55+s14+$0x0] =	vst.idx.msk $0xffff, v3  }
0x106: {  	v0 =	vor.u32 v31, v40;
	v52 =	vor.u32 v31, v36;
	v38 =	vor.u32 v31, v43;
	v63 =	vmovc v31;
	v31 =	vld [tilespmem:$0x1FF30]  }
0x107: {  	v54 =	vor.u32 v30, v41;
	v49 =	vld.idx.msk [tilespmem:v49+s10+$0x0], $0xffff  }
0x108: {  	v1 =	vor.u32 v30, v44  }
0x109: {  	v42 =	vor.u32 v30, v45  }
0x10a: {  	v3 =	vor.u32 v26, v35;
	v48 =	vld.idx.msk [tilespmem:v53+s10+$0x0], $0xffff  }
0x10b: {  	v55 =	vor.u32 v26, v32;
	v4 =	vld.idx.msk [tilespmem:v4+s10+$0x0], $0xffff;
	[tilespmem:v47+s14+$0x0] =	vst.idx.msk $0xffff, v50;
	v53 =	vor.u32 v31, v33  }
0x10c: {  	[tilespmem:v54+s14+$0x0] =	vst.idx.msk $0xffff, v49;
	v49 =	vor.u32 v26, v39;
	v50 =	vld.idx.msk [tilespmem:v52+s10+$0x0], $0xffff;
	v47 =	vor.u32 v31, v34  }
0x10d: {  	v54 =	vor.u32 v26, v41;
	v0 =	vld.idx.msk [tilespmem:v0+s10+$0x0], $0xffff;
	[tilespmem:v1+s14+$0x0] =	vst.idx.msk $0xffff, v37;
	v52 =	vor.u32 v31, v36  }
0x10e: {  	v37 =	vld.idx.msk [tilespmem:v38+s10+$0x0], $0xffff;
	[tilespmem:v42+s14+$0x0] =	vst.idx.msk $0xffff, v2;
	v2 =	vor.u32 v26, v44;
	v1 =	vor.u32 v31, v40  }
0x10f: {  	v42 =	vor.u32 v26, v45;
	[tilespmem:v3+s14+$0x0] =	vst.idx.msk $0xffff, v48;
	v3 =	vld.idx.msk [tilespmem:v51+s10+$0x0], $0xffff;
	v38 =	vor.u32 v31, v43  }
0x110: {  	v48 =	vor.u32 v61, v35;
	[tilespmem:v55+s14+$0x0] =	vst.idx.msk $0xffff, v4;
	v4 =	vor.u32 v31, v46;
	v51 =	vld.idx.msk [tilespmem:v53+s10+$0x0], $0xffff  }
0x111: {  	v33 =	vor.u32 v25, v33;
	[tilespmem:v49+s14+$0x0] =	vst.idx.msk $0xffff, v50;
	v47 =	vld.idx.msk [tilespmem:v47+s10+$0x0], $0xffff;
	v53 =	vor.u32 v61, v32  }
0x112: {  	v34 =	vor.u32 v25, v34;
	v49 =	vor.u32 v61, v39;
	[tilespmem:v54+s14+$0x0] =	vst.idx.msk $0xffff, v0;
	v50 =	vld.idx.msk [tilespmem:v52+s10+$0x0], $0xffff  }
0x113: {  	v0 =	vor.u32 v25, v36;
	[tilespmem:v2+s14+$0x0] =	vst.idx.msk $0xffff, v37;
	v1 =	vld.idx.msk [tilespmem:v1+s10+$0x0], $0xffff;
	v52 =	vor.u32 v61, v41  }
0x114: {  	v54 =	vor.u32 v61, v44;
	v2 =	vor.u32 v25, v40;
	v38 =	vld.idx.msk [tilespmem:v38+s10+$0x0], $0xffff;
	[tilespmem:v42+s14+$0x0] =	vst.idx.msk $0xffff, v3  }
0x115: {  	v55 =	vor.u32 v61, v45;
	v3 =	vor.u32 v25, v43;
	v4 =	vld.idx.msk [tilespmem:v4+s10+$0x0], $0xffff;
	[tilespmem:v48+s14+$0x0] =	vst.idx.msk $0xffff, v51  }
0x116: {  	[tilespmem:v53+s14+$0x0] =	vst.idx.msk $0xffff, v47;
	v47 =	vor.u32 v24, v35;
	v48 =	vor.u32 v25, v46;
	v33 =	vld.idx.msk [tilespmem:v33+s10+$0x0], $0xffff  }
0x117: {  	v51 =	vor.u32 v24, v32;
	[tilespmem:v49+s14+$0x0] =	vst.idx.msk $0xffff, v50;
	v34 =	vld.idx.msk [tilespmem:v34+s10+$0x0], $0xffff  }
0x118: {  	[tilespmem:v52+s14+$0x0] =	vst.idx.msk $0xffff, v1;
	v52 =	vor.u32 v24, v39;
	v0 =	vld.idx.msk [tilespmem:v0+s10+$0x0], $0xffff  }
0x119: {  	v53 =	vor.u32 v24, v41;
	[tilespmem:v54+s14+$0x0] =	vst.idx.msk $0xffff, v38;
	v2 =	vld.idx.msk [tilespmem:v2+s10+$0x0], $0xffff  }
0x11a: {  	v3 =	vld.idx.msk [tilespmem:v3+s10+$0x0], $0xffff;
	[tilespmem:v55+s14+$0x0] =	vst.idx.msk $0xffff, v4;
	v4 =	vor.u32 v24, v44  }
0x11b: {  	v55 =	vor.u32 v24, v45;
	v54 =	vld.idx.msk [tilespmem:v48+s10+$0x0], $0xffff;
	[tilespmem:v47+s14+$0x0] =	vst.idx.msk $0xffff, v33  }
0x11c: {  	p1 =	sne.s32 s21, $0x7;
	[tilespmem:v51+s14+$0x0] =	vst.idx.msk $0xffff, v34  }
.Ltmp3:
0x11d: {  	[tilespmem:v52+s14+$0x0] =	vst.idx.msk $0xffff, v0;
	(pc) =	sbr.rel @p1 .LBB2_6-.Ltmp3, $4  }
0x11e: {  	[tilespmem:v53+s14+$0x0] =	vst.idx.msk $0xffff, v2  }
0x11f: {  	s23 =	sshll.u32 s21, $0x9;
	[tilespmem:v4+s14+$0x0] =	vst.idx.msk $0xffff, v3  }
0x120: {  	s23 =	sand.u32 $0x3FFFFE00, s23;
	v59 =	vmov v23;
	v23 =	vmov v29;
	[tilespmem:v55+s14+$0x0] =	vst.idx.msk $0xffff, v54  }
0x121: {  	v57 =	vmovc v6;
	v29 =	vmovc v56;
	v60 =	vmov v30;
	v25 =	vmov v28;
	v28 =	vmov v62;
	[hbm4b:s3+s15] =	stream.indirect.scatter [tilespmem:s14], [sflag:$0x3], $0x40, s23, s15, $0xb8;
	[tilespmem:$0x11000] =	vst v63  }
.Ltmp4:
0x122: {  	(pc) =	sbr.rel .LBB2_7-.Ltmp4, $4  }
0x123: {  	_ = 	snop  }
0x124: {  	_ =	swait.ge [sflag:s16], $0x4000  }
0x125: {  	[sflag:s16] =	ssyncset.done $0x0  }
0x126: {  	[sflag:s16] =	ssyncadd.s32 $0xFFFFC000  }
.LBB2_6:
0x127: {  	s24 =	sadd.s32 $0x2, s22  }
0x128: {  	s25 =	sshll.u32 s24, $0xB  }
0x129: {  	s24 =	sshll.u32 s24, $0x8;
	s25 =	sand.u32 $0xC000, s25  }
0x12a: {  	s24 =	sand.u32 $0x600, s24;
	s25 =	sadd.s32 s25, s4  }
.Ltmp5:
0x12b: {  	s24 =	sadd.s32 s24, s25;
	(pc) =	sbr.rel @p0 .LBB2_8-.Ltmp5, $4  }
0x12c: {  	[tilespmem:s10], [sflag:$0x1] =	stream.strided.gather [hbm4b:s24+s8], $0x4000, s9, s8, $0x38;
	[tilespmem:$0x11000] =	vst v63  }
0x12d: {  	_ =	swait.ge [sflag:s16], $0x4000  }
0x12e: {  	[sflag:s16] =	ssyncset.done $0x0  }
0x12f: {  	[sflag:s16] =	ssyncadd.s32 $0xFFFFC000  }
.LBB2_7:
0x130: {  	_ =	swait.ge [sflag:s17], $0x4000  }
0x131: {  	[sflag:s17] =	ssyncset.done $0x0  }
0x132: {  	[sflag:s17] =	ssyncadd.s32 $0xFFFFC000  }
.LBB2_8:
0x133: {  	s24 =	simm.s32 $0x0;
	s31 =	simm.s32 $0x1  }
0x134: {  	v0 =	vadd.s32 s24, v5;
	v3 =	vadd.s32 s31, v5  }
0x135: {  	v1 =	vshll.u32 v0, $0x8;
	v2 =	vshll.u32 v0, $0x7;
	v4 =	vshll.u32 v3, $0x8  }
0x136: {  	v32 =	vshll.u32 v3, $0x7;
	v1 =	vand.u32 $0x3800, v1;
	v2 =	vand.u32 $0x380, v2  }
0x137: {  	v38 =	vand.u32 $0x3800, v4;
	v39 =	vand.u32 $0x380, v32;
	v45 =	vor.u32 v2, v1  }
0x138: {  	v38 =	vor.u32 v39, v38;
	v4 =	vor.u32 v5, v45  }
0x139: {  	v1 =	vor.u32 v5, v38;
	_ =	sdelay $0x2  }
0x13a: {  	v42 =	vand.u32 $0x3F, v0  }
0x13b: {  	v37 =	vand.u32 $0x3F, v3;
	v41 =	vor.u32 v7, v42;
	v40 =	vld.idx.msk [tilespmem:v4+s11+$0x0], $0xffff  }
0x13c: {  	v3 =	vor.u32 v8, v45;
	v1 =	vld.idx.msk [tilespmem:v1+s11+$0x0], $0xffff;
	v4 =	vor.u32 v7, v37  }
0x13d: {  	v43 =	vor.u32 v8, v38;
	_ =	sdelay $0x2  }
0x13e: {  	[tilespmem:v41+s18+$0x0] =	vst.idx.msk $0xffff, v40  }
0x13f: {  	v44 =	vor.u32 v9, v42;
	[tilespmem:v4+s18+$0x0] =	vst.idx.msk $0xffff, v1;
	v0 =	vld.idx.msk [tilespmem:v3+s11+$0x0], $0xffff  }
0x140: {  	v46 =	vor.u32 v10, v45;
	v4 =	vor.u32 v9, v37;
	v3 =	vld.idx.msk [tilespmem:v43+s11+$0x0], $0xffff  }
0x141: {  	v47 =	vor.u32 v10, v38;
	_ =	sdelay $0x2  }
0x142: {  	[tilespmem:v44+s18+$0x0] =	vst.idx.msk $0xffff, v0  }
0x143: {  	v48 =	vor.u32 v11, v42;
	[tilespmem:v4+s18+$0x0] =	vst.idx.msk $0xffff, v3;
	v0 =	vld.idx.msk [tilespmem:v46+s11+$0x0], $0xffff  }
0x144: {  	v49 =	vor.u32 v12, v45;
	v4 =	vor.u32 v11, v37;
	v3 =	vld.idx.msk [tilespmem:v47+s11+$0x0], $0xffff  }
0x145: {  	v50 =	vor.u32 v12, v38;
	_ =	sdelay $0x2  }
0x146: {  	[tilespmem:v48+s18+$0x0] =	vst.idx.msk $0xffff, v0  }
0x147: {  	s25 =	simm.s32 $0x2;
	v51 =	vor.u32 v13, v42;
	[tilespmem:v4+s18+$0x0] =	vst.idx.msk $0xffff, v3;
	v0 =	vld.idx.msk [tilespmem:v49+s11+$0x0], $0xffff  }
0x148: {  	v52 =	vadd.s32 s25, v5;
	v53 =	vor.u32 v13, v37;
	v3 =	vor.u32 v14, v45;
	v4 =	vld.idx.msk [tilespmem:v50+s11+$0x0], $0xffff  }
0x149: {  	v33 =	vshll.u32 v52, $0x8;
	v34 =	vshll.u32 v52, $0x7;
	v35 =	vor.u32 v14, v38  }
0x14a: {  	v33 =	vand.u32 $0x3800, v33;
	v34 =	vand.u32 $0x380, v34  }
0x14b: {  	s26 =	simm.s32 $0x3;
	v33 =	vor.u32 v34, v33  }
0x14c: {  	v55 =	vadd.s32 s26, v5;
	v54 =	vor.u32 v15, v42;
	v36 =	vor.u32 v5, v33;
	[tilespmem:v51+s18+$0x0] =	vst.idx.msk $0xffff, v0  }
0x14d: {  	v56 =	vshll.u32 v55, $0x8;
	v62 =	vor.u32 v15, v37;
	v40 =	vshll.u32 v55, $0x7;
	[tilespmem:v53+s18+$0x0] =	vst.idx.msk $0xffff, v4;
	v3 =	vld.idx.msk [tilespmem:v3+s11+$0x0], $0xffff  }
0x14e: {  	v34 =	vand.u32 $0x3800, v56;
	v39 =	vor.u32 v16, v45;
	v46 =	vand.u32 $0x380, v40;
	v4 =	vld.idx.msk [tilespmem:v35+s11+$0x0], $0xffff  }
0x14f: {  	v47 =	vor.u32 v16, v38;
	v34 =	vor.u32 v46, v34  }
0x150: {  	v48 =	vor.u32 v5, v34;
	v35 =	vand.u32 $0x3F, v52  }
0x151: {  	v36 =	vld.idx.msk [tilespmem:v36+s11+$0x0], $0xffff;
	v41 =	vor.u32 v7, v35  }
0x152: {  	v43 =	vor.u32 v8, v33;
	[tilespmem:v54+s18+$0x0] =	vst.idx.msk $0xffff, v3  }
0x153: {  	v49 =	vor.u32 v17, v42;
	[tilespmem:v62+s18+$0x0] =	vst.idx.msk $0xffff, v4;
	v3 =	vld.idx.msk [tilespmem:v39+s11+$0x0], $0xffff  }
0x154: {  	v32 =	vand.u32 $0x3F, v55;
	v51 =	vor.u32 v17, v37;
	v4 =	vor.u32 v18, v45;
	v50 =	vld.idx.msk [tilespmem:v47+s11+$0x0], $0xffff  }
0x155: {  	v44 =	vor.u32 v18, v38;
	v2 =	vld.idx.msk [tilespmem:v48+s11+$0x0], $0xffff;
	v52 =	vor.u32 v7, v32  }
0x156: {  	v53 =	vor.u32 v8, v34;
	[tilespmem:v41+s18+$0x0] =	vst.idx.msk $0xffff, v36  }
0x157: {  	v54 =	vor.u32 v9, v35;
	v41 =	vld.idx.msk [tilespmem:v43+s11+$0x0], $0xffff  }
0x158: {  	v46 =	vor.u32 v10, v33;
	[tilespmem:v49+s18+$0x0] =	vst.idx.msk $0xffff, v3  }
0x159: {  	v3 =	vor.u32 v19, v42;
	[tilespmem:v51+s18+$0x0] =	vst.idx.msk $0xffff, v50;
	v0 =	vld.idx.msk [tilespmem:v4+s11+$0x0], $0xffff  }
0x15a: {  	v1 =	vor.u32 v20, v45;
	[tilespmem:v52+s18+$0x0] =	vst.idx.msk $0xffff, v2;
	v55 =	vld.idx.msk [tilespmem:v44+s11+$0x0], $0xffff;
	v4 =	vor.u32 v19, v37  }
0x15b: {  	v56 =	vor.u32 v20, v38;
	v36 =	vld.idx.msk [tilespmem:v53+s11+$0x0], $0xffff;
	v39 =	vor.u32 v9, v32  }
0x15c: {  	s28 =	simm.s32 $0x4;
	v62 =	vor.u32 v10, v34;
	[tilespmem:v54+s18+$0x0] =	vst.idx.msk $0xffff, v41  }
0x15d: {  	v53 =	vor.u32 v11, v35;
	v43 =	vadd.s32 s28, v5;
	v52 =	vld.idx.msk [tilespmem:v46+s11+$0x0], $0xffff  }
0x15e: {  	v48 =	vor.u32 v12, v33;
	v47 =	vshll.u32 v43, $0x8;
	[tilespmem:v3+s18+$0x0] =	vst.idx.msk $0xffff, v0  }
0x15f: {  	v3 =	vand.u32 $0x3800, v47;
	v47 =	vor.u32 v21, v42;
	[tilespmem:v4+s18+$0x0] =	vst.idx.msk $0xffff, v55;
	v1 =	vld.idx.msk [tilespmem:v1+s11+$0x0], $0xffff  }
0x160: {  	[tilespmem:v39+s18+$0x0] =	vst.idx.msk $0xffff, v36;
	v39 =	vor.u32 v21, v37;
	v55 =	vor.u32 v22, v45;
	v4 =	vld.idx.msk [tilespmem:v56+s11+$0x0], $0xffff  }
0x161: {  	v49 =	vor.u32 v22, v38;
	v54 =	vshll.u32 v43, $0x7;
	v40 =	vld.idx.msk [tilespmem:v62+s11+$0x0], $0xffff;
	v56 =	vor.u32 v11, v32  }
0x162: {  	v62 =	vor.u32 v12, v34;
	v0 =	vand.u32 $0x380, v54;
	[tilespmem:v53+s18+$0x0] =	vst.idx.msk $0xffff, v52  }
0x163: {  	v36 =	vor.u32 v0, v3;
	v53 =	vor.u32 v13, v35;
	v3 =	vld.idx.msk [tilespmem:v48+s11+$0x0], $0xffff  }
0x164: {  	v52 =	vor.u32 v5, v36;
	[tilespmem:v47+s18+$0x0] =	vst.idx.msk $0xffff, v1  }
0x165: {  	v54 =	vor.u32 v14, v33;
	[tilespmem:v39+s18+$0x0] =	vst.idx.msk $0xffff, v4;
	v1 =	vld.idx.msk [tilespmem:v55+s11+$0x0], $0xffff;
	v55 =	vor.u32 v59, v42  }
0x166: {  	v4 =	vor.u32 v58, v45;
	[tilespmem:v56+s18+$0x0] =	vst.idx.msk $0xffff, v40;
	v56 =	vor.u32 v59, v37;
	v40 =	vld.idx.msk [tilespmem:v49+s11+$0x0], $0xffff  }
0x167: {  	v6 =	vmov v58;
	v47 =	vor.u32 v13, v32;
	v58 =	vor.u32 v58, v38;
	v0 =	vld.idx.msk [tilespmem:v62+s11+$0x0], $0xffff  }
0x168: {  	s29 =	simm.s32 $0x5;
	v2 =	vor.u32 v16, v33;
	v39 =	vand.u32 $0x3F, v43;
	[tilespmem:v53+s18+$0x0] =	vst.idx.msk $0xffff, v3;
	v3 =	vor.u32 v14, v34  }
0x169: {  	v51 =	vadd.s32 s29, v5;
	v50 =	vor.u32 v8, v36;
	v43 =	vld.idx.msk [tilespmem:v52+s11+$0x0], $0xffff;
	v44 =	vor.u32 v7, v39  }
0x16a: {  	v62 =	vor.u32 v15, v35;
	v52 =	vor.u32 v23, v45;
	v46 =	vld.idx.msk [tilespmem:v54+s11+$0x0], $0xffff;
	[tilespmem:v55+s18+$0x0] =	vst.idx.msk $0xffff, v1  }
0x16b: {  	v53 =	vor.u32 v23, v38;
	v1 =	vor.u32 v57, v42;
	[tilespmem:v56+s18+$0x0] =	vst.idx.msk $0xffff, v40;
	v4 =	vld.idx.msk [tilespmem:v4+s11+$0x0], $0xffff  }
0x16c: {  	v55 =	vshll.u32 v51, $0x8;
	v56 =	vshll.u32 v51, $0x7;
	[tilespmem:v47+s18+$0x0] =	vst.idx.msk $0xffff, v0;
	v0 =	vld.idx.msk [tilespmem:v58+s11+$0x0], $0xffff;
	v58 =	vor.u32 v57, v37  }
0x16d: {  	v47 =	vor.u32 v15, v32;
	v3 =	vld.idx.msk [tilespmem:v3+s11+$0x0], $0xffff;
	v40 =	vand.u32 $0x3800, v55;
	v41 =	vand.u32 $0x380, v56  }
0x16e: {  	[tilespmem:v44+s18+$0x0] =	vst.idx.msk $0xffff, v43;
	v55 =	vor.u32 v16, v34;
	v40 =	vor.u32 v41, v40  }
0x16f: {  	v44 =	vor.u32 v9, v39;
	[tilespmem:v62+s18+$0x0] =	vst.idx.msk $0xffff, v46;
	v43 =	vld.idx.msk [tilespmem:v50+s11+$0x0], $0xffff;
	v46 =	vor.u32 v5, v40  }
0x170: {  	v62 =	vor.u32 v17, v35;
	v56 =	vor.u32 v10, v36;
	v2 =	vld.idx.msk [tilespmem:v2+s11+$0x0], $0xffff;
	[tilespmem:v1+s18+$0x0] =	vst.idx.msk $0xffff, v4  }
0x171: {  	v26 =	vmov v57;
	v57 =	vor.u32 v25, v42;
	[tilespmem:v58+s18+$0x0] =	vst.idx.msk $0xffff, v0;
	v4 =	vld.idx.msk [tilespmem:v52+s11+$0x0], $0xffff  }
0x172: {  	v49 =	vor.u32 v25, v37;
	[tilespmem:v47+s18+$0x0] =	vst.idx.msk $0xffff, v3;
	v3 =	vld.idx.msk [tilespmem:v53+s11+$0x0], $0xffff  }
0x173: {  	v41 =	vand.u32 $0x3F, v51;
	v51 =	vor.u32 v17, v32;
	v52 =	vld.idx.msk [tilespmem:v55+s11+$0x0], $0xffff;
	v53 =	vor.u32 v27, v38  }
0x174: {  	[tilespmem:v44+s18+$0x0] =	vst.idx.msk $0xffff, v43;
	v44 =	vor.u32 v7, v41;
	v43 =	vld.idx.msk [tilespmem:v46+s11+$0x0], $0xffff;
	v46 =	vor.u32 v18, v34  }
0x175: {  	v54 =	vor.u32 v11, v39;
	v48 =	vor.u32 v8, v40;
	[tilespmem:v62+s18+$0x0] =	vst.idx.msk $0xffff, v2;
	v1 =	vld.idx.msk [tilespmem:v56+s11+$0x0], $0xffff  }
0x176: {  	v58 =	vor.u32 v18, v33;
	[tilespmem:v57+s18+$0x0] =	vst.idx.msk $0xffff, v4  }
0x177: {  	v47 =	vor.u32 v27, v45;
	[tilespmem:v49+s18+$0x0] =	vst.idx.msk $0xffff, v3  }
0x178: {  	s30 =	simm.s32 $0x6;
	[tilespmem:v51+s18+$0x0] =	vst.idx.msk $0xffff, v52;
	v52 =	vor.u32 v28, v37;
	v51 =	vld.idx.msk [tilespmem:v53+s11+$0x0], $0xffff  }
0x179: {  	v2 =	vadd.s32 s30, v5;
	[tilespmem:v44+s18+$0x0] =	vst.idx.msk $0xffff, v43;
	v44 =	vld.idx.msk [tilespmem:v46+s11+$0x0], $0xffff;
	v53 =	vor.u32 v19, v32  }
0x17a: {  	v57 =	vor.u32 v29, v38;
	[tilespmem:v54+s18+$0x0] =	vst.idx.msk $0xffff, v1;
	v1 =	vor.u32 v9, v41;
	v48 =	vld.idx.msk [tilespmem:v48+s11+$0x0], $0xffff  }
0x17b: {  	v55 =	vor.u32 v12, v36;
	v56 =	vor.u32 v19, v35;
	v62 =	vshll.u32 v2, $0x7;
	v0 =	vld.idx.msk [tilespmem:v58+s11+$0x0], $0xffff  }
0x17c: {  	v4 =	vshll.u32 v2, $0x8;
	v3 =	vor.u32 v20, v33;
	v49 =	vor.u32 v28, v42;
	v47 =	vld.idx.msk [tilespmem:v47+s11+$0x0], $0xffff  }
0x17d: {  	v62 =	vand.u32 $0x380, v62;
	v46 =	vor.u32 v29, v45;
	v4 =	vand.u32 $0x3800, v4;
	[tilespmem:v52+s18+$0x0] =	vst.idx.msk $0xffff, v51  }
0x17e: {  	v58 =	vor.u32 v20, v34;
	v43 =	vor.u32 v62, v4;
	[tilespmem:v53+s18+$0x0] =	vst.idx.msk $0xffff, v44  }
0x17f: {  	v4 =	vor.u32 v10, v40;
	v53 =	vld.idx.msk [tilespmem:v57+s11+$0x0], $0xffff;
	[tilespmem:v1+s18+$0x0] =	vst.idx.msk $0xffff, v48;
	v48 =	vor.u32 v60, v37  }
0x180: {  	[tilespmem:v56+s18+$0x0] =	vst.idx.msk $0xffff, v0;
	v0 =	vld.idx.msk [tilespmem:v55+s11+$0x0], $0xffff;
	v56 =	vor.u32 v63, v38  }
0x181: {  	v54 =	vor.u32 v5, v43;
	v55 =	vor.u32 v13, v39;
	v3 =	vld.idx.msk [tilespmem:v3+s11+$0x0], $0xffff;
	[tilespmem:v49+s18+$0x0] =	vst.idx.msk $0xffff, v47  }
0x182: {  	v47 =	vor.u32 v14, v36;
	v49 =	vor.u32 v21, v35;
	v46 =	vld.idx.msk [tilespmem:v46+s11+$0x0], $0xffff  }
0x183: {  	v62 =	vor.u32 v60, v42;
	v51 =	vor.u32 v22, v33;
	v44 =	vand.u32 $0x3F, v2;
	v50 =	vld.idx.msk [tilespmem:v58+s11+$0x0], $0xffff  }
0x184: {  	v2 =	vor.u32 v21, v32;
	v1 =	vor.u32 v63, v45;
	v4 =	vld.idx.msk [tilespmem:v4+s11+$0x0], $0xffff;
	[tilespmem:v48+s18+$0x0] =	vst.idx.msk $0xffff, v53  }
0x185: {  	v56 =	vld.idx.msk [tilespmem:v56+s11+$0x0], $0xffff  }
0x186: {  	v54 =	vld.idx.msk [tilespmem:v54+s11+$0x0], $0xffff;
	[tilespmem:v55+s18+$0x0] =	vst.idx.msk $0xffff, v0;
	v55 =	vor.u32 v22, v34  }
0x187: {  	[tilespmem:v49+s18+$0x0] =	vst.idx.msk $0xffff, v3;
	v3 =	vld.idx.msk [tilespmem:v47+s11+$0x0], $0xffff  }
0x188: {  	[tilespmem:v62+s18+$0x0] =	vst.idx.msk $0xffff, v46;
	v46 =	vld.idx.msk [tilespmem:v51+s11+$0x0], $0xffff  }
0x189: {  	[tilespmem:v2+s18+$0x0] =	vst.idx.msk $0xffff, v50;
	v63 =	vld.idx.msk [tilespmem:v1+s11+$0x0], $0xffff  }
0x18a: {  	v0 =	vor.u32 v11, v41;
	v53 =	vld [tilespmem:$0x1FF70];
	[tilespmem:$0x1FF10] =	vst v56  }
0x18b: {  	v30 =	vmov v60;
	v60 =	vld.idx.msk [tilespmem:v55+s11+$0x0], $0xffff  }
0x18c: {  	v57 =	vor.u32 v7, v44  }
0x18d: {  	v49 =	vor.u32 v15, v39  }
0x18e: {  	v47 =	vor.u32 v61, v42;
	v61 =	vor.u32 v59, v35  }
0x18f: {  	v2 =	vor.u32 v53, v42;
	[tilespmem:v0+s18+$0x0] =	vst.idx.msk $0xffff, v4  }
0x190: {  	[tilespmem:$0x1FF20] =	vst v60  }
0x191: {  	[tilespmem:v57+s18+$0x0] =	vst.idx.msk $0xffff, v54  }
0x192: {  	[tilespmem:v49+s18+$0x0] =	vst.idx.msk $0xffff, v3  }
0x193: {  	[tilespmem:v61+s18+$0x0] =	vst.idx.msk $0xffff, v46  }
0x194: {  	v0 =	vor.u32 v31, v45;
	[tilespmem:v2+s18+$0x0] =	vst.idx.msk $0xffff, v63  }
0x195: {  	v4 =	vor.u32 v53, v37;
	v63 =	vld [tilespmem:$0x1FF10];
	_ =	sdelay $0x2  }
0x196: {  	v58 =	vor.u32 v12, v40  }
0x197: {  	v51 =	vor.u32 v8, v43;
	v54 =	vld.idx.msk [tilespmem:v0+s11+$0x0], $0xffff  }
0x198: {  	v48 =	vor.u32 v6, v33;
	v61 =	vld [tilespmem:$0x1FF50];
	[tilespmem:v4+s18+$0x0] =	vst.idx.msk $0xffff, v63  }
0x199: {  	v50 =	vor.u32 v31, v38;
	v1 =	vor.u32 v59, v32;
	v0 =	vld [tilespmem:$0x1FF20];
	_ =	sdelay $0x1  }
0x19a: {  	v24 =	vmov v59;
	v52 =	vor.u32 v6, v34;
	v62 =	vor.u32 v9, v44;
	v57 =	vld.idx.msk [tilespmem:v58+s11+$0x0], $0xffff  }
0x19b: {  	v59 =	vor.u32 v14, v40;
	v56 =	vor.u32 v16, v36;
	v55 =	vor.u32 v17, v39;
	v60 =	vld.idx.msk [tilespmem:v51+s11+$0x0], $0xffff  }
0x19c: {  	s31 =	simm.s32 $0x7;
	v58 =	vor.u32 v13, v41;
	v49 =	vor.u32 v23, v33;
	v51 =	vor.u32 v26, v35;
	v53 =	vld.idx.msk [tilespmem:v48+s11+$0x0], $0xffff  }
0x19d: {  	s24 =	simm.s32 $0x8;
	v48 =	vor.u32 v61, v45;
	v61 =	vadd.s32 s31, v5;
	v50 =	vld.idx.msk [tilespmem:v50+s11+$0x0], $0xffff;
	[tilespmem:v1+s18+$0x0] =	vst.idx.msk $0xffff, v0  }
.LBB2_9:
0x19e: {  	v6 =	vld [tilespmem:$0x1FF40]  }
0x19f: {  	v25 =	vld [tilespmem:$0x1FF50]  }
0x1a0: {  	v31 =	vld [tilespmem:$0x1FFB0]  }
0x1a1: {  	v23 =	vld [tilespmem:$0x1FFC0]  }
0x1a2: {  	v0 =	vshll.u32 v61, $0x8;
	v1 =	vshll.u32 v61, $0x7;
	v45 =	vmovc v36;
	v36 =	vmovc v43;
	v46 =	vmov v44;
	[tilespmem:v62+s18+$0x0] =	vst.idx.msk $0xffff, v60;
	v60 =	vld [tilespmem:$0x1FF60]  }
0x1a3: {  	v43 =	vor.u32 v15, v41;
	v44 =	vor.u32 v26, v32;
	[tilespmem:v58+s18+$0x0] =	vst.idx.msk $0xffff, v57;
	v56 =	vld.idx.msk [tilespmem:v56+s11+$0x0], $0xffff  }
0x1a4: {  	v0 =	vand.u32 $0x3800, v0;
	v1 =	vand.u32 $0x380, v1;
	v2 =	vld.idx.msk [tilespmem:v52+s11+$0x0], $0xffff;
	v3 =	vor.u32 v6, v37  }
0x1a5: {  	v0 =	vor.u32 v1, v0;
	v58 =	vor.u32 v16, v40;
	v4 =	vld.idx.msk [tilespmem:v59+s11+$0x0], $0xffff;
	[tilespmem:v51+s18+$0x0] =	vst.idx.msk $0xffff, v53  }
0x1a6: {  	v59 =	vor.u32 v5, v0;
	v49 =	vld.idx.msk [tilespmem:v49+s11+$0x0], $0xffff;
	[tilespmem:v47+s18+$0x0] =	vst.idx.msk $0xffff, v54;
	v52 =	vor.u32 v25, v38  }
0x1a7: {  	v63 =	vor.u32 v31, v34;
	v38 =	vmovc v34;
	v34 =	vmovc v40;
	v40 =	vmov v0;
	v0 =	vor.u32 v23, v35  }
0x1a8: {  	v53 =	vor.u32 v17, v41;
	v47 =	vld.idx.msk [tilespmem:v48+s11+$0x0], $0xffff;
	[tilespmem:v55+s18+$0x0] =	vst.idx.msk $0xffff, v56  }
0x1a9: {  	v48 =	vor.u32 v27, v33;
	v54 =	vor.u32 v27, v38;
	[tilespmem:v3+s18+$0x0] =	vst.idx.msk $0xffff, v50  }
0x1aa: {  	v62 =	vor.u32 v60, v42;
	v3 =	vor.u32 v10, v36;
	[tilespmem:v44+s18+$0x0] =	vst.idx.msk $0xffff, v2  }
0x1ab: {  	v44 =	vor.u32 v18, v45;
	v42 =	vld.idx.msk [tilespmem:v52+s11+$0x0], $0xffff;
	[tilespmem:v43+s18+$0x0] =	vst.idx.msk $0xffff, v4;
	v43 =	vor.u32 v60, v37  }
0x1ac: {  	v56 =	vor.u32 v18, v34;
	v50 =	vor.u32 v23, v32;
	[tilespmem:v0+s18+$0x0] =	vst.idx.msk $0xffff, v49;
	v4 =	vld.idx.msk [tilespmem:v63+s11+$0x0], $0xffff  }
0x1ad: {  	v0 =	vadd.s32 s24, v5;
	v49 =	vor.u32 v8, v40;
	v37 =	vmovc v32;
	v1 =	vld.idx.msk [tilespmem:v58+s11+$0x0], $0xffff;
	v63 =	vand.u32 $0x3F, v61  }
0x1ae: {  	v32 =	vmovc v41;
	v60 =	vshll.u32 v0, $0x8;
	v51 =	vld.idx.msk [tilespmem:v59+s11+$0x0], $0xffff;
	v58 =	vor.u32 v19, v39;
	v55 =	vor.u32 v7, v63  }
0x1af: {  	v61 =	vshll.u32 v0, $0x7;
	v41 =	vmov v63;
	v63 =	vor.u32 v12, v36;
	v3 =	vld.idx.msk [tilespmem:v3+s11+$0x0], $0xffff;
	[tilespmem:v62+s18+$0x0] =	vst.idx.msk $0xffff, v47  }
0x1b0: {  	v2 =	vand.u32 $0x3800, v60;
	v61 =	vand.u32 $0x380, v61;
	v62 =	vor.u32 v11, v46;
	v44 =	vld.idx.msk [tilespmem:v44+s11+$0x0], $0xffff;
	[tilespmem:v43+s18+$0x0] =	vst.idx.msk $0xffff, v42  }
0x1b1: {  	v48 =	vld.idx.msk [tilespmem:v48+s11+$0x0], $0xffff;
	v43 =	vor.u32 v61, v2;
	[tilespmem:v50+s18+$0x0] =	vst.idx.msk $0xffff, v4;
	v4 =	vor.u32 v20, v45  }
0x1b2: {  	v52 =	vor.u32 v5, v43;
	v5 =	vld [tilespmem:$0x1FFF0];
	[tilespmem:v53+s18+$0x0] =	vst.idx.msk $0xffff, v1;
	v1 =	vor.u32 v28, v35  }
0x1b3: {  	v53 =	vor.u32 v29, v33;
	v50 =	vld.idx.msk [tilespmem:v54+s11+$0x0], $0xffff;
	[tilespmem:v55+s18+$0x0] =	vst.idx.msk $0xffff, v51;
	v54 =	vor.u32 v28, v37  }
0x1b4: {  	v55 =	vor.u32 v19, v32;
	v51 =	vld.idx.msk [tilespmem:v56+s11+$0x0], $0xffff  }
0x1b5: {  	v60 =	vor.u32 v29, v38;
	[tilespmem:v62+s18+$0x0] =	vst.idx.msk $0xffff, v3;
	v3 =	vor.u32 v9, v41;
	v49 =	vld.idx.msk [tilespmem:v49+s11+$0x0], $0xffff  }
0x1b6: {  	v62 =	vor.u32 v20, v34;
	v2 =	vld.idx.msk [tilespmem:v63+s11+$0x0], $0xffff;
	[tilespmem:v58+s18+$0x0] =	vst.idx.msk $0xffff, v44  }
0x1b7: {  	v57 =	vor.u32 v13, v46;
	v63 =	vor.u32 v10, v40;
	v4 =	vld.idx.msk [tilespmem:v4+s11+$0x0], $0xffff;
	[tilespmem:v1+s18+$0x0] =	vst.idx.msk $0xffff, v48  }
0x1b8: {  	v53 =	vld.idx.msk [tilespmem:v53+s11+$0x0], $0xffff;
	[tilespmem:v54+s18+$0x0] =	vst.idx.msk $0xffff, v50  }
0x1b9: {  	v42 =	vmov v35;
	v35 =	vmov v39;
	v48 =	vor.u32 v21, v39;
	v39 =	vld.idx.msk [tilespmem:v52+s11+$0x0], $0xffff;
	[tilespmem:v55+s18+$0x0] =	vst.idx.msk $0xffff, v51  }
0x1ba: {  	v1 =	vor.u32 v14, v36;
	v54 =	vld.idx.msk [tilespmem:v60+s11+$0x0], $0xffff;
	[tilespmem:v3+s18+$0x0] =	vst.idx.msk $0xffff, v49  }
0x1bb: {  	v61 =	vor.u32 v30, v37;
	v44 =	vand.u32 $0x3F, v0;
	v3 =	vld.idx.msk [tilespmem:v62+s11+$0x0], $0xffff  }
0x1bc: {  	v50 =	vor.u32 v22, v45;
	[tilespmem:v57+s18+$0x0] =	vst.idx.msk $0xffff, v2;
	v0 =	vld.idx.msk [tilespmem:v63+s11+$0x0], $0xffff;
	v62 =	vor.u32 v21, v32  }
0x1bd: {  	v2 =	vor.u32 v11, v41;
	v60 =	vor.u32 v5, v33;
	v63 =	vor.u32 v5, v38;
	v5 =	vld [tilespmem:$0x1FF70]  }
0x1be: {  	v47 =	vor.u32 v6, v42;
	v6 =	vld [tilespmem:$0x1FF30];
	v52 =	vor.u32 v22, v34;
	v51 =	vor.u32 v30, v42  }
0x1bf: {  	v1 =	vld.idx.msk [tilespmem:v1+s11+$0x0], $0xffff;
	[tilespmem:v48+s18+$0x0] =	vst.idx.msk $0xffff, v4  }
0x1c0: {  	v57 =	vor.u32 v7, v44;
	[tilespmem:v61+s18+$0x0] =	vst.idx.msk $0xffff, v54;
	v54 =	vld [tilespmem:$0x1FFE0]  }
0x1c1: {  	v59 =	vor.u32 v12, v40;
	v4 =	vor.u32 v15, v46;
	v48 =	vld.idx.msk [tilespmem:v50+s11+$0x0], $0xffff;
	[tilespmem:v62+s18+$0x0] =	vst.idx.msk $0xffff, v3  }
0x1c2: {  	v50 =	vor.u32 v8, v43;
	v61 =	vld.idx.msk [tilespmem:v63+s11+$0x0], $0xffff;
	[tilespmem:v2+s18+$0x0] =	vst.idx.msk $0xffff, v0;
	v63 =	vor.u32 v5, v37  }
0x1c3: {  	[tilespmem:v51+s18+$0x0] =	vst.idx.msk $0xffff, v53;
	v3 =	vor.u32 v5, v42;
	v5 =	vor.u32 v24, v32;
	v0 =	vld.idx.msk [tilespmem:v52+s11+$0x0], $0xffff  }
0x1c4: {  	v51 =	vor.u32 v24, v35;
	v2 =	vor.u32 v6, v33;
	v6 =	vor.u32 v6, v38  }
0x1c5: {  	v49 =	vld.idx.msk [tilespmem:v60+s11+$0x0], $0xffff;
	[tilespmem:v57+s18+$0x0] =	vst.idx.msk $0xffff, v39;
	v53 =	vor.u32 v54, v45  }
0x1c6: {  	p0 =	slt.u32 s24, $0x3E;
	v58 =	vor.u32 v13, v41;
	[tilespmem:v4+s18+$0x0] =	vst.idx.msk $0xffff, v1  }
.Ltmp6:
0x1c7: {  	v56 =	vor.u32 v16, v36;
	v39 =	vmov v46;
	v57 =	vld.idx.msk [tilespmem:v59+s11+$0x0], $0xffff;
	[tilespmem:v63+s18+$0x0] =	vst.idx.msk $0xffff, v61;
	(pc) =	sbr.rel @p0 .LBB2_9-.Ltmp6, $4  }
0x1c8: {  	v62 =	vor.u32 v9, v44;
	v55 =	vor.u32 v17, v39;
	v60 =	vld.idx.msk [tilespmem:v50+s11+$0x0], $0xffff;
	[tilespmem:v5+s18+$0x0] =	vst.idx.msk $0xffff, v0  }
0x1c9: {  	v59 =	vor.u32 v14, v40;
	[tilespmem:v51+s18+$0x0] =	vst.idx.msk $0xffff, v48;
	v51 =	vor.u32 v26, v35;
	v50 =	vld.idx.msk [tilespmem:v6+s11+$0x0], $0xffff  }
0x1ca: {  	s25 =	sadd.s32 $0x1, s24;
	v23 =	vlaneseq.u32;
	v48 =	vor.u32 v25, v33;
	v52 =	vor.u32 v54, v34;
	v53 =	vld.idx.msk [tilespmem:v53+s11+$0x0], $0xffff;
	[tilespmem:v3+s18+$0x0] =	vst.idx.msk $0xffff, v49  }
0x1cb: {  	s24 =	sadd.s32 $0x2, s24;
	v33 =	vmovc v45;
	v61 =	vadd.s32 s25, v23;
	v5 =	vlaneseq.u32;
	v49 =	vor.u32 v31, v45;
	v54 =	vld.idx.msk [tilespmem:v2+s11+$0x0], $0xffff  }
0x1cc: {  	v0 =	vshll.u32 v61, $0x8;
	v1 =	vshll.u32 v61, $0x7  }
0x1cd: {  	v0 =	vand.u32 $0x3800, v0;
	v1 =	vand.u32 $0x380, v1  }
0x1ce: {  	v46 =	vor.u32 v1, v0  }
0x1cf: {  	v0 =	vor.u32 v5, v46;
	_ =	sdelay $0x3  }
0x1d0: {  	v45 =	vand.u32 $0x3F, v61  }
0x1d1: {  	v63 =	vor.u32 v7, v45;
	v0 =	vld.idx.msk [tilespmem:v0+s11+$0x0], $0xffff  }
0x1d2: {  	v2 =	vor.u32 v8, v46;
	_ =	sdelay $0x3  }
0x1d3: {  	[tilespmem:v63+s18+$0x0] =	vst.idx.msk $0xffff, v0  }
0x1d4: {  	v25 =	vor.u32 v10, v43;
	v61 =	vor.u32 v9, v45;
	v1 =	vld.idx.msk [tilespmem:v2+s11+$0x0], $0xffff  }
0x1d5: {  	v3 =	vor.u32 v10, v46;
	_ =	sdelay $0x2  }
0x1d6: {  	[tilespmem:v62+s18+$0x0] =	vst.idx.msk $0xffff, v60  }
0x1d7: {  	v4 =	vor.u32 v11, v44;
	v0 =	vld.idx.msk [tilespmem:v25+s11+$0x0], $0xffff;
	[tilespmem:v61+s18+$0x0] =	vst.idx.msk $0xffff, v1  }
0x1d8: {  	v62 =	vor.u32 v12, v43;
	v2 =	vld.idx.msk [tilespmem:v3+s11+$0x0], $0xffff;
	v3 =	vor.u32 v11, v45  }
0x1d9: {  	v5 =	vor.u32 v12, v46;
	_ =	sdelay $0x2  }
0x1da: {  	[tilespmem:v4+s18+$0x0] =	vst.idx.msk $0xffff, v0  }
0x1db: {  	v63 =	vor.u32 v13, v44;
	v0 =	vld.idx.msk [tilespmem:v62+s11+$0x0], $0xffff;
	[tilespmem:v3+s18+$0x0] =	vst.idx.msk $0xffff, v2  }
0x1dc: {  	v25 =	vor.u32 v14, v43;
	v4 =	vor.u32 v13, v45;
	v3 =	vld.idx.msk [tilespmem:v5+s11+$0x0], $0xffff  }
0x1dd: {  	v5 =	vor.u32 v14, v46;
	_ =	sdelay $0x1  }
0x1de: {  	[tilespmem:v58+s18+$0x0] =	vst.idx.msk $0xffff, v57  }
0x1df: {  	v6 =	vld.idx.msk [tilespmem:v59+s11+$0x0], $0xffff;
	v60 =	vor.u32 v15, v41;
	[tilespmem:v63+s18+$0x0] =	vst.idx.msk $0xffff, v0  }
0x1e0: {  	v61 =	vor.u32 v16, v40;
	v62 =	vor.u32 v15, v44;
	v1 =	vld.idx.msk [tilespmem:v25+s11+$0x0], $0xffff;
	[tilespmem:v4+s18+$0x0] =	vst.idx.msk $0xffff, v3  }
0x1e1: {  	v3 =	vor.u32 v16, v43;
	v4 =	vld.idx.msk [tilespmem:v5+s11+$0x0], $0xffff;
	v5 =	vor.u32 v15, v45  }
0x1e2: {  	v63 =	vor.u32 v16, v46;
	_ =	sdelay $0x1  }
0x1e3: {  	v56 =	vld.idx.msk [tilespmem:v56+s11+$0x0], $0xffff;
	[tilespmem:v60+s18+$0x0] =	vst.idx.msk $0xffff, v6  }
0x1e4: {  	v6 =	vor.u32 v18, v36;
	v0 =	vld.idx.msk [tilespmem:v61+s11+$0x0], $0xffff;
	v25 =	vor.u32 v17, v41;
	[tilespmem:v62+s18+$0x0] =	vst.idx.msk $0xffff, v1  }
0x1e5: {  	v60 =	vor.u32 v18, v40;
	v61 =	vor.u32 v17, v44;
	v3 =	vld.idx.msk [tilespmem:v3+s11+$0x0], $0xffff;
	[tilespmem:v5+s18+$0x0] =	vst.idx.msk $0xffff, v4  }
0x1e6: {  	v62 =	vor.u32 v17, v45;
	v4 =	vor.u32 v18, v43;
	v5 =	vld.idx.msk [tilespmem:v63+s11+$0x0], $0xffff  }
0x1e7: {  	v63 =	vor.u32 v18, v46  }
0x1e8: {  	[tilespmem:v55+s18+$0x0] =	vst.idx.msk $0xffff, v56  }
0x1e9: {  	v55 =	vor.u32 v19, v39;
	v6 =	vld.idx.msk [tilespmem:v6+s11+$0x0], $0xffff;
	[tilespmem:v25+s18+$0x0] =	vst.idx.msk $0xffff, v0  }
0x1ea: {  	v25 =	vor.u32 v19, v41;
	v1 =	vld.idx.msk [tilespmem:v60+s11+$0x0], $0xffff;
	[tilespmem:v61+s18+$0x0] =	vst.idx.msk $0xffff, v3  }
0x1eb: {  	v3 =	vld.idx.msk [tilespmem:v4+s11+$0x0], $0xffff;
	v4 =	vor.u32 v19, v44;
	[tilespmem:v62+s18+$0x0] =	vst.idx.msk $0xffff, v5  }
0x1ec: {  	[tilespmem:v51+s18+$0x0] =	vst.idx.msk $0xffff, v53;
	v0 =	vor.u32 v20, v36;
	v62 =	vor.u32 v19, v45;
	v61 =	vld.idx.msk [tilespmem:v63+s11+$0x0], $0xffff  }
0x1ed: {  	[tilespmem:v47+s18+$0x0] =	vst.idx.msk $0xffff, v54  }
0x1ee: {  	[tilespmem:v55+s18+$0x0] =	vst.idx.msk $0xffff, v6;
	v60 =	vor.u32 v20, v40  }
0x1ef: {  	[tilespmem:v25+s18+$0x0] =	vst.idx.msk $0xffff, v1  }
0x1f0: {  	v5 =	vor.u32 v20, v43;
	[tilespmem:v4+s18+$0x0] =	vst.idx.msk $0xffff, v3  }
0x1f1: {  	v0 =	vld.idx.msk [tilespmem:v0+s11+$0x0], $0xffff;
	v63 =	vor.u32 v20, v46;
	[tilespmem:v62+s18+$0x0] =	vst.idx.msk $0xffff, v61  }
0x1f2: {  	v25 =	vor.u32 v21, v39;
	v61 =	vld [tilespmem:$0x1FF40]  }
0x1f3: {  	v2 =	vld.idx.msk [tilespmem:v60+s11+$0x0], $0xffff;
	v3 =	vor.u32 v22, v36;
	v4 =	vor.u32 v21, v41;
	_ =	sdelay $0x1  }
0x1f4: {  	v6 =	vor.u32 v22, v40;
	v55 =	vor.u32 v21, v44;
	v5 =	vld.idx.msk [tilespmem:v5+s11+$0x0], $0xffff  }
0x1f5: {  	v51 =	vor.u32 v22, v43;
	v56 =	vor.u32 v21, v45;
	v53 =	vld.idx.msk [tilespmem:v63+s11+$0x0], $0xffff  }
0x1f6: {  	v52 =	vld.idx.msk [tilespmem:v52+s11+$0x0], $0xffff;
	v63 =	vor.u32 v22, v46;
	[tilespmem:v25+s18+$0x0] =	vst.idx.msk $0xffff, v0;
	v62 =	vor.u32 v61, v37  }
0x1f7: {  	v25 =	vor.u32 v26, v32;
	v1 =	vld.idx.msk [tilespmem:v3+s11+$0x0], $0xffff;
	[tilespmem:v4+s18+$0x0] =	vst.idx.msk $0xffff, v2  }
0x1f8: {  	v23 =	vld [tilespmem:$0x1FFE0]  }
0x1f9: {  	v3 =	vor.u32 v24, v39;
	v4 =	vld.idx.msk [tilespmem:v6+s11+$0x0], $0xffff;
	[tilespmem:v55+s18+$0x0] =	vst.idx.msk $0xffff, v5  }
0x1fa: {  	v51 =	vld.idx.msk [tilespmem:v51+s11+$0x0], $0xffff;
	[tilespmem:v56+s18+$0x0] =	vst.idx.msk $0xffff, v53  }
0x1fb: {  	[tilespmem:v62+s18+$0x0] =	vst.idx.msk $0xffff, v50;
	v50 =	vld.idx.msk [tilespmem:v63+s11+$0x0], $0xffff  }
0x1fc: {  	v31 =	vld [tilespmem:$0x1FFC0];
	[tilespmem:v25+s18+$0x0] =	vst.idx.msk $0xffff, v52  }
0x1fd: {  	v2 =	vor.u32 v23, v36;
	v62 =	vld [tilespmem:$0x1FF50]  }
0x1fe: {  	v6 =	vor.u32 v24, v41;
	v63 =	vld [tilespmem:$0x1FF60];
	[tilespmem:v3+s18+$0x0] =	vst.idx.msk $0xffff, v1  }
0x1ff: {  	v55 =	vor.u32 v24, v44;
	v5 =	vor.u32 v23, v40;
	v25 =	vld [tilespmem:$0x1FFB0]  }
0x200: {  	v57 =	vor.u32 v24, v45;
	v47 =	vor.u32 v23, v43  }
0x201: {  	v59 =	vor.u32 v23, v46  }
0x202: {  	v3 =	vor.u32 v26, v39;
	v2 =	vld.idx.msk [tilespmem:v2+s11+$0x0], $0xffff  }
0x203: {  	v49 =	vld.idx.msk [tilespmem:v49+s11+$0x0], $0xffff;
	[tilespmem:v6+s18+$0x0] =	vst.idx.msk $0xffff, v4;
	v58 =	vor.u32 v31, v35;
	v38 =	vor.u32 v62, v38  }
0x204: {  	v6 =	vor.u32 v26, v41;
	[tilespmem:v55+s18+$0x0] =	vst.idx.msk $0xffff, v51;
	v5 =	vld.idx.msk [tilespmem:v5+s11+$0x0], $0xffff;
	v24 =	vor.u32 v25, v34  }
0x205: {  	v52 =	vor.u32 v26, v44;
	v47 =	vld.idx.msk [tilespmem:v47+s11+$0x0], $0xffff;
	[tilespmem:v57+s18+$0x0] =	vst.idx.msk $0xffff, v50;
	v4 =	vor.u32 v25, v36  }
0x206: {  	v54 =	vmov v26;
	v57 =	vor.u32 v26, v45;
	v0 =	vld.idx.msk [tilespmem:v59+s11+$0x0], $0xffff;
	v51 =	vor.u32 v25, v40  }
0x207: {  	v48 =	vld.idx.msk [tilespmem:v48+s11+$0x0], $0xffff;
	v42 =	vor.u32 v63, v42;
	v59 =	vor.u32 v25, v46;
	[tilespmem:v3+s18+$0x0] =	vst.idx.msk $0xffff, v2  }
0x208: {  	[tilespmem:v58+s18+$0x0] =	vst.idx.msk $0xffff, v49;
	v49 =	vor.u32 v25, v43;
	v58 =	vor.u32 v63, v37;
	v38 =	vld.idx.msk [tilespmem:v38+s11+$0x0], $0xffff  }
0x209: {  	v60 =	vor.u32 v27, v33;
	[tilespmem:v6+s18+$0x0] =	vst.idx.msk $0xffff, v5;
	v1 =	vld.idx.msk [tilespmem:v24+s11+$0x0], $0xffff;
	v24 =	vor.u32 v31, v32  }
0x20a: {  	v26 =	vor.u32 v27, v34;
	[tilespmem:v52+s18+$0x0] =	vst.idx.msk $0xffff, v47;
	v3 =	vld.idx.msk [tilespmem:v4+s11+$0x0], $0xffff;
	v4 =	vor.u32 v31, v39  }
0x20b: {  	[tilespmem:v57+s18+$0x0] =	vst.idx.msk $0xffff, v0;
	v5 =	vld.idx.msk [tilespmem:v51+s11+$0x0], $0xffff;
	v51 =	vor.u32 v31, v41  }
0x20c: {  	v6 =	vor.u32 v27, v36;
	v57 =	vor.u32 v31, v45;
	[tilespmem:v42+s18+$0x0] =	vst.idx.msk $0xffff, v48;
	v0 =	vld.idx.msk [tilespmem:v59+s11+$0x0], $0xffff  }
0x20d: {  	v47 =	vor.u32 v27, v40;
	v52 =	vor.u32 v31, v44;
	v49 =	vld.idx.msk [tilespmem:v49+s11+$0x0], $0xffff;
	[tilespmem:v58+s18+$0x0] =	vst.idx.msk $0xffff, v38  }
0x20e: {  	v37 =	vor.u32 v27, v43;
	v59 =	vor.u32 v28, v35;
	v58 =	vld.idx.msk [tilespmem:v60+s11+$0x0], $0xffff;
	[tilespmem:v24+s18+$0x0] =	vst.idx.msk $0xffff, v1  }
0x20f: {  	v24 =	vor.u32 v29, v33;
	[tilespmem:v4+s18+$0x0] =	vst.idx.msk $0xffff, v3;
	v2 =	vld.idx.msk [tilespmem:v26+s11+$0x0], $0xffff;
	v26 =	vor.u32 v28, v32  }
0x210: {  	[tilespmem:v51+s18+$0x0] =	vst.idx.msk $0xffff, v5  }
0x211: {  	v60 =	vor.u32 v27, v46;
	[tilespmem:v57+s18+$0x0] =	vst.idx.msk $0xffff, v0;
	v4 =	vld.idx.msk [tilespmem:v6+s11+$0x0], $0xffff  }
0x212: {  	v6 =	vld.idx.msk [tilespmem:v47+s11+$0x0], $0xffff;
	[tilespmem:v52+s18+$0x0] =	vst.idx.msk $0xffff, v49  }
0x213: {  	v3 =	vor.u32 v29, v34;
	v5 =	vor.u32 v28, v39;
	v37 =	vld.idx.msk [tilespmem:v37+s11+$0x0], $0xffff;
	[tilespmem:v59+s18+$0x0] =	vst.idx.msk $0xffff, v58  }
0x214: {  	v51 =	vor.u32 v28, v41;
	v48 =	vld.idx.msk [tilespmem:v24+s11+$0x0], $0xffff;
	[tilespmem:v26+s18+$0x0] =	vst.idx.msk $0xffff, v2  }
0x215: {  	v0 =	vor.u32 v28, v44;
	v47 =	vor.u32 v29, v36;
	v24 =	vld [tilespmem:$0x1FFF0]  }
0x216: {  	v42 =	vor.u32 v28, v45;
	v49 =	vor.u32 v29, v40;
	v1 =	vld.idx.msk [tilespmem:v60+s11+$0x0], $0xffff  }
0x217: {  	v38 =	vor.u32 v29, v43;
	v2 =	vor.u32 v30, v35  }
0x218: {  	v59 =	vor.u32 v29, v46;
	v26 =	vor.u32 v30, v32;
	v3 =	vld.idx.msk [tilespmem:v3+s11+$0x0], $0xffff;
	[tilespmem:v5+s18+$0x0] =	vst.idx.msk $0xffff, v4  }
0x219: {  	[tilespmem:v51+s18+$0x0] =	vst.idx.msk $0xffff, v6  }
0x21a: {  	v5 =	vld.idx.msk [tilespmem:v47+s11+$0x0], $0xffff;
	[tilespmem:v0+s18+$0x0] =	vst.idx.msk $0xffff, v37;
	v60 =	vor.u32 v24, v33  }
0x21b: {  	v47 =	vld.idx.msk [tilespmem:v49+s11+$0x0], $0xffff;
	[tilespmem:v42+s18+$0x0] =	vst.idx.msk $0xffff, v1  }
0x21c: {  	v37 =	vld.idx.msk [tilespmem:v38+s11+$0x0], $0xffff;
	[tilespmem:v2+s18+$0x0] =	vst.idx.msk $0xffff, v48  }
0x21d: {  	v2 =	vld.idx.msk [tilespmem:v59+s11+$0x0], $0xffff;
	[tilespmem:v26+s18+$0x0] =	vst.idx.msk $0xffff, v3  }
0x21e: {  	v6 =	vor.u32 v30, v39;
	v26 =	vld [tilespmem:$0x1FF70]  }
0x21f: {  	v51 =	vor.u32 v30, v41;
	v4 =	vor.u32 v24, v34;
	v49 =	vor.u32 v24, v36;
	v48 =	vld.idx.msk [tilespmem:v60+s11+$0x0], $0xffff  }
0x220: {  	v0 =	vor.u32 v24, v40;
	v38 =	vor.u32 v24, v43;
	v59 =	vmovc v24;
	v60 =	vor.u32 v24, v46;
	v24 =	vld [tilespmem:$0x1FF30]  }
0x221: {  	v1 =	vor.u32 v30, v44  }
0x222: {  	v42 =	vor.u32 v30, v45;
	_ =	sdelay $0x1  }
0x223: {  	[tilespmem:v6+s18+$0x0] =	vst.idx.msk $0xffff, v5;
	v3 =	vor.u32 v26, v35  }
0x224: {  	v4 =	vld.idx.msk [tilespmem:v4+s11+$0x0], $0xffff;
	[tilespmem:v51+s18+$0x0] =	vst.idx.msk $0xffff, v47;
	v53 =	vor.u32 v26, v32;
	v52 =	vor.u32 v24, v33  }
0x225: {  	[tilespmem:v1+s18+$0x0] =	vst.idx.msk $0xffff, v37;
	v6 =	vld.idx.msk [tilespmem:v49+s11+$0x0], $0xffff;
	v47 =	vor.u32 v26, v39;
	v5 =	vor.u32 v24, v34  }
0x226: {  	[tilespmem:v42+s18+$0x0] =	vst.idx.msk $0xffff, v2;
	v0 =	vld.idx.msk [tilespmem:v0+s11+$0x0], $0xffff;
	v51 =	vor.u32 v26, v41;
	v49 =	vor.u32 v24, v36  }
0x227: {  	v37 =	vld.idx.msk [tilespmem:v38+s11+$0x0], $0xffff;
	v2 =	vor.u32 v26, v44;
	v42 =	vor.u32 v26, v45;
	v1 =	vor.u32 v24, v40  }
0x228: {  	v38 =	vor.u32 v24, v43;
	v33 =	vor.u32 v62, v33;
	[tilespmem:v3+s18+$0x0] =	vst.idx.msk $0xffff, v48;
	v3 =	vld.idx.msk [tilespmem:v60+s11+$0x0], $0xffff  }
0x229: {  	v48 =	vor.u32 v61, v35;
	[tilespmem:v53+s18+$0x0] =	vst.idx.msk $0xffff, v4;
	v4 =	vor.u32 v24, v46;
	v50 =	vld.idx.msk [tilespmem:v52+s11+$0x0], $0xffff  }
0x22a: {  	v60 =	vmov v26;
	[tilespmem:v47+s18+$0x0] =	vst.idx.msk $0xffff, v6;
	v5 =	vld.idx.msk [tilespmem:v5+s11+$0x0], $0xffff;
	v52 =	vor.u32 v61, v32  }
0x22b: {  	v6 =	vor.u32 v62, v34;
	v34 =	vor.u32 v61, v39;
	[tilespmem:v51+s18+$0x0] =	vst.idx.msk $0xffff, v0;
	v47 =	vld.idx.msk [tilespmem:v49+s11+$0x0], $0xffff  }
0x22c: {  	v0 =	vor.u32 v62, v36;
	v24 =	vor.u32 v61, v41;
	[tilespmem:v2+s18+$0x0] =	vst.idx.msk $0xffff, v37;
	v1 =	vld.idx.msk [tilespmem:v1+s11+$0x0], $0xffff  }
0x22d: {  	v26 =	vor.u32 v62, v40;
	v49 =	vor.u32 v61, v44;
	v38 =	vld.idx.msk [tilespmem:v38+s11+$0x0], $0xffff;
	[tilespmem:v42+s18+$0x0] =	vst.idx.msk $0xffff, v3  }
0x22e: {  	v51 =	vor.u32 v61, v45;
	v3 =	vor.u32 v62, v43;
	v4 =	vld.idx.msk [tilespmem:v4+s11+$0x0], $0xffff;
	[tilespmem:v48+s18+$0x0] =	vst.idx.msk $0xffff, v50  }
0x22f: {  	[tilespmem:v52+s18+$0x0] =	vst.idx.msk $0xffff, v5;
	v5 =	vor.u32 v63, v35;
	v52 =	vor.u32 v62, v46;
	v33 =	vld.idx.msk [tilespmem:v33+s11+$0x0], $0xffff  }
0x230: {  	v53 =	vor.u32 v63, v32;
	[tilespmem:v34+s18+$0x0] =	vst.idx.msk $0xffff, v47;
	v6 =	vld.idx.msk [tilespmem:v6+s11+$0x0], $0xffff  }
0x231: {  	v61 =	vor.u32 v63, v39;
	[tilespmem:v24+s18+$0x0] =	vst.idx.msk $0xffff, v1;
	v0 =	vld.idx.msk [tilespmem:v0+s11+$0x0], $0xffff  }
0x232: {  	v62 =	vor.u32 v63, v41;
	[tilespmem:v49+s18+$0x0] =	vst.idx.msk $0xffff, v38;
	v2 =	vld.idx.msk [tilespmem:v26+s11+$0x0], $0xffff  }
0x233: {  	v3 =	vld.idx.msk [tilespmem:v3+s11+$0x0], $0xffff;
	[tilespmem:v51+s18+$0x0] =	vst.idx.msk $0xffff, v4;
	v4 =	vor.u32 v63, v44  }
0x234: {  	v63 =	vor.u32 v63, v45;
	[tilespmem:v5+s18+$0x0] =	vst.idx.msk $0xffff, v33;
	v5 =	vld.idx.msk [tilespmem:v52+s11+$0x0], $0xffff  }
0x235: {  	p0 =	seq.s32 s21, $0x7;
	[tilespmem:v53+s18+$0x0] =	vst.idx.msk $0xffff, v6  }
.Ltmp7:
0x236: {  	[tilespmem:v61+s18+$0x0] =	vst.idx.msk $0xffff, v0;
	(pc) =	sbr.rel @p0 .LBB2_12-.Ltmp7, $4  }
0x237: {  	[tilespmem:v62+s18+$0x0] =	vst.idx.msk $0xffff, v2  }
0x238: {  	[tilespmem:v4+s18+$0x0] =	vst.idx.msk $0xffff, v3  }
0x239: {  	s23 =	sadd.s32 $0x100, s23;
	v56 =	vmov v28;
	v55 =	vmov v27;
	[tilespmem:v63+s18+$0x0] =	vst.idx.msk $0xffff, v5  }
0x23a: {  	v57 =	vmovc v29;
	v28 =	vmovc v31;
	v58 =	vmov v30;
	v29 =	vmov v25;
	v4 =	vmov v23;
	[hbm4b:s3+s15] =	stream.indirect.scatter [tilespmem:s18], [sflag:$0x4], $0x40, s23, s15, $0xb8;
	[tilespmem:$0x11000] =	vst v63  }
0x23b: {  	s22 =	sadd.s32 $0x3, s22  }
.Ltmp8:
0x23c: {  	s23 =	sshll.u32 s22, $0xB;
	(pc) =	sbr.rel .LBB2_2-.Ltmp8, $4  }
0x23d: {  	s22 =	sshll.u32 s22, $0x8;
	s23 =	sand.u32 $0xC000, s23  }
0x23e: {  	s22 =	sand.u32 $0x700, s22;
	s23 =	sadd.s32 s23, s4  }
0x23f: {  	s21 =	sadd.s32 $0x1, s21;
	v5 =	vlaneseq.u32;
	v6 =	vmov v54;
	v24 =	vmov v55;
	s22 =	sadd.s32 s22, s23  }
0x240: {  	v23 =	vld [tilespmem:$0x1FFD0];
	v27 =	vmovc v56;
	v25 =	vmovc v57;
	v30 =	vmov v58;
	v31 =	vmov v59;
	v26 =	vmov v60;
	[tilespmem:s11], [sflag:$0x2] =	stream.strided.gather [hbm4b:s22+s8], $0x4000, s9, s8, $0x38  }
.LBB2_13:
0x241: {  	_ =	sfence.sel $0x180000  }
0x242: {  	[bflag:$0x0] =	sbarrier.arrive $0xFFFF  }
0x243: {  	p0 =	sne.s32 s1, $0x0;
	_ =	strace $0x90000047  }
0x244: {  	s0 =	sadd.s32 @!p0 $0x100000, s0;
	[bflag:$0x2] =	sbarrier.arrive $0xFFFF  }
0x245: {  	[sflag:s0] =	ssyncadd.tile.s32 @!p0 $0x1;
	_ =	shalt  }
.Lfunc_end2:
_tile_overlayer_lowered:
.L_overlay_start_2:
0x246: {  	(tag) =	ssettag $0x2  }
0x247: {  	s0 =	rddreg [dreg:$0x0];
	s2 =	stileid.u32  }
0x248: {  	s1 =	rddreg [dreg:$0x1];
	p0 =	sne.s32 s2, $0x0  }
0x249: {  	s3 =	rddreg [dreg:$0x2];
	[bflag:$0x3] =	sbarrier.arrive $0xFFFF;
	s2 =	simm.s32 @!p0 $0x1C05  }
0x24a: {  	[timem:s3], [sflag:s2] =	dma.local @!p0 [hbm:s0], s1  }
0x24b: {  	s0 =	simm.s32 @!p0 $0x5  }
0x24c: {  	_ =	swait.ge @!p0 [sflag:s0], s1  }
0x24d: {  	s1 =	ssub.s32 @!p0 $0x0, s1;
	[sflag:s0] =	ssyncset.done @!p0 $0x0  }
0x24e: {  	[sflag:s0] =	ssyncadd.s32 @!p0 s1  }
0x24f: {  	[bflag:$0x3] =	sbarrier.arrive $0xFFFF  }
0x250: {  	_ =	shalt  }

// kernel: kernel.7.cloned.1.call-start
scs
__scs_entry_jumppad:
0x0: {  	(pc) =	sbr.rel $0x88, $3  }
0x1: {  	(tag) =	ssettag $0x0;
	lr =	simm.s32 $0x1  }
0x2: {  	[smem:$0x3FA0] =	sst lr;
	_ =	strace $0xD0000000  }
0x3: {  	_ = 	snop  }
0x4: {  	_ = 	snop  }
0x5: {  	_ = 	snop  }
0x6: {  	_ = 	snop  }
0x7: {  	_ = 	snop  }
__scs_overlays_trampoline_lowered:
0x8: {  	[smem:$0x3FAF] =	sst s0  }
0x9: {  	[smem:$0x3FB0] =	sst s1  }
0xa: {  	[smem:$0x3FB1] =	sst s2  }
0xb: {  	[smem:$0x3FB2] =	sst s3  }
0xc: {  	[smem:$0x3FB3] =	sst s4  }
0xd: {  	[smem:$0x3FB4] =	sst s5  }
0xe: {  	[smem:$0x3FB5] =	sst s6  }
0xf: {  	[smem:$0x3FB6] =	sst s7  }
0x10: {  	[smem:$0x3FB7] =	sst s8  }
0x11: {  	[smem:$0x3FB8] =	sst s9;
	s0 =	simm.s32 @!p0 $0x0  }
0x12: {  	s1 =	sld [smem:$0x3F9E];
	s0 =	simm.s32 @p0 $0x1  }
0x13: {  	[smem:$0x3FB9] =	sst s0;
	s0 =	simm.s32 @!p1 $0x0  }
0x14: {  	s2 =	sld [smem:$0x3F9D];
	s0 =	simm.s32 @p1 $0x1  }
0x15: {  	[smem:$0x3FBA] =	sst s0;
	s0 =	simm.s32 @!p2 $0x0  }
0x16: {  	s3 =	sld [smem:$0x3FDB];
	s0 =	simm.s32 @p2 $0x1  }
0x17: {  	s4 =	simm.s32 $0x1BF5;
	[smem:$0x3FBC] =	sst s0  }
0x18: {  	s0 =	sld [smem:$0x3F9F];
	_ =	swait.ge [sflag:s4], $0x0  }
0x19: {  	s7 =	sld [smem:$0x3FA0]  }
0x1a: {  	s8 =	sadd.s32 $0xFFFFE003, lr  }
0x1b: {  	s9 =	sadd.s32 $0xFFFFFEF7, lr;
	s5 =	simm.s32 $0xFFFFFFFF;
	p2 =	slt.u32 s8, $0xFFFFF086  }
0x1c: {  	p1 =	slt.u32 s9, $0xF7A;
	s5 =	simm.s32 @!p2 $0x0  }
0x1d: {  	s5 =	simm.s32 @p1 $0x1;
	p0 =	seq.s32 s7, s2  }
0x1e: {  	s7 =	smul.u32 @!p0 $0xF7A, s2;
	p2 =	seq.s32 @!p0 s5, $0x0  }
0x1f: {  	s9 =	smul.u32 $0xF7A, s1;
	s8 =	simm.s32 @!p0 $0x1BF5;
	p2 =	por !p2, p0  }
0x20: {  	[sflag:s8] =	ssyncset.s32 @!p0 $0xFFFFF086;
	s6 =	sadd.s32 @!p0 s3, s7;
	s7 =	simm.s32 @!p0 $0x108  }
0x21: {  	s3 =	sadd.s32 s3, s9;
	s6 =	sadd.s32 @!p0 $0x88, s6;
	s7 =	simm.s32 @p2 $0x1082  }
0x22: {  	[simem:s7], [sflag:s8] =	dma.local @!p0 [hbm:s6], $0xF7A  }
0x23: {  	s9 =	sor.u32 $0xD0000000, s2;
	s6 =	simm.s32 $0x108;
	_ =	swait.ge @!p0 [sflag:s8], $0x0  }
0x24: {  	s3 =	sadd.s32 $0x88, s3;
	s6 =	simm.s32 @!p1 $0x1082;
	[sflag:s4] =	ssyncset.s32 $0xFFFFF086  }
0x25: {  	[simem:s6], [sflag:s4] =	dma.local [hbm:s3], $0xF7A  }
0x26: {  	[smem:$0x3FA0] =	sst s1;
	(tag) =	ssettag s2;
	_ =	strace s9  }
0x27: {  	s1 =	sld [smem:$0x3FB0]  }
0x28: {  	s2 =	sld [smem:$0x3FB1]  }
0x29: {  	s4 =	sld [smem:$0x3FB3]  }
0x2a: {  	p0 =	seq.s32 s5, $0x0;
	s5 =	sld [smem:$0x3FB4]  }
0x2b: {  	s6 =	sld [smem:$0x3FB5]  }
0x2c: {  	s7 =	sld [smem:$0x3FB6]  }
0x2d: {  	s3 =	simm.s32 $0x108;
	s8 =	sld [smem:$0x3FB7]  }
0x2e: {  	s3 =	simm.s32 @!p0 $0x1082;
	s9 =	sld [smem:$0x3FB8]  }
0x2f: {  	lr =	sadd.s32 s0, s3;
	s0 =	sld [smem:$0x3FAF]  }
0x30: {  	s3 =	sld [smem:$0x3FB2]  }
0x31: {  	[smem:$0x3FBB] =	sst s10  }
0x32: {  	s10 =	sld [smem:$0x3FB9];
	_ =	sdelay $0x3  }
0x33: {  	p0 =	seq.s32 s10, $0x1;
	s10 =	sld [smem:$0x3FBB];
	_ =	sdelay $0x3  }
0x34: {  	[smem:$0x3FBB] =	sst s10  }
0x35: {  	s10 =	sld [smem:$0x3FBA];
	_ =	sdelay $0x3  }
0x36: {  	p1 =	seq.s32 s10, $0x1;
	s10 =	sld [smem:$0x3FBB];
	_ =	sdelay $0x3  }
0x37: {  	[smem:$0x3FBB] =	sst s10  }
0x38: {  	s10 =	sld [smem:$0x3FBC]  }
0x39: {  	_ = 	snop;
	(pc) =	sbr.ind lr, $3  }
0x3a: {  	_ = 	snop  }
0x3b: {  	_ = 	snop  }
0x3c: {  	p2 =	seq.s32 s10, $0x1;
	s10 =	sld [smem:$0x3FBB]  }
0x3d: {  	_ =	shalt  }
0x3e: {  	_ =	shalt  }
0x3f: {  	_ =	shalt  }
0x40: {  	_ =	shalt  }
0x41: {  	_ =	shalt  }
0x42: {  	_ =	shalt  }
0x43: {  	_ =	shalt  }
0x44: {  	_ =	shalt  }
0x45: {  	_ =	shalt  }
0x46: {  	_ =	shalt  }
0x47: {  	_ =	shalt  }
0x48: {  	_ =	shalt  }
0x49: {  	_ =	shalt  }
0x4a: {  	_ =	shalt  }
0x4b: {  	_ =	shalt  }
0x4c: {  	_ =	shalt  }
0x4d: {  	_ =	shalt  }
0x4e: {  	_ =	shalt  }
0x4f: {  	_ =	shalt  }
0x50: {  	_ =	shalt  }
0x51: {  	_ =	shalt  }
0x52: {  	_ =	shalt  }
0x53: {  	_ =	shalt  }
0x54: {  	_ =	shalt  }
0x55: {  	_ =	shalt  }
0x56: {  	_ =	shalt  }
0x57: {  	_ =	shalt  }
0x58: {  	_ =	shalt  }
0x59: {  	_ =	shalt  }
0x5a: {  	_ =	shalt  }
0x5b: {  	_ =	shalt  }
0x5c: {  	_ =	shalt  }
0x5d: {  	_ =	shalt  }
0x5e: {  	_ =	shalt  }
0x5f: {  	_ =	shalt  }
0x60: {  	_ =	shalt  }
0x61: {  	_ =	shalt  }
0x62: {  	_ =	shalt  }
0x63: {  	_ =	shalt  }
0x64: {  	_ =	shalt  }
0x65: {  	_ =	shalt  }
0x66: {  	_ =	shalt  }
0x67: {  	_ =	shalt  }
0x68: {  	_ =	shalt  }
0x69: {  	_ =	shalt  }
0x6a: {  	_ =	shalt  }
0x6b: {  	_ =	shalt  }
0x6c: {  	_ =	shalt  }
0x6d: {  	_ =	shalt  }
0x6e: {  	_ =	shalt  }
0x6f: {  	_ =	shalt  }
0x70: {  	_ =	shalt  }
0x71: {  	_ =	shalt  }
0x72: {  	_ =	shalt  }
0x73: {  	_ =	shalt  }
0x74: {  	_ =	shalt  }
0x75: {  	_ =	shalt  }
0x76: {  	_ =	shalt  }
0x77: {  	_ =	shalt  }
0x78: {  	_ =	shalt  }
0x79: {  	_ =	shalt  }
0x7a: {  	_ =	shalt  }
0x7b: {  	_ =	shalt  }
0x7c: {  	_ =	shalt  }
0x7d: {  	_ =	shalt  }
0x7e: {  	_ =	shalt  }
0x7f: {  	_ =	shalt  }
0x80: {  	_ =	shalt  }
0x81: {  	_ =	shalt  }
0x82: {  	_ =	shalt  }
0x83: {  	_ =	shalt  }
0x84: {  	_ =	shalt  }
0x85: {  	_ =	shalt  }
0x86: {  	_ =	shalt  }
0x87: {  	_ =	shalt  }
.Lfunc_end0:
.L_simem_size_0:
called_computation.1_lowered:
.L_overlay_start_0:
0x88: {  	s2 =	sld [smem:$0x3FD9]  }
0x89: {  	s3 =	sld [smem:$0x3FFE];
	_ =	sdelay $0x1  }
0x8a: {  	s1 =	srdreg.scid  }
0x8b: {  	s0 =	sand.u32 $0x1, s1  }
0x8c: {  	s17 =	sshll.u32 s0, $0xA;
	s2 =	sadd.s32 s3, s2  }
0x8d: {  	s2 =	sadd.s32 s2, s17  }
0x8e: {  	[smem:$0x3FC7] =	sst s2  }
0x8f: {  	_ = 	snop  }
0x90: {  	s2 =	sld [smem:$0x3FD0];
	(tm) =	ssettm $0x1  }
0x91: {  	s18 =	sld [smem:$0x3FFB];
	_ =	sdelay $0x3  }
0x92: {  	_ =	strace s18  }
0x93: {  	s3 =	sld [smem:$0x3FFC];
	_ =	sdelay $0x3  }
0x94: {  	_ =	strace s3  }
0x95: {  	s3 =	sld [smem:$0x3FFD];
	_ =	sdelay $0x3  }
0x96: {  	_ =	strace s3  }
0x97: {  	_ =	strace $0x8FFFFFFF  }
0x98: {  	s19 =	sld [smem:$0x3FDB];
	_ =	sdelay $0x1  }
0x99: {  	s4 =	simm.s32 $_scs_section_size  }
0x9a: {  	s5 =	simm.s32 $_size__tile_overlayer_lowered;
	s6 =	simm.s32 $_tile_overlayer_lowered  }
0x9b: {  	s22 =	simm.s32 $0x1BFF;
	s21 =	sshll.u32 s6, $0x1;
	s3 =	sadd.s32 s4, s19  }
0x9c: {  	s7 =	simm.s32 $0x0;
	s20 =	sshll.u32 s5, $0x1;
	s5 =	sadd.s32 s21, s3  }
0x9d: {  	[timem:s7], [sflag:s22] =	dma.local [hbm:s5], s20  }
0x9e: {  	_ =	swait.ge [sflag:s22], s20  }
0x9f: {  	s4 =	ssub.s32 $0x0, s20;
	[sflag:s22] =	ssyncset.done $0x0  }
0xa0: {  	[sflag:s22] =	ssyncadd.s32 s4;
	_ =	sdelay $0x1  }
0xa1: {  	s23 =	simm.s32 $0x1B8B  }
0xa2: {  	_ =	swait.ge [sflag:s23], $0x1  }
0xa3: {  	[sflag:s23] =	ssyncset.done $0x0  }
0xa4: {  	s25 =	simm.s32 $0x1B8E;
	s24 =	sld [smem:$0x3FFE];
	[sflag:s23] =	ssyncadd.s32 $0xFFFFFFFF  }
0xa5: {  	s26 =	simm.s32 $execute0_lowered;
	[smem:$0x3FD2] =	sst s25  }
0xa6: {  	s5 =	sshll.u32 s26, $0x1;
	_ =	strace $0x80000049;
	[dreg:$0x1] =	wrdreg $0xFFFFFFFF  }
0xa7: {  	s28 =	simm.s32 $_size_execute0_lowered;
	s3 =	sadd.s32 s3, s5;
	[dreg:$0x0] =	wrdreg $0x0  }
0xa8: {  	s5 =	sshll.u32 s28, $0x1;
	[dreg:$0x2] =	wrdreg s3  }
0xa9: {  	[dreg:$0x3] =	wrdreg s5  }
0xaa: {  	[dreg:$0x4] =	wrdreg $0xC0  }
0xab: {  	_ =	task [dreg:s7], $0x5FFFF  }
0xac: {  	[dreg:$0x1] =	wrdreg $0xFFFFFFFF  }
0xad: {  	[dreg:$0x0] =	wrdreg $0x60  }
0xae: {  	[dreg:$0x2] =	wrdreg s24  }
0xaf: {  	[dreg:$0x3] =	wrdreg s2  }
0xb0: {  	[dreg:$0x4] =	wrdreg $0x9  }
0xb1: {  	_ =	task.clear_ibuf [dreg:s7], $0x5FFFF;
	_ =	strace $0x90000049  }
0xb2: {  	s29 =	simm.s32 $0x9;
	_ =	strace $0x8000004B  }
0xb3: {  	_ =	swait.ge [sflag:s29], $0x1  }
0xb4: {  	[sflag:s29] =	ssyncadd.s32 $0xFFFFFFFF  }
0xb5: {  	_ =	strace $0x9000004B  }
0xb6: {  	_ =	sfence  }
0xb7: {  	s30 =	sld [smem:$0x0];
	_ =	sdelay $0x2  }
0xb8: {  	s31 =	sshll.u32 s1, $0xD;
	s1 =	sshrl.u32 s1, $0x2  }
0xb9: {  	s3 =	sand.u32 $0x4000, s31;
	s1 =	sadd.s32 s1, s30  }
0xba: {  	s0 =	sor.u32 s3, s0;
	s1 =	sshll.u32 s1, $0x11  }
0xbb: {  	s0 =	sor.u32 s1, s0  }
0xbc: {  	s0 =	sadd.s32 $0x8F2B, s0  }
0xbd: {  	[sflag:s0] =	ssyncadd.remote.s32 $0x1  }
0xbe: {  	_ =	sfence.sel $0xFFFF  }
0xbf: {  	[dreg:$0x0] =	wrdreg $0xFFFFFFFF;
	(pc) =	sbr.abs _section_cstart, $3  }
0xc0: {  	[dreg:$0x1] =	wrdreg $0xFFFFFFFF  }
0xc1: {  	_ =	task.clear_ibuf [dreg:s7], $0x2FFFF;
	_ =	strace $0x9FFFFFFF  }
0xc2: {  	(tm) =	ssettm $0x7FFFFFFF  }
0xc3: {  	_ =	shalt  }
tec
execute0_lowered:
.L_overlay_start_1:
0x0: {  	(tag) =	ssettag $0x1  }
0x1: {  	s4 =	rddreg [dreg:$0x0]  }
0x2: {  	v0 =	vlaneseq.u32;
	s2 =	rddreg [dreg:$0x1];
	s3 =	simm.s32 $0x0  }
0x3: {  	v62 =	vor.u32 $0x10, v0;
	[smem:$0x7FF] =	sst s3  }
0x4: {  	s0 =	rddreg [dreg:$0x2];
	v8 =	vor.u32 $0x20, v0;
	_ =	strace $0x8000004A;
	[tilespmem:$0x1FE30] =	vst v62  }
0x5: {  	v10 =	vor.u32 $0x30, v0;
	[tilespmem:$0x1FE50] =	vst v8  }
0x6: {  	v12 =	vor.u32 $0x40, v0;
	[tilespmem:$0x1FE70] =	vst v10  }
0x7: {  	v6 =	vor.u32 $0x50, v0;
	[tilespmem:$0x1FE90] =	vst v12  }
0x8: {  	v14 =	vor.u32 $0x60, v0;
	[tilespmem:$0x1FEB0] =	vst v6  }
0x9: {  	v18 =	vor.u32 $0x70, v0;
	[tilespmem:$0x1FED0] =	vst v14  }
0xa: {  	v30 =	vor.u32 $0x400, v0;
	[tilespmem:$0x1FEF0] =	vst v18  }
0xb: {  	v21 =	vor.u32 $0x410, v0;
	[tilespmem:$0x1FF10] =	vst v30  }
0xc: {  	v23 =	vor.u32 $0x420, v0;
	[tilespmem:$0x1FF30] =	vst v21  }
0xd: {  	v26 =	vor.u32 $0x430, v0;
	[tilespmem:$0x1FF50] =	vst v23  }
0xe: {  	v29 =	vor.u32 $0x440, v0;
	[tilespmem:$0x1FF70] =	vst v26  }
0xf: {  	v25 =	vor.u32 $0x450, v0;
	[tilespmem:$0x1FF90] =	vst v29  }
0x10: {  	v27 =	vor.u32 $0x460, v0;
	[tilespmem:$0x1FFA0] =	vst v25  }
0x11: {  	v1 =	vmul.u32 $0x40, v0;
	v0 =	vor.u32 $0x470, v0;
	[tilespmem:$0x1FFC0] =	vst v27  }
0x12: {  	[tilespmem:$0x1FFD0] =	vst v0  }
0x13: {  	v5 =	vor.u32 $0x400, v1;
	[tilespmem:$0x1FFF0] =	vst v1  }
0x14: {  	v7 =	vor.u32 $0x800, v1;
	[tilespmem:$0x1FE20] =	vst v5  }
0x15: {  	v9 =	vor.u32 $0xC00, v1;
	[tilespmem:$0x1FE40] =	vst v7  }
0x16: {  	v11 =	vor.u32 $0x1000, v1;
	[tilespmem:$0x1FE60] =	vst v9  }
0x17: {  	v13 =	vor.u32 $0x1400, v1;
	[tilespmem:$0x1FE80] =	vst v11  }
0x18: {  	v15 =	vor.u32 $0x1800, v1;
	[tilespmem:$0x1FEA0] =	vst v13  }
0x19: {  	s5 =	srdreg.scid;
	s1 =	stileid.u32;
	v17 =	vor.u32 $0x1C00, v1;
	[tilespmem:$0x1FEC0] =	vst v15  }
0x1a: {  	s11 =	simm.s32 $0x4000;
	s12 =	simm.s32 $0x1;
	s13 =	simm.s32 $0x8000;
	v16 =	vor.u32 $0x2000, v1;
	[tilespmem:$0x1FEE0] =	vst v17  }
0x1b: {  	s14 =	simm.s32 $0x800;
	s15 =	simm.s32 $0x2;
	s16 =	simm.s32 $0x4;
	v20 =	vor.u32 $0x2400, v1;
	[tilespmem:$0x1FF00] =	vst v16  }
0x1c: {  	s17 =	simm.s32 $0xC000;
	s18 =	simm.s32 $0x3;
	s19 =	simm.s32 $0x0;
	v3 =	vor.u32 $0x2800, v1;
	[tilespmem:$0x1FF20] =	vst v20  }
.Ltmp0:
0x1d: {  	s5 =	sand.u32 $0x1, s5;
	s6 =	sshll.u32 s1, $0x1;
	v22 =	vor.u32 $0x2C00, v1;
	[tilespmem:$0x1FF40] =	vst v3;
	(pc) =	sbr.rel .LBB2_1-.Ltmp0, $4  }
0x1e: {  	s4 =	sadd.s32 $0x800, s4;
	s7 =	sor.u32 s5, s6;
	s8 =	ssub.s32 $0x2, s5;
	v31 =	vor.u32 $0x3000, v1;
	[tilespmem:$0x1FF60] =	vst v22  }
0x1f: {  	s5 =	sshll.u32 s7, $0xF;
	s9 =	sshrl.u32 s8, $0x1;
	s31 =	sshll.u32 s7, $0xC;
	v28 =	vor.u32 $0x3800, v1;
	[tilespmem:$0x1FF80] =	vst v31  }
0x20: {  	v19 =	vor.u32 $0x3C00, v1;
	s6 =	sadd.s32 s4, s5;
	s10 =	ssub.s32 s8, s9;
	s8 =	sor.u32 $0x200, s31;
	[tilespmem:$0x1FFB0] =	vst v28  }
0x21: {  	v4 =	vor.u32 $0x3400, v1;
	s9 =	sor.u32 $0x300, s31;
	[tilespmem:$0x1FFE0] =	vst v19;
	s7 =	sadd.s32 $0x800, s6;
	s10 =	smax.u32 s10, $0x1  }
.LBB2_12:
0x22: {  	_ =	swait.ge [sflag:s18], $0x4000  }
0x23: {  	[sflag:s18] =	ssyncset.done $0x0  }
0x24: {  	[sflag:s18] =	ssyncadd.s32 $0xFFFFC000  }
0x25: {  	_ =	swait.ge [sflag:s16], $0x4000  }
0x26: {  	s19 =	sadd.s32 $0x1, s19;
	v1 =	vld [tilespmem:$0x1FFF0]  }
0x27: {  	p0 =	sne.s32 s19, s10;
	v20 =	vld [tilespmem:$0x1FF20]  }
.Ltmp1:
0x28: {  	v3 =	vld [tilespmem:$0x1FF40];
	(pc) =	sbr.rel @!p0 .LBB2_13-.Ltmp1, $4  }
0x29: {  	v22 =	vld [tilespmem:$0x1FF60]  }
0x2a: {  	v31 =	vld [tilespmem:$0x1FF80]  }
0x2b: {  	[sflag:s16] =	ssyncset.done $0x0;
	v25 =	vld [tilespmem:$0x1FFA0]  }
0x2c: {  	v4 =	vmov v2;
	v27 =	vld [tilespmem:$0x1FFC0];
	[sflag:s16] =	ssyncadd.s32 $0xFFFFC000  }
.LBB2_1:
0x2d: {  	[tilespmem:s3], [sflag:$0x1] =	stream.linear.gather [hbm4b:s6+s3], $0x4000, $0x38;
	[tilespmem:$0x10000] =	vst v63  }
0x2e: {  	s20 =	simm.s32 $0x0  }
0x2f: {  	[tilespmem:s11], [sflag:$0x2] =	stream.linear.gather [hbm4b:s7+s3], $0x4000, $0x38;
	[tilespmem:$0x10000] =	vst v63  }
.LBB2_2:
0x30: {  	s21 =	simm.s32 $0x0;
	v0 =	vlaneseq.u32  }
0x31: {  	s25 =	simm.s32 $0x1;
	v32 =	vadd.s32 s21, v0  }
0x32: {  	_ =	swait.ge [sflag:s12], $0x4000;
	v33 =	vadd.s32 s25, v0;
	v45 =	vand.u32 $0x3F, v32  }
0x33: {  	p0 =	seq.s32 s20, $0x0;
	[sflag:s12] =	ssyncset.done $0x0;
	v44 =	vand.u32 $0x3F, v33;
	v34 =	vor.u32 v1, v45  }
0x34: {  	s21 =	simm.s32 @!p0 $0x3;
	[sflag:s12] =	ssyncadd.s32 $0xFFFFC000;
	v36 =	vor.u32 v1, v44  }
0x35: {  	v35 =	vshll.u32 v32, $0x8;
	v32 =	vshll.u32 v32, $0x7;
	v37 =	vshll.u32 v33, $0x8;
	_ =	swait.ge @!p0 [sflag:s21], $0x4000  }
0x36: {  	v33 =	vshll.u32 v33, $0x7;
	v35 =	vand.u32 $0x3800, v35;
	v32 =	vand.u32 $0x380, v32;
	[sflag:s21] =	ssyncset.done @!p0 $0x0  }
0x37: {  	v58 =	vand.u32 $0x3800, v37;
	v33 =	vand.u32 $0x380, v33;
	v41 =	vor.u32 v32, v35;
	[sflag:s21] =	ssyncadd.s32 @!p0 $0xFFFFC000  }
0x38: {  	v38 =	vor.u32 v33, v58;
	v35 =	vor.u32 v0, v41;
	v34 =	vld.idx.msk [tilespmem:v34+s3+$0x0], $0xffff  }
0x39: {  	v59 =	vor.u32 v5, v45;
	v61 =	vor.u32 v0, v38;
	v60 =	vld.idx.msk [tilespmem:v36+s3+$0x0], $0xffff  }
0x3a: {  	v63 =	vor.u32 v5, v44;
	_ =	sdelay $0x2  }
0x3b: {  	[tilespmem:v35+s13+$0x0] =	vst.idx.msk $0xffff, v34  }
0x3c: {  	v40 =	vor.u32 v62, v41;
	[tilespmem:v61+s13+$0x0] =	vst.idx.msk $0xffff, v60;
	v32 =	vld.idx.msk [tilespmem:v59+s3+$0x0], $0xffff  }
0x3d: {  	v42 =	vor.u32 v7, v45;
	v46 =	vor.u32 v62, v38;
	v43 =	vld.idx.msk [tilespmem:v63+s3+$0x0], $0xffff  }
0x3e: {  	v47 =	vor.u32 v7, v44;
	_ =	sdelay $0x2  }
0x3f: {  	[tilespmem:v40+s13+$0x0] =	vst.idx.msk $0xffff, v32  }
0x40: {  	v48 =	vor.u32 v8, v41;
	[tilespmem:v46+s13+$0x0] =	vst.idx.msk $0xffff, v43;
	v32 =	vld.idx.msk [tilespmem:v42+s3+$0x0], $0xffff  }
0x41: {  	v49 =	vor.u32 v9, v45;
	v50 =	vor.u32 v8, v38;
	v35 =	vld.idx.msk [tilespmem:v47+s3+$0x0], $0xffff  }
0x42: {  	v51 =	vor.u32 v9, v44;
	_ =	sdelay $0x2  }
0x43: {  	[tilespmem:v48+s13+$0x0] =	vst.idx.msk $0xffff, v32  }
0x44: {  	v52 =	vor.u32 v10, v41;
	[tilespmem:v50+s13+$0x0] =	vst.idx.msk $0xffff, v35;
	v33 =	vld.idx.msk [tilespmem:v49+s3+$0x0], $0xffff  }
0x45: {  	v53 =	vor.u32 v11, v45;
	v54 =	vor.u32 v10, v38;
	v36 =	vld.idx.msk [tilespmem:v51+s3+$0x0], $0xffff  }
0x46: {  	v39 =	vor.u32 v11, v44  }
0x47: {  	s26 =	simm.s32 $0x2  }
0x48: {  	v40 =	vadd.s32 s26, v0  }
0x49: {  	s28 =	simm.s32 $0x3;
	v58 =	vor.u32 v12, v41;
	v32 =	vand.u32 $0x3F, v40;
	[tilespmem:v52+s13+$0x0] =	vst.idx.msk $0xffff, v33  }
0x4a: {  	v60 =	vadd.s32 s28, v0;
	v43 =	vor.u32 v1, v32;
	[tilespmem:v54+s13+$0x0] =	vst.idx.msk $0xffff, v36;
	v57 =	vld.idx.msk [tilespmem:v53+s3+$0x0], $0xffff  }
0x4b: {  	v59 =	vor.u32 v13, v45;
	v46 =	vor.u32 v12, v38;
	v42 =	vshll.u32 v40, $0x8;
	v37 =	vld.idx.msk [tilespmem:v39+s3+$0x0], $0xffff  }
0x4c: {  	v55 =	vshll.u32 v40, $0x7;
	v47 =	vor.u32 v13, v44;
	v33 =	vand.u32 $0x3F, v60  }
0x4d: {  	v56 =	vand.u32 $0x3800, v42;
	v61 =	vand.u32 $0x380, v55;
	v48 =	vor.u32 v1, v33  }
0x4e: {  	v63 =	vor.u32 v6, v41;
	v35 =	vor.u32 v61, v56  }
0x4f: {  	v49 =	vor.u32 v0, v35;
	v43 =	vld.idx.msk [tilespmem:v43+s3+$0x0], $0xffff;
	v53 =	vshll.u32 v60, $0x8;
	v39 =	vshll.u32 v60, $0x7;
	[tilespmem:v58+s13+$0x0] =	vst.idx.msk $0xffff, v57  }
0x50: {  	v54 =	vor.u32 v5, v32;
	v34 =	vand.u32 $0x3800, v53;
	v55 =	vand.u32 $0x380, v39;
	[tilespmem:v46+s13+$0x0] =	vst.idx.msk $0xffff, v37;
	v36 =	vld.idx.msk [tilespmem:v59+s3+$0x0], $0xffff  }
0x51: {  	v56 =	vor.u32 v15, v45;
	v34 =	vor.u32 v55, v34;
	v57 =	vor.u32 v6, v38;
	v46 =	vld.idx.msk [tilespmem:v47+s3+$0x0], $0xffff  }
0x52: {  	v50 =	vor.u32 v15, v44;
	v58 =	vld.idx.msk [tilespmem:v48+s3+$0x0], $0xffff;
	v59 =	vor.u32 v0, v34  }
0x53: {  	v51 =	vor.u32 v5, v33  }
0x54: {  	[tilespmem:v49+s13+$0x0] =	vst.idx.msk $0xffff, v43  }
0x55: {  	v55 =	vor.u32 v62, v35;
	v54 =	vld.idx.msk [tilespmem:v54+s3+$0x0], $0xffff;
	[tilespmem:v63+s13+$0x0] =	vst.idx.msk $0xffff, v36  }
0x56: {  	v61 =	vor.u32 v14, v41;
	v60 =	vor.u32 v7, v32;
	[tilespmem:v57+s13+$0x0] =	vst.idx.msk $0xffff, v46;
	v39 =	vld.idx.msk [tilespmem:v56+s3+$0x0], $0xffff  }
0x57: {  	v63 =	vor.u32 v17, v45;
	[tilespmem:v59+s13+$0x0] =	vst.idx.msk $0xffff, v58;
	v46 =	vld.idx.msk [tilespmem:v50+s3+$0x0], $0xffff;
	v56 =	vor.u32 v14, v38  }
0x58: {  	v57 =	vor.u32 v62, v34;
	v58 =	vor.u32 v17, v44;
	v48 =	vld.idx.msk [tilespmem:v51+s3+$0x0], $0xffff  }
0x59: {  	v59 =	vor.u32 v7, v33  }
0x5a: {  	[tilespmem:v55+s13+$0x0] =	vst.idx.msk $0xffff, v54  }
0x5b: {  	v54 =	vor.u32 v8, v35;
	v36 =	vld.idx.msk [tilespmem:v60+s3+$0x0], $0xffff;
	[tilespmem:v61+s13+$0x0] =	vst.idx.msk $0xffff, v39  }
0x5c: {  	v55 =	vor.u32 v9, v32;
	v60 =	vor.u32 v18, v41;
	[tilespmem:v56+s13+$0x0] =	vst.idx.msk $0xffff, v46;
	v37 =	vld.idx.msk [tilespmem:v63+s3+$0x0], $0xffff  }
0x5d: {  	v61 =	vor.u32 v16, v45;
	[tilespmem:v57+s13+$0x0] =	vst.idx.msk $0xffff, v48;
	v46 =	vld.idx.msk [tilespmem:v58+s3+$0x0], $0xffff;
	v63 =	vor.u32 v18, v38  }
0x5e: {  	v56 =	vor.u32 v8, v34;
	v57 =	vor.u32 v16, v44;
	v48 =	vld.idx.msk [tilespmem:v59+s3+$0x0], $0xffff  }
0x5f: {  	v58 =	vor.u32 v9, v33  }
0x60: {  	[tilespmem:v54+s13+$0x0] =	vst.idx.msk $0xffff, v36  }
0x61: {  	v40 =	vor.u32 v10, v35;
	v39 =	vld.idx.msk [tilespmem:v55+s3+$0x0], $0xffff;
	[tilespmem:v60+s13+$0x0] =	vst.idx.msk $0xffff, v37  }
0x62: {  	v52 =	vor.u32 v30, v41;
	v60 =	vor.u32 v11, v32;
	[tilespmem:v63+s13+$0x0] =	vst.idx.msk $0xffff, v46;
	v43 =	vld.idx.msk [tilespmem:v61+s3+$0x0], $0xffff  }
0x63: {  	s29 =	simm.s32 $0x4;
	v46 =	vor.u32 v20, v45;
	[tilespmem:v56+s13+$0x0] =	vst.idx.msk $0xffff, v48;
	v48 =	vor.u32 v30, v38;
	v47 =	vld.idx.msk [tilespmem:v57+s3+$0x0], $0xffff  }
0x64: {  	v53 =	vor.u32 v20, v44;
	v59 =	vadd.s32 s29, v0;
	v63 =	vor.u32 v10, v34;
	v50 =	vld.idx.msk [tilespmem:v58+s3+$0x0], $0xffff  }
0x65: {  	v49 =	vor.u32 v23, v41;
	v55 =	vor.u32 v11, v33;
	v37 =	vand.u32 $0x3F, v59  }
0x66: {  	v54 =	vshll.u32 v59, $0x7;
	[tilespmem:v40+s13+$0x0] =	vst.idx.msk $0xffff, v39;
	v61 =	vshll.u32 v59, $0x8;
	v56 =	vor.u32 v1, v37  }
0x67: {  	v59 =	vand.u32 $0x380, v54;
	v58 =	vand.u32 $0x3800, v61;
	v40 =	vld.idx.msk [tilespmem:v60+s3+$0x0], $0xffff;
	v60 =	vor.u32 v12, v35;
	[tilespmem:v52+s13+$0x0] =	vst.idx.msk $0xffff, v43  }
0x68: {  	v61 =	vor.u32 v21, v41;
	v43 =	vor.u32 v13, v32;
	[tilespmem:v48+s13+$0x0] =	vst.idx.msk $0xffff, v47;
	v46 =	vld.idx.msk [tilespmem:v46+s3+$0x0], $0xffff  }
0x69: {  	s30 =	simm.s32 $0x5;
	v47 =	vor.u32 v3, v45;
	[tilespmem:v63+s13+$0x0] =	vst.idx.msk $0xffff, v50;
	v63 =	vor.u32 v21, v38;
	v48 =	vld.idx.msk [tilespmem:v53+s3+$0x0], $0xffff  }
0x6a: {  	v54 =	vor.u32 v3, v44;
	v52 =	vadd.s32 s30, v0;
	v51 =	vld.idx.msk [tilespmem:v55+s3+$0x0], $0xffff;
	v53 =	vor.u32 v12, v34  }
0x6b: {  	v57 =	vor.u32 v13, v33;
	v36 =	vor.u32 v59, v58;
	v39 =	vand.u32 $0x3F, v52  }
0x6c: {  	v56 =	vld.idx.msk [tilespmem:v56+s3+$0x0], $0xffff;
	v55 =	vor.u32 v0, v36;
	v58 =	vor.u32 v1, v39;
	[tilespmem:v60+s13+$0x0] =	vst.idx.msk $0xffff, v40  }
0x6d: {  	v60 =	vor.u32 v6, v35;
	v43 =	vld.idx.msk [tilespmem:v43+s3+$0x0], $0xffff;
	[tilespmem:v61+s13+$0x0] =	vst.idx.msk $0xffff, v46;
	v61 =	vor.u32 v5, v37  }
0x6e: {  	v59 =	vor.u32 v15, v32;
	[tilespmem:v63+s13+$0x0] =	vst.idx.msk $0xffff, v48;
	v63 =	vshll.u32 v52, $0x8;
	v52 =	vshll.u32 v52, $0x7;
	v47 =	vld.idx.msk [tilespmem:v47+s3+$0x0], $0xffff  }
0x6f: {  	[tilespmem:v53+s13+$0x0] =	vst.idx.msk $0xffff, v51;
	v51 =	vor.u32 v23, v38;
	v50 =	vld.idx.msk [tilespmem:v54+s3+$0x0], $0xffff;
	v40 =	vand.u32 $0x3800, v63;
	v48 =	vand.u32 $0x380, v52  }
0x70: {  	v52 =	vor.u32 v22, v45;
	v53 =	vld.idx.msk [tilespmem:v57+s3+$0x0], $0xffff;
	v40 =	vor.u32 v48, v40;
	v48 =	vor.u32 v6, v34  }
0x71: {  	[tilespmem:v55+s13+$0x0] =	vst.idx.msk $0xffff, v56;
	v55 =	vor.u32 v22, v44;
	v54 =	vld.idx.msk [tilespmem:v58+s3+$0x0], $0xffff;
	v56 =	vor.u32 v0, v40  }
0x72: {  	[tilespmem:v60+s13+$0x0] =	vst.idx.msk $0xffff, v43;
	v60 =	vor.u32 v15, v33;
	v42 =	vld.idx.msk [tilespmem:v61+s3+$0x0], $0xffff;
	v61 =	vor.u32 v62, v36  }
0x73: {  	s31 =	simm.s32 $0x6;
	v63 =	vor.u32 v5, v39;
	v57 =	vor.u32 v7, v37;
	[tilespmem:v49+s13+$0x0] =	vst.idx.msk $0xffff, v47  }
0x74: {  	v58 =	vld.idx.msk [tilespmem:v59+s3+$0x0], $0xffff;
	v59 =	vor.u32 v14, v35;
	v49 =	vadd.s32 s31, v0;
	[tilespmem:v51+s13+$0x0] =	vst.idx.msk $0xffff, v50  }
0x75: {  	v47 =	vor.u32 v31, v44;
	v51 =	vld.idx.msk [tilespmem:v52+s3+$0x0], $0xffff;
	[tilespmem:v48+s13+$0x0] =	vst.idx.msk $0xffff, v53;
	v48 =	vor.u32 v26, v41  }
0x76: {  	v52 =	vor.u32 v17, v32;
	v53 =	vld.idx.msk [tilespmem:v55+s3+$0x0], $0xffff;
	[tilespmem:v56+s13+$0x0] =	vst.idx.msk $0xffff, v54;
	v54 =	vor.u32 v26, v38  }
0x77: {  	v56 =	vor.u32 v31, v45;
	v55 =	vld.idx.msk [tilespmem:v60+s3+$0x0], $0xffff;
	[tilespmem:v61+s13+$0x0] =	vst.idx.msk $0xffff, v42;
	v42 =	vor.u32 v14, v34  }
0x78: {  	v2 =	vmovc v62;
	v50 =	vshll.u32 v49, $0x8;
	v43 =	vand.u32 $0x3F, v49;
	v46 =	vld.idx.msk [tilespmem:v63+s3+$0x0], $0xffff;
	v61 =	vor.u32 v62, v40  }
0x79: {  	v63 =	vor.u32 v8, v36;
	v62 =	vor.u32 v17, v33;
	[tilespmem:v59+s13+$0x0] =	vst.idx.msk $0xffff, v58;
	v57 =	vld.idx.msk [tilespmem:v57+s3+$0x0], $0xffff  }
0x7a: {  	v60 =	vshll.u32 v49, $0x7;
	v49 =	vor.u32 v7, v39;
	v58 =	vor.u32 v9, v37;
	[tilespmem:v48+s13+$0x0] =	vst.idx.msk $0xffff, v51  }
0x7b: {  	v48 =	vld.idx.msk [tilespmem:v52+s3+$0x0], $0xffff;
	v51 =	vor.u32 v4, v45;
	v52 =	vor.u32 v18, v35;
	[tilespmem:v54+s13+$0x0] =	vst.idx.msk $0xffff, v53  }
0x7c: {  	v53 =	vor.u32 v1, v43;
	v54 =	vld.idx.msk [tilespmem:v56+s3+$0x0], $0xffff;
	[tilespmem:v42+s13+$0x0] =	vst.idx.msk $0xffff, v55;
	v55 =	vor.u32 v29, v41  }
0x7d: {  	v56 =	vor.u32 v16, v32;
	v47 =	vld.idx.msk [tilespmem:v47+s3+$0x0], $0xffff;
	[tilespmem:v61+s13+$0x0] =	vst.idx.msk $0xffff, v46;
	v46 =	vor.u32 v29, v38  }
0x7e: {  	v42 =	vand.u32 $0x3800, v50;
	v50 =	vand.u32 $0x380, v60;
	v59 =	vld.idx.msk [tilespmem:v62+s3+$0x0], $0xffff;
	[tilespmem:v63+s13+$0x0] =	vst.idx.msk $0xffff, v57;
	v57 =	vor.u32 v18, v34  }
0x7f: {  	v60 =	vor.u32 v4, v44;
	v49 =	vld.idx.msk [tilespmem:v49+s3+$0x0], $0xffff;
	v42 =	vor.u32 v50, v42;
	v50 =	vor.u32 v8, v40  }
0x80: {  	v61 =	vor.u32 v16, v33;
	v62 =	vor.u32 v10, v36;
	v58 =	vld.idx.msk [tilespmem:v58+s3+$0x0], $0xffff;
	[tilespmem:v52+s13+$0x0] =	vst.idx.msk $0xffff, v48  }
0x81: {  	v52 =	vor.u32 v9, v39;
	v48 =	vld.idx.msk [tilespmem:v53+s3+$0x0], $0xffff;
	v53 =	vor.u32 v0, v42;
	[tilespmem:v55+s13+$0x0] =	vst.idx.msk $0xffff, v54  }
0x82: {  	v0 =	vld.idx.msk [tilespmem:v56+s3+$0x0], $0xffff;
	v56 =	vor.u32 v30, v35;
	v54 =	vor.u32 v11, v37;
	[tilespmem:v46+s13+$0x0] =	vst.idx.msk $0xffff, v47  }
0x83: {  	v47 =	vor.u32 v20, v32;
	v55 =	vld.idx.msk [tilespmem:v51+s3+$0x0], $0xffff;
	[tilespmem:v57+s13+$0x0] =	vst.idx.msk $0xffff, v59;
	v51 =	vor.u32 v25, v41  }
0x84: {  	v59 =	vld.idx.msk [tilespmem:v60+s3+$0x0], $0xffff;
	[tilespmem:v50+s13+$0x0] =	vst.idx.msk $0xffff, v49;
	v49 =	vor.u32 v28, v45;
	v50 =	vor.u32 v25, v38  }
0x85: {  	v60 =	vld.idx.msk [tilespmem:v61+s3+$0x0], $0xffff;
	[tilespmem:v62+s13+$0x0] =	vst.idx.msk $0xffff, v58;
	v58 =	vor.u32 v30, v34;
	v61 =	vor.u32 v28, v44  }
0x86: {  	v63 =	vor.u32 v20, v33;
	v62 =	vld.idx.msk [tilespmem:v52+s3+$0x0], $0xffff;
	[tilespmem:v53+s13+$0x0] =	vst.idx.msk $0xffff, v48;
	v53 =	vor.u32 v10, v40  }
0x87: {  	v46 =	vor.u32 v12, v36;
	[tilespmem:v56+s13+$0x0] =	vst.idx.msk $0xffff, v0;
	v24 =	vld.idx.msk [tilespmem:v54+s3+$0x0], $0xffff;
	v54 =	vor.u32 v11, v39  }
0x88: {  	v52 =	vld.idx.msk [tilespmem:v47+s3+$0x0], $0xffff;
	[tilespmem:v51+s13+$0x0] =	vst.idx.msk $0xffff, v55  }
0x89: {  	[tilespmem:v50+s13+$0x0] =	vst.idx.msk $0xffff, v59;
	v51 =	vld.idx.msk [tilespmem:v49+s3+$0x0], $0xffff  }
0x8a: {  	v57 =	vor.u32 v13, v37;
	[tilespmem:v58+s13+$0x0] =	vst.idx.msk $0xffff, v60;
	v50 =	vld.idx.msk [tilespmem:v61+s3+$0x0], $0xffff  }
0x8b: {  	v48 =	vor.u32 v3, v32;
	v56 =	vor.u32 v27, v41;
	[tilespmem:v53+s13+$0x0] =	vst.idx.msk $0xffff, v62;
	v47 =	vld.idx.msk [tilespmem:v63+s3+$0x0], $0xffff  }
0x8c: {  	v55 =	vor.u32 v21, v35;
	v49 =	vor.u32 v19, v45;
	[tilespmem:v46+s13+$0x0] =	vst.idx.msk $0xffff, v24;
	v58 =	vld.idx.msk [tilespmem:v54+s3+$0x0], $0xffff  }
0x8d: {  	s23 =	simm.s32 $0x7;
	s22 =	simm.s32 $0x8;
	s21 =	sshll.u32 s20, $0x9;
	v53 =	vor.u32 v27, v38;
	v54 =	vor.u32 v21, v34;
	v46 =	vor.u32 v19, v44;
	v30 =	vld [tilespmem:$0x1FFD0]  }
.LBB2_3:
0x8e: {  	_ =	sdelay $0x1  }
0x8f: {  	v24 =	vlaneseq.u32;
	v57 =	vld.idx.msk [tilespmem:v57+s3+$0x0], $0xffff;
	v60 =	vor.u32 v12, v40;
	v61 =	vor.u32 v3, v33;
	v44 =	vmovc v33  }
0x90: {  	v33 =	vmovc v39;
	v45 =	vmovc v32;
	v32 =	vmov v37;
	v37 =	vmov v43;
	v59 =	vadd.s32 s23, v24;
	[tilespmem:v55+s13+$0x0] =	vst.idx.msk $0xffff, v52  }
0x91: {  	v43 =	vor.u32 v6, v36;
	v62 =	vor.u32 v13, v33;
	v39 =	vand.u32 $0x3F, v59;
	[tilespmem:v53+s13+$0x0] =	vst.idx.msk $0xffff, v50  }
0x92: {  	v52 =	vor.u32 v1, v39;
	v48 =	vld.idx.msk [tilespmem:v48+s3+$0x0], $0xffff;
	[tilespmem:v56+s13+$0x0] =	vst.idx.msk $0xffff, v51  }
0x93: {  	v51 =	vor.u32 v5, v37;
	v56 =	vor.u32 v23, v35;
	[tilespmem:v54+s13+$0x0] =	vst.idx.msk $0xffff, v47;
	v49 =	vld.idx.msk [tilespmem:v49+s3+$0x0], $0xffff  }
0x94: {  	v41 =	vor.u32 v30, v41;
	v63 =	vshll.u32 v59, $0x7;
	v46 =	vld.idx.msk [tilespmem:v46+s3+$0x0], $0xffff;
	[tilespmem:v60+s13+$0x0] =	vst.idx.msk $0xffff, v58  }
0x95: {  	v50 =	vor.u32 v15, v32;
	v47 =	vshll.u32 v59, $0x8;
	v58 =	vor.u32 v30, v38;
	v54 =	vld.idx.msk [tilespmem:v61+s3+$0x0], $0xffff  }
0x96: {  	v53 =	vor.u32 v23, v34;
	v60 =	vand.u32 $0x3800, v47;
	[tilespmem:v43+s13+$0x0] =	vst.idx.msk $0xffff, v57;
	v61 =	vand.u32 $0x380, v63;
	v43 =	vld.idx.msk [tilespmem:v62+s3+$0x0], $0xffff  }
0x97: {  	v55 =	vor.u32 v22, v45;
	v57 =	vor.u32 v6, v40;
	v47 =	vor.u32 v61, v60;
	v52 =	vld.idx.msk [tilespmem:v52+s3+$0x0], $0xffff  }
0x98: {  	v59 =	vor.u32 v22, v44;
	v60 =	vor.u32 v24, v47;
	v51 =	vld.idx.msk [tilespmem:v51+s3+$0x0], $0xffff;
	[tilespmem:v56+s13+$0x0] =	vst.idx.msk $0xffff, v48  }
0x99: {  	v62 =	vor.u32 v2, v42;
	v61 =	vor.u32 v15, v33;
	[tilespmem:v41+s13+$0x0] =	vst.idx.msk $0xffff, v49  }
0x9a: {  	v38 =	vmov v34;
	v63 =	vor.u32 v5, v39;
	v41 =	vor.u32 v7, v37;
	[tilespmem:v58+s13+$0x0] =	vst.idx.msk $0xffff, v46  }
0x9b: {  	v34 =	vmov v40;
	v40 =	vmov v47;
	v58 =	vor.u32 v14, v36;
	v50 =	vld.idx.msk [tilespmem:v50+s3+$0x0], $0xffff;
	[tilespmem:v53+s13+$0x0] =	vst.idx.msk $0xffff, v54  }
0x9c: {  	v47 =	vor.u32 v17, v32;
	v55 =	vld.idx.msk [tilespmem:v55+s3+$0x0], $0xffff;
	v53 =	vor.u32 v26, v35;
	[tilespmem:v57+s13+$0x0] =	vst.idx.msk $0xffff, v43  }
0x9d: {  	v54 =	vld.idx.msk [tilespmem:v59+s3+$0x0], $0xffff;
	v59 =	vor.u32 v26, v38;
	[tilespmem:v60+s13+$0x0] =	vst.idx.msk $0xffff, v52  }
0x9e: {  	v57 =	vor.u32 v31, v45;
	[tilespmem:v62+s13+$0x0] =	vst.idx.msk $0xffff, v51;
	v51 =	vor.u32 v14, v34;
	v52 =	vld.idx.msk [tilespmem:v61+s3+$0x0], $0xffff  }
0x9f: {  	v56 =	vor.u32 v31, v44;
	v49 =	vadd.s32 s22, v24;
	v61 =	vld.idx.msk [tilespmem:v41+s3+$0x0], $0xffff;
	v41 =	vmovc v35;
	v35 =	vor.u32 v8, v42  }
0xa0: {  	v62 =	vor.u32 v2, v40;
	v48 =	vld.idx.msk [tilespmem:v63+s3+$0x0], $0xffff;
	[tilespmem:v58+s13+$0x0] =	vst.idx.msk $0xffff, v50;
	v50 =	vor.u32 v9, v37  }
0xa1: {  	v46 =	vshll.u32 v49, $0x8;
	v43 =	vand.u32 $0x3F, v49;
	v63 =	vor.u32 v17, v33;
	v47 =	vld.idx.msk [tilespmem:v47+s3+$0x0], $0xffff;
	[tilespmem:v53+s13+$0x0] =	vst.idx.msk $0xffff, v55  }
0xa2: {  	v60 =	vshll.u32 v49, $0x7;
	v49 =	vor.u32 v7, v39;
	v55 =	vor.u32 v1, v43;
	v1 =	vld [tilespmem:$0x1FF10];
	[tilespmem:v59+s13+$0x0] =	vst.idx.msk $0xffff, v54  }
0xa3: {  	v58 =	vor.u32 v18, v36;
	v57 =	vld.idx.msk [tilespmem:v57+s3+$0x0], $0xffff;
	[tilespmem:v51+s13+$0x0] =	vst.idx.msk $0xffff, v52  }
0xa4: {  	v54 =	vor.u32 v16, v32;
	v51 =	vor.u32 v29, v41;
	[tilespmem:v35+s13+$0x0] =	vst.idx.msk $0xffff, v61;
	v52 =	vld.idx.msk [tilespmem:v56+s3+$0x0], $0xffff  }
0xa5: {  	v46 =	vand.u32 $0x3800, v46;
	v59 =	vor.u32 v29, v38;
	[tilespmem:v62+s13+$0x0] =	vst.idx.msk $0xffff, v48;
	v50 =	vld.idx.msk [tilespmem:v50+s3+$0x0], $0xffff  }
0xa6: {  	v53 =	vor.u32 v4, v45;
	v56 =	vand.u32 $0x380, v60;
	v60 =	vor.u32 v18, v34;
	v48 =	vld.idx.msk [tilespmem:v63+s3+$0x0], $0xffff  }
0xa7: {  	v61 =	vor.u32 v4, v44;
	v49 =	vld.idx.msk [tilespmem:v49+s3+$0x0], $0xffff;
	v46 =	vor.u32 v56, v46;
	v56 =	vor.u32 v8, v40  }
0xa8: {  	v62 =	vor.u32 v16, v33;
	v55 =	vld.idx.msk [tilespmem:v55+s3+$0x0], $0xffff;
	v63 =	vor.u32 v10, v42;
	[tilespmem:v58+s13+$0x0] =	vst.idx.msk $0xffff, v47  }
0xa9: {  	v0 =	vor.u32 v9, v39;
	v47 =	vor.u32 v24, v46;
	v54 =	vld.idx.msk [tilespmem:v54+s3+$0x0], $0xffff;
	[tilespmem:v51+s13+$0x0] =	vst.idx.msk $0xffff, v57  }
0xaa: {  	v58 =	vor.u32 v11, v37;
	v51 =	vor.u32 v1, v36;
	[tilespmem:v59+s13+$0x0] =	vst.idx.msk $0xffff, v52  }
0xab: {  	v53 =	vld.idx.msk [tilespmem:v53+s3+$0x0], $0xffff;
	v52 =	vor.u32 v20, v32;
	[tilespmem:v60+s13+$0x0] =	vst.idx.msk $0xffff, v48;
	v48 =	vor.u32 v25, v41  }
0xac: {  	v60 =	vor.u32 v25, v38;
	v59 =	vld.idx.msk [tilespmem:v61+s3+$0x0], $0xffff;
	[tilespmem:v56+s13+$0x0] =	vst.idx.msk $0xffff, v49  }
0xad: {  	[tilespmem:v63+s13+$0x0] =	vst.idx.msk $0xffff, v50;
	v50 =	vor.u32 v1, v34;
	v56 =	vor.u32 v28, v45;
	v49 =	vld.idx.msk [tilespmem:v62+s3+$0x0], $0xffff  }
0xae: {  	v61 =	vor.u32 v28, v44;
	[tilespmem:v47+s13+$0x0] =	vst.idx.msk $0xffff, v55;
	v47 =	vor.u32 v10, v40;
	v0 =	vld.idx.msk [tilespmem:v0+s3+$0x0], $0xffff  }
0xaf: {  	v35 =	vmov v36;
	v36 =	vmov v42;
	v58 =	vld.idx.msk [tilespmem:v58+s3+$0x0], $0xffff;
	v62 =	vor.u32 v20, v33;
	[tilespmem:v51+s13+$0x0] =	vst.idx.msk $0xffff, v54  }
0xb0: {  	v63 =	vor.u32 v12, v36;
	v1 =	vor.u32 v11, v39;
	v52 =	vld.idx.msk [tilespmem:v52+s3+$0x0], $0xffff;
	[tilespmem:v48+s13+$0x0] =	vst.idx.msk $0xffff, v53  }
0xb1: {  	p1 =	slt.u32 s22, $0x3E;
	[tilespmem:v60+s13+$0x0] =	vst.idx.msk $0xffff, v59  }
.Ltmp2:
0xb2: {  	v51 =	vld.idx.msk [tilespmem:v56+s3+$0x0], $0xffff;
	[tilespmem:v50+s13+$0x0] =	vst.idx.msk $0xffff, v49;
	(pc) =	sbr.rel @p1 .LBB2_3-.Ltmp2, $4  }
0xb3: {  	v42 =	vmov v46;
	v50 =	vld.idx.msk [tilespmem:v61+s3+$0x0], $0xffff;
	[tilespmem:v47+s13+$0x0] =	vst.idx.msk $0xffff, v0  }
0xb4: {  	v57 =	vor.u32 v13, v37;
	v46 =	vor.u32 v19, v44;
	v55 =	vor.u32 v21, v35;
	v47 =	vld.idx.msk [tilespmem:v62+s3+$0x0], $0xffff  }
0xb5: {  	v54 =	vor.u32 v21, v34;
	v48 =	vor.u32 v3, v32;
	[tilespmem:v63+s13+$0x0] =	vst.idx.msk $0xffff, v58;
	v58 =	vld.idx.msk [tilespmem:v1+s3+$0x0], $0xffff  }
0xb6: {  	s23 =	sadd.s32 $0x1, s22;
	s22 =	sadd.s32 $0x2, s22;
	v53 =	vor.u32 v27, v38;
	v56 =	vor.u32 v27, v41;
	v49 =	vor.u32 v19, v45;
	v1 =	vld [tilespmem:$0x1FFF0]  }
0xb7: {  	_ = 	snop  }
0xb8: {  	v24 =	vlaneseq.u32  }
0xb9: {  	v0 =	vadd.s32 s23, v24  }
0xba: {  	v45 =	vand.u32 $0x3F, v0  }
0xbb: {  	v1 =	vor.u32 v1, v45;
	_ =	sdelay $0x1  }
0xbc: {  	v44 =	vshll.u32 v0, $0x8;
	v0 =	vshll.u32 v0, $0x7  }
0xbd: {  	v44 =	vand.u32 $0x3800, v44;
	v0 =	vand.u32 $0x380, v0  }
0xbe: {  	v44 =	vor.u32 v0, v44;
	v0 =	vor.u32 v5, v43  }
0xbf: {  	v59 =	vor.u32 v24, v44;
	v1 =	vld.idx.msk [tilespmem:v1+s3+$0x0], $0xffff  }
0xc0: {  	v60 =	vor.u32 v5, v45;
	_ =	sdelay $0x2  }
0xc1: {  	v61 =	vor.u32 v2, v42;
	v0 =	vld.idx.msk [tilespmem:v0+s3+$0x0], $0xffff  }
0xc2: {  	[tilespmem:v59+s13+$0x0] =	vst.idx.msk $0xffff, v1;
	v1 =	vor.u32 v7, v43  }
0xc3: {  	v24 =	vor.u32 v2, v44;
	v59 =	vld.idx.msk [tilespmem:v60+s3+$0x0], $0xffff  }
0xc4: {  	v62 =	vor.u32 v7, v45;
	_ =	sdelay $0x1  }
0xc5: {  	[tilespmem:v61+s13+$0x0] =	vst.idx.msk $0xffff, v0  }
0xc6: {  	v0 =	vld.idx.msk [tilespmem:v1+s3+$0x0], $0xffff;
	v1 =	vor.u32 v8, v42  }
0xc7: {  	v2 =	vor.u32 v9, v43;
	[tilespmem:v24+s13+$0x0] =	vst.idx.msk $0xffff, v59  }
0xc8: {  	v61 =	vor.u32 v8, v44;
	v60 =	vld.idx.msk [tilespmem:v62+s3+$0x0], $0xffff  }
0xc9: {  	v24 =	vor.u32 v9, v45;
	_ =	sdelay $0x1  }
0xca: {  	[tilespmem:v1+s13+$0x0] =	vst.idx.msk $0xffff, v0  }
0xcb: {  	v8 =	vor.u32 v10, v42;
	v0 =	vld.idx.msk [tilespmem:v2+s3+$0x0], $0xffff  }
0xcc: {  	v9 =	vor.u32 v11, v43;
	[tilespmem:v61+s13+$0x0] =	vst.idx.msk $0xffff, v60  }
0xcd: {  	v10 =	vor.u32 v10, v44;
	v60 =	vld.idx.msk [tilespmem:v24+s3+$0x0], $0xffff;
	_ =	sdelay $0x1  }
0xce: {  	v63 =	vor.u32 v12, v40;
	v11 =	vor.u32 v11, v45  }
0xcf: {  	[tilespmem:v8+s13+$0x0] =	vst.idx.msk $0xffff, v0;
	v0 =	vor.u32 v13, v39  }
0xd0: {  	v59 =	vor.u32 v12, v42;
	v1 =	vld.idx.msk [tilespmem:v9+s3+$0x0], $0xffff  }
0xd1: {  	v5 =	vor.u32 v6, v36;
	v24 =	vld.idx.msk [tilespmem:v57+s3+$0x0], $0xffff;
	[tilespmem:v10+s13+$0x0] =	vst.idx.msk $0xffff, v60;
	v60 =	vor.u32 v13, v43  }
0xd2: {  	v9 =	vor.u32 v15, v37  }
0xd3: {  	[tilespmem:v63+s13+$0x0] =	vst.idx.msk $0xffff, v58;
	v62 =	vor.u32 v12, v44;
	v61 =	vld.idx.msk [tilespmem:v11+s3+$0x0], $0xffff  }
0xd4: {  	v8 =	vor.u32 v13, v45;
	v10 =	vor.u32 v6, v40;
	v7 =	vld.idx.msk [tilespmem:v0+s3+$0x0], $0xffff  }
0xd5: {  	v11 =	vor.u32 v15, v39;
	[tilespmem:v59+s13+$0x0] =	vst.idx.msk $0xffff, v1  }
0xd6: {  	v12 =	vor.u32 v6, v42;
	[tilespmem:v5+s13+$0x0] =	vst.idx.msk $0xffff, v24;
	v59 =	vld.idx.msk [tilespmem:v60+s3+$0x0], $0xffff  }
0xd7: {  	v24 =	vor.u32 v14, v36;
	v5 =	vld.idx.msk [tilespmem:v9+s3+$0x0], $0xffff  }
0xd8: {  	v9 =	vor.u32 v17, v37;
	[tilespmem:v62+s13+$0x0] =	vst.idx.msk $0xffff, v61  }
0xd9: {  	v13 =	vor.u32 v15, v43;
	v0 =	vor.u32 v6, v44;
	v62 =	vld.idx.msk [tilespmem:v8+s3+$0x0], $0xffff;
	[tilespmem:v10+s13+$0x0] =	vst.idx.msk $0xffff, v7  }
0xda: {  	v6 =	vor.u32 v15, v45;
	v10 =	vld.idx.msk [tilespmem:v11+s3+$0x0], $0xffff;
	v11 =	vor.u32 v14, v40  }
0xdb: {  	[tilespmem:v12+s13+$0x0] =	vst.idx.msk $0xffff, v59;
	v12 =	vor.u32 v17, v39  }
0xdc: {  	[tilespmem:v24+s13+$0x0] =	vst.idx.msk $0xffff, v5  }
0xdd: {  	v15 =	vor.u32 v17, v45;
	v7 =	vor.u32 v17, v43;
	v24 =	vor.u32 v18, v36;
	v17 =	vld.idx.msk [tilespmem:v9+s3+$0x0], $0xffff  }
0xde: {  	v60 =	vld.idx.msk [tilespmem:v13+s3+$0x0], $0xffff;
	v13 =	vor.u32 v14, v42;
	[tilespmem:v0+s13+$0x0] =	vst.idx.msk $0xffff, v62  }
0xdf: {  	v14 =	vor.u32 v14, v44;
	v62 =	vld.idx.msk [tilespmem:v6+s3+$0x0], $0xffff;
	[tilespmem:v11+s13+$0x0] =	vst.idx.msk $0xffff, v10  }
0xe0: {  	[tilespmem:v55+s13+$0x0] =	vst.idx.msk $0xffff, v52;
	v9 =	vor.u32 v18, v40;
	v59 =	vld.idx.msk [tilespmem:v12+s3+$0x0], $0xffff  }
0xe1: {  	[tilespmem:v56+s13+$0x0] =	vst.idx.msk $0xffff, v51  }
0xe2: {  	[tilespmem:v24+s13+$0x0] =	vst.idx.msk $0xffff, v17  }
0xe3: {  	[tilespmem:v13+s13+$0x0] =	vst.idx.msk $0xffff, v60  }
0xe4: {  	[tilespmem:v14+s13+$0x0] =	vst.idx.msk $0xffff, v62  }
0xe5: {  	v8 =	vor.u32 v16, v37;
	v13 =	vld.idx.msk [tilespmem:v15+s3+$0x0], $0xffff;
	[tilespmem:v9+s13+$0x0] =	vst.idx.msk $0xffff, v59  }
0xe6: {  	v10 =	vor.u32 v16, v39;
	v12 =	vor.u32 v16, v43;
	v15 =	vor.u32 v16, v45;
	v16 =	vld [tilespmem:$0x1FF10]  }
0xe7: {  	v11 =	vor.u32 v18, v42;
	v61 =	vld.idx.msk [tilespmem:v7+s3+$0x0], $0xffff  }
0xe8: {  	v14 =	vor.u32 v18, v44;
	_ =	sdelay $0x2  }
0xe9: {  	v1 =	vld.idx.msk [tilespmem:v8+s3+$0x0], $0xffff;
	v17 =	vor.u32 v16, v36  }
0xea: {  	v18 =	vor.u32 v20, v37;
	v0 =	vld.idx.msk [tilespmem:v10+s3+$0x0], $0xffff;
	[tilespmem:v11+s13+$0x0] =	vst.idx.msk $0xffff, v61;
	v24 =	vor.u32 v16, v40  }
0xeb: {  	v8 =	vor.u32 v20, v39;
	v52 =	vld.idx.msk [tilespmem:v12+s3+$0x0], $0xffff;
	[tilespmem:v14+s13+$0x0] =	vst.idx.msk $0xffff, v13;
	v9 =	vor.u32 v16, v42  }
0xec: {  	[tilespmem:v53+s13+$0x0] =	vst.idx.msk $0xffff, v50;
	v10 =	vor.u32 v20, v43;
	v51 =	vld.idx.msk [tilespmem:v15+s3+$0x0], $0xffff;
	v11 =	vor.u32 v16, v44  }
0xed: {  	v41 =	vor.u32 v30, v41;
	v49 =	vld.idx.msk [tilespmem:v49+s3+$0x0], $0xffff;
	[tilespmem:v54+s13+$0x0] =	vst.idx.msk $0xffff, v47;
	v13 =	vor.u32 v20, v45  }
0xee: {  	v48 =	vld.idx.msk [tilespmem:v48+s3+$0x0], $0xffff;
	v12 =	vor.u32 v23, v35;
	[tilespmem:v17+s13+$0x0] =	vst.idx.msk $0xffff, v1  }
0xef: {  	v14 =	vor.u32 v3, v33;
	v16 =	vor.u32 v21, v36;
	[tilespmem:v24+s13+$0x0] =	vst.idx.msk $0xffff, v0;
	v15 =	vld.idx.msk [tilespmem:v18+s3+$0x0], $0xffff  }
0xf0: {  	v20 =	vor.u32 v21, v40;
	v17 =	vor.u32 v3, v37;
	[tilespmem:v9+s13+$0x0] =	vst.idx.msk $0xffff, v52;
	v18 =	vld.idx.msk [tilespmem:v8+s3+$0x0], $0xffff  }
0xf1: {  	v61 =	vor.u32 v21, v42;
	v24 =	vor.u32 v3, v39;
	[tilespmem:v11+s13+$0x0] =	vst.idx.msk $0xffff, v51;
	v50 =	vld.idx.msk [tilespmem:v10+s3+$0x0], $0xffff  }
0xf2: {  	v63 =	vor.u32 v21, v44;
	v62 =	vor.u32 v3, v43;
	[tilespmem:v41+s13+$0x0] =	vst.idx.msk $0xffff, v49;
	v47 =	vld.idx.msk [tilespmem:v13+s3+$0x0], $0xffff  }
0xf3: {  	v38 =	vor.u32 v30, v38;
	v46 =	vld.idx.msk [tilespmem:v46+s3+$0x0], $0xffff;
	[tilespmem:v12+s13+$0x0] =	vst.idx.msk $0xffff, v48;
	v8 =	vor.u32 v3, v45  }
0xf4: {  	v9 =	vor.u32 v22, v32;
	v1 =	vld.idx.msk [tilespmem:v14+s3+$0x0], $0xffff;
	v10 =	vor.u32 v23, v34;
	[tilespmem:v16+s13+$0x0] =	vst.idx.msk $0xffff, v15  }
0xf5: {  	v12 =	vor.u32 v23, v36;
	v11 =	vor.u32 v22, v33;
	[tilespmem:v20+s13+$0x0] =	vst.idx.msk $0xffff, v18;
	v0 =	vld.idx.msk [tilespmem:v17+s3+$0x0], $0xffff  }
0xf6: {  	v14 =	vor.u32 v23, v40;
	v13 =	vor.u32 v22, v37;
	[tilespmem:v61+s13+$0x0] =	vst.idx.msk $0xffff, v50;
	v52 =	vld.idx.msk [tilespmem:v24+s3+$0x0], $0xffff  }
0xf7: {  	v15 =	vor.u32 v22, v39;
	v16 =	vor.u32 v23, v42;
	[tilespmem:v63+s13+$0x0] =	vst.idx.msk $0xffff, v47;
	v48 =	vld.idx.msk [tilespmem:v62+s3+$0x0], $0xffff  }
0xf8: {  	[tilespmem:v38+s13+$0x0] =	vst.idx.msk $0xffff, v46;
	v18 =	vor.u32 v23, v44;
	v17 =	vor.u32 v22, v43;
	v41 =	vld.idx.msk [tilespmem:v8+s3+$0x0], $0xffff  }
0xf9: {  	v21 =	vor.u32 v26, v35;
	v20 =	vld.idx.msk [tilespmem:v9+s3+$0x0], $0xffff;
	[tilespmem:v10+s13+$0x0] =	vst.idx.msk $0xffff, v1;
	v23 =	vor.u32 v22, v45  }
0xfa: {  	v60 =	vor.u32 v31, v32;
	v61 =	vor.u32 v26, v34;
	v24 =	vld.idx.msk [tilespmem:v11+s3+$0x0], $0xffff;
	[tilespmem:v12+s13+$0x0] =	vst.idx.msk $0xffff, v0  }
0xfb: {  	v63 =	vor.u32 v26, v36;
	v62 =	vor.u32 v31, v33;
	[tilespmem:v14+s13+$0x0] =	vst.idx.msk $0xffff, v52;
	v56 =	vld.idx.msk [tilespmem:v13+s3+$0x0], $0xffff  }
0xfc: {  	v9 =	vor.u32 v26, v40;
	v8 =	vor.u32 v31, v37;
	[tilespmem:v16+s13+$0x0] =	vst.idx.msk $0xffff, v48;
	v50 =	vld.idx.msk [tilespmem:v15+s3+$0x0], $0xffff  }
0xfd: {  	v10 =	vor.u32 v31, v39;
	v11 =	vor.u32 v26, v42;
	[tilespmem:v18+s13+$0x0] =	vst.idx.msk $0xffff, v41;
	v38 =	vld.idx.msk [tilespmem:v17+s3+$0x0], $0xffff  }
0xfe: {  	[tilespmem:v21+s13+$0x0] =	vst.idx.msk $0xffff, v20;
	v14 =	vor.u32 v26, v44;
	v12 =	vld.idx.msk [tilespmem:v23+s3+$0x0], $0xffff;
	v13 =	vor.u32 v31, v43  }
0xff: {  	[tilespmem:v61+s13+$0x0] =	vst.idx.msk $0xffff, v24;
	v16 =	vor.u32 v29, v35;
	v15 =	vld.idx.msk [tilespmem:v60+s3+$0x0], $0xffff;
	v17 =	vor.u32 v31, v45  }
0x100: {  	v20 =	vor.u32 v29, v34;
	v18 =	vor.u32 v4, v32;
	v0 =	vld.idx.msk [tilespmem:v62+s3+$0x0], $0xffff;
	[tilespmem:v63+s13+$0x0] =	vst.idx.msk $0xffff, v56  }
0x101: {  	v22 =	vor.u32 v29, v36;
	v21 =	vor.u32 v4, v33;
	[tilespmem:v9+s13+$0x0] =	vst.idx.msk $0xffff, v50;
	v56 =	vld.idx.msk [tilespmem:v8+s3+$0x0], $0xffff  }
0x102: {  	v24 =	vor.u32 v29, v40;
	v23 =	vor.u32 v4, v37;
	[tilespmem:v11+s13+$0x0] =	vst.idx.msk $0xffff, v38;
	v48 =	vld.idx.msk [tilespmem:v10+s3+$0x0], $0xffff  }
0x103: {  	v26 =	vor.u32 v4, v39;
	v31 =	vor.u32 v29, v42;
	[tilespmem:v14+s13+$0x0] =	vst.idx.msk $0xffff, v12;
	v41 =	vld.idx.msk [tilespmem:v13+s3+$0x0], $0xffff  }
0x104: {  	v61 =	vor.u32 v29, v44;
	v60 =	vor.u32 v4, v43;
	[tilespmem:v16+s13+$0x0] =	vst.idx.msk $0xffff, v15;
	v47 =	vld.idx.msk [tilespmem:v17+s3+$0x0], $0xffff  }
0x105: {  	v62 =	vor.u32 v25, v35;
	[tilespmem:v20+s13+$0x0] =	vst.idx.msk $0xffff, v0;
	v63 =	vor.u32 v4, v45;
	v51 =	vld.idx.msk [tilespmem:v18+s3+$0x0], $0xffff  }
0x106: {  	v9 =	vor.u32 v25, v34;
	v52 =	vld.idx.msk [tilespmem:v21+s3+$0x0], $0xffff;
	v8 =	vor.u32 v28, v32;
	[tilespmem:v22+s13+$0x0] =	vst.idx.msk $0xffff, v56  }
0x107: {  	v11 =	vor.u32 v25, v36;
	v10 =	vor.u32 v28, v33;
	[tilespmem:v24+s13+$0x0] =	vst.idx.msk $0xffff, v48;
	v56 =	vld.idx.msk [tilespmem:v23+s3+$0x0], $0xffff  }
0x108: {  	v12 =	vor.u32 v28, v37;
	v13 =	vor.u32 v25, v40;
	[tilespmem:v31+s13+$0x0] =	vst.idx.msk $0xffff, v41;
	v38 =	vld.idx.msk [tilespmem:v26+s3+$0x0], $0xffff  }
0x109: {  	v14 =	vor.u32 v28, v39;
	v15 =	vor.u32 v25, v42;
	[tilespmem:v61+s13+$0x0] =	vst.idx.msk $0xffff, v47;
	v41 =	vld.idx.msk [tilespmem:v60+s3+$0x0], $0xffff  }
0x10a: {  	v17 =	vor.u32 v28, v43;
	v18 =	vor.u32 v25, v44;
	[tilespmem:v62+s13+$0x0] =	vst.idx.msk $0xffff, v51;
	v16 =	vld.idx.msk [tilespmem:v63+s3+$0x0], $0xffff  }
0x10b: {  	v20 =	vor.u32 v27, v35;
	v21 =	vor.u32 v28, v45;
	[tilespmem:v9+s13+$0x0] =	vst.idx.msk $0xffff, v52;
	v51 =	vld.idx.msk [tilespmem:v8+s3+$0x0], $0xffff  }
0x10c: {  	v22 =	vor.u32 v19, v32;
	v50 =	vld.idx.msk [tilespmem:v10+s3+$0x0], $0xffff;
	v23 =	vor.u32 v27, v34;
	[tilespmem:v11+s13+$0x0] =	vst.idx.msk $0xffff, v56  }
0x10d: {  	v25 =	vor.u32 v27, v36;
	v24 =	vor.u32 v19, v33;
	[tilespmem:v13+s13+$0x0] =	vst.idx.msk $0xffff, v38;
	v48 =	vld.idx.msk [tilespmem:v12+s3+$0x0], $0xffff  }
0x10e: {  	v28 =	vor.u32 v27, v40;
	v26 =	vor.u32 v19, v37;
	[tilespmem:v15+s13+$0x0] =	vst.idx.msk $0xffff, v41;
	v1 =	vld.idx.msk [tilespmem:v14+s3+$0x0], $0xffff  }
0x10f: {  	v49 =	vor.u32 v27, v42;
	v29 =	vor.u32 v19, v39;
	[tilespmem:v18+s13+$0x0] =	vst.idx.msk $0xffff, v16;
	v41 =	vld.idx.msk [tilespmem:v17+s3+$0x0], $0xffff  }
0x110: {  	v53 =	vor.u32 v27, v44;
	v52 =	vor.u32 v19, v43;
	[tilespmem:v20+s13+$0x0] =	vst.idx.msk $0xffff, v51;
	v51 =	vld.idx.msk [tilespmem:v21+s3+$0x0], $0xffff  }
0x111: {  	v45 =	vor.u32 v19, v45;
	[tilespmem:v23+s13+$0x0] =	vst.idx.msk $0xffff, v50;
	v56 =	vor.u32 v30, v35;
	v32 =	vld.idx.msk [tilespmem:v22+s3+$0x0], $0xffff  }
0x112: {  	v57 =	vor.u32 v30, v34;
	v33 =	vld.idx.msk [tilespmem:v24+s3+$0x0], $0xffff;
	[tilespmem:v25+s13+$0x0] =	vst.idx.msk $0xffff, v48  }
0x113: {  	v58 =	vor.u32 v30, v36;
	[tilespmem:v28+s13+$0x0] =	vst.idx.msk $0xffff, v1;
	v37 =	vld.idx.msk [tilespmem:v26+s3+$0x0], $0xffff  }
0x114: {  	v60 =	vor.u32 v30, v40;
	[tilespmem:v49+s13+$0x0] =	vst.idx.msk $0xffff, v41;
	v59 =	vld.idx.msk [tilespmem:v29+s3+$0x0], $0xffff  }
0x115: {  	v61 =	vor.u32 v30, v42;
	[tilespmem:v53+s13+$0x0] =	vst.idx.msk $0xffff, v51;
	v0 =	vld.idx.msk [tilespmem:v52+s3+$0x0], $0xffff  }
0x116: {  	v63 =	vor.u32 v30, v44;
	[tilespmem:v56+s13+$0x0] =	vst.idx.msk $0xffff, v32;
	v62 =	vld.idx.msk [tilespmem:v45+s3+$0x0], $0xffff  }
0x117: {  	p1 =	sne.s32 s20, $0x7;
	[tilespmem:v57+s13+$0x0] =	vst.idx.msk $0xffff, v33  }
.Ltmp3:
0x118: {  	s22 =	sshll.u32 s20, $0xC;
	[tilespmem:v58+s13+$0x0] =	vst.idx.msk $0xffff, v37;
	(pc) =	sbr.rel @p1 .LBB2_6-.Ltmp3, $4  }
0x119: {  	s22 =	sand.u32 $0x4000, s22;
	s23 =	sand.u32 $0x600, s21;
	[tilespmem:v60+s13+$0x0] =	vst.idx.msk $0xffff, v59  }
0x11a: {  	s22 =	sor.u32 s5, s22;
	s24 =	sadd.s32 s2, s23;
	[tilespmem:v61+s13+$0x0] =	vst.idx.msk $0xffff, v0  }
0x11b: {  	s24 =	sadd.s32 s22, s24;
	[tilespmem:v63+s13+$0x0] =	vst.idx.msk $0xffff, v62  }
0x11c: {  	v5 =	vmov v4;
	[hbm4b:s24+s14] =	stream.strided.scatter [tilespmem:s13], [sflag:$0x3], $0x4000, s11, s14, $0x38;
	[tilespmem:$0x10000] =	vst v63  }
.Ltmp4:
0x11d: {  	(pc) =	sbr.rel .LBB2_7-.Ltmp4, $4  }
0x11e: {  	_ = 	snop  }
0x11f: {  	_ =	swait.ge [sflag:s15], $0x4000  }
0x120: {  	[sflag:s15] =	ssyncset.done $0x0  }
0x121: {  	[sflag:s15] =	ssyncadd.s32 $0xFFFFC000  }
.LBB2_6:
0x122: {  	s24 =	sadd.s32 s21, s8  }
0x123: {  	s24 =	sshll.u32 s24, $0x3  }
0x124: {  	s24 =	sand.u32 $0x1FFFF000, s24  }
.Ltmp5:
0x125: {  	s24 =	sadd.s32 s4, s24;
	(pc) =	sbr.rel @p0 .LBB2_8-.Ltmp5, $4  }
0x126: {  	[tilespmem:s3], [sflag:$0x1] =	stream.linear.gather [hbm4b:s24+s3], $0x4000, $0x38;
	[tilespmem:$0x10000] =	vst v63  }
0x127: {  	_ =	swait.ge [sflag:s15], $0x4000  }
0x128: {  	[sflag:s15] =	ssyncset.done $0x0  }
0x129: {  	[sflag:s15] =	ssyncadd.s32 $0xFFFFC000  }
.LBB2_7:
0x12a: {  	_ =	swait.ge [sflag:s16], $0x4000  }
0x12b: {  	[sflag:s16] =	ssyncset.done $0x0  }
0x12c: {  	[sflag:s16] =	ssyncadd.s32 $0xFFFFC000  }
.LBB2_8:
0x12d: {  	v3 =	vld [tilespmem:$0x1FFF0];
	_ =	sdelay $0x1  }
0x12e: {  	s24 =	simm.s32 $0x0;
	v2 =	vlaneseq.u32  }
0x12f: {  	v0 =	vadd.s32 s24, v2  }
0x130: {  	v45 =	vand.u32 $0x3F, v0  }
0x131: {  	v32 =	vor.u32 v3, v45;
	_ =	sdelay $0x1  }
0x132: {  	s25 =	simm.s32 $0x1;
	v33 =	vshll.u32 v0, $0x8;
	v0 =	vshll.u32 v0, $0x7  }
0x133: {  	v1 =	vadd.s32 s25, v2;
	v33 =	vand.u32 $0x3800, v33;
	v0 =	vand.u32 $0x380, v0  }
0x134: {  	v44 =	vand.u32 $0x3F, v1;
	v41 =	vor.u32 v0, v33  }
0x135: {  	v34 =	vor.u32 v3, v44;
	v33 =	vor.u32 v2, v41;
	v32 =	vld.idx.msk [tilespmem:v32+s11+$0x0], $0xffff  }
0x136: {  	v20 =	vld [tilespmem:$0x1FE20];
	_ =	sdelay $0x1  }
0x137: {  	v35 =	vshll.u32 v1, $0x8;
	v1 =	vshll.u32 v1, $0x7  }
0x138: {  	v1 =	vand.u32 $0x380, v1;
	v0 =	vand.u32 $0x3800, v35  }
0x139: {  	v38 =	vor.u32 v1, v0;
	v1 =	vld.idx.msk [tilespmem:v34+s11+$0x0], $0xffff;
	[tilespmem:v33+s17+$0x0] =	vst.idx.msk $0xffff, v32  }
0x13a: {  	v0 =	vor.u32 v20, v45;
	v40 =	vor.u32 v2, v38;
	v28 =	vld [tilespmem:$0x1FE30];
	_ =	sdelay $0x4  }
0x13b: {  	v42 =	vor.u32 v20, v44;
	v0 =	vld.idx.msk [tilespmem:v0+s11+$0x0], $0xffff;
	[tilespmem:v40+s17+$0x0] =	vst.idx.msk $0xffff, v1;
	v43 =	vor.u32 v28, v41  }
0x13c: {  	v29 =	vld [tilespmem:$0x1FE40];
	_ =	sdelay $0x3  }
0x13d: {  	v46 =	vld.idx.msk [tilespmem:v42+s11+$0x0], $0xffff;
	[tilespmem:v43+s17+$0x0] =	vst.idx.msk $0xffff, v0  }
0x13e: {  	v47 =	vor.u32 v28, v38;
	v1 =	vor.u32 v29, v45;
	v30 =	vld [tilespmem:$0x1FE50];
	_ =	sdelay $0x4  }
0x13f: {  	v48 =	vor.u32 v29, v44;
	v0 =	vld.idx.msk [tilespmem:v1+s11+$0x0], $0xffff;
	[tilespmem:v47+s17+$0x0] =	vst.idx.msk $0xffff, v46;
	v1 =	vor.u32 v30, v41  }
0x140: {  	v31 =	vld [tilespmem:$0x1FE60];
	_ =	sdelay $0x3  }
0x141: {  	v33 =	vld.idx.msk [tilespmem:v48+s11+$0x0], $0xffff;
	[tilespmem:v1+s17+$0x0] =	vst.idx.msk $0xffff, v0  }
0x142: {  	v50 =	vor.u32 v30, v38;
	v49 =	vor.u32 v31, v45;
	v63 =	vld [tilespmem:$0x1FE70];
	_ =	sdelay $0x4  }
0x143: {  	v51 =	vor.u32 v31, v44;
	v0 =	vld.idx.msk [tilespmem:v49+s11+$0x0], $0xffff;
	[tilespmem:v50+s17+$0x0] =	vst.idx.msk $0xffff, v33;
	v1 =	vor.u32 v63, v41  }
0x144: {  	v22 =	vld [tilespmem:$0x1FE80];
	_ =	sdelay $0x3  }
0x145: {  	v34 =	vld.idx.msk [tilespmem:v51+s11+$0x0], $0xffff;
	[tilespmem:v1+s17+$0x0] =	vst.idx.msk $0xffff, v0  }
0x146: {  	v53 =	vor.u32 v63, v38;
	v52 =	vor.u32 v22, v45;
	v11 =	vld [tilespmem:$0x1FE90];
	_ =	sdelay $0x4  }
0x147: {  	v36 =	vor.u32 v22, v44;
	v54 =	vld.idx.msk [tilespmem:v52+s11+$0x0], $0xffff;
	[tilespmem:v53+s17+$0x0] =	vst.idx.msk $0xffff, v34;
	v55 =	vor.u32 v11, v41  }
0x148: {  	v12 =	vld [tilespmem:$0x1FEA0]  }
0x149: {  	s26 =	simm.s32 $0x2  }
0x14a: {  	v37 =	vadd.s32 s26, v2  }
0x14b: {  	v32 =	vand.u32 $0x3F, v37  }
0x14c: {  	v40 =	vor.u32 v3, v32;
	v36 =	vld.idx.msk [tilespmem:v36+s11+$0x0], $0xffff;
	[tilespmem:v55+s17+$0x0] =	vst.idx.msk $0xffff, v54  }
0x14d: {  	v43 =	vor.u32 v11, v38;
	v56 =	vor.u32 v12, v45;
	v6 =	vld [tilespmem:$0x1FEB0]  }
0x14e: {  	v39 =	vshll.u32 v37, $0x8;
	v0 =	vshll.u32 v37, $0x7  }
0x14f: {  	v1 =	vand.u32 $0x3800, v39;
	v0 =	vand.u32 $0x380, v0  }
0x150: {  	v35 =	vor.u32 v0, v1  }
0x151: {  	v40 =	vld.idx.msk [tilespmem:v40+s11+$0x0], $0xffff;
	v1 =	vor.u32 v2, v35  }
0x152: {  	v46 =	vor.u32 v12, v44;
	v47 =	vld.idx.msk [tilespmem:v56+s11+$0x0], $0xffff;
	[tilespmem:v43+s17+$0x0] =	vst.idx.msk $0xffff, v36;
	v57 =	vor.u32 v6, v41  }
0x153: {  	s28 =	simm.s32 $0x3;
	v7 =	vld [tilespmem:$0x1FEC0]  }
0x154: {  	v42 =	vadd.s32 s28, v2  }
0x155: {  	v33 =	vand.u32 $0x3F, v42  }
0x156: {  	v0 =	vor.u32 v3, v33;
	[tilespmem:v1+s17+$0x0] =	vst.idx.msk $0xffff, v40  }
0x157: {  	v58 =	vshll.u32 v42, $0x8;
	v48 =	vor.u32 v20, v32;
	v62 =	vld.idx.msk [tilespmem:v46+s11+$0x0], $0xffff;
	[tilespmem:v57+s17+$0x0] =	vst.idx.msk $0xffff, v47  }
0x158: {  	v42 =	vshll.u32 v42, $0x7;
	v52 =	vor.u32 v6, v38;
	v61 =	vor.u32 v7, v45;
	v8 =	vld [tilespmem:$0x1FED0]  }
0x159: {  	v59 =	vand.u32 $0x3800, v58;
	v60 =	vand.u32 $0x380, v42  }
0x15a: {  	v34 =	vor.u32 v60, v59  }
0x15b: {  	v53 =	vor.u32 v2, v34;
	v0 =	vld.idx.msk [tilespmem:v0+s11+$0x0], $0xffff  }
0x15c: {  	v55 =	vor.u32 v28, v35;
	v1 =	vld.idx.msk [tilespmem:v48+s11+$0x0], $0xffff  }
0x15d: {  	v54 =	vor.u32 v7, v44;
	v39 =	vld.idx.msk [tilespmem:v61+s11+$0x0], $0xffff;
	[tilespmem:v52+s17+$0x0] =	vst.idx.msk $0xffff, v62;
	v57 =	vor.u32 v8, v41  }
0x15e: {  	v9 =	vld [tilespmem:$0x1FEE0];
	_ =	sdelay $0x1  }
0x15f: {  	[tilespmem:v53+s17+$0x0] =	vst.idx.msk $0xffff, v0  }
0x160: {  	v49 =	vor.u32 v20, v33;
	[tilespmem:v55+s17+$0x0] =	vst.idx.msk $0xffff, v1  }
0x161: {  	v56 =	vor.u32 v29, v32;
	v0 =	vld.idx.msk [tilespmem:v54+s11+$0x0], $0xffff;
	[tilespmem:v57+s17+$0x0] =	vst.idx.msk $0xffff, v39  }
0x162: {  	v59 =	vor.u32 v8, v38;
	v58 =	vor.u32 v9, v45;
	v15 =	vld [tilespmem:$0x1FEF0];
	_ =	sdelay $0x2  }
0x163: {  	v60 =	vor.u32 v28, v34;
	v43 =	vld.idx.msk [tilespmem:v49+s11+$0x0], $0xffff  }
0x164: {  	v52 =	vor.u32 v30, v35;
	v1 =	vld.idx.msk [tilespmem:v56+s11+$0x0], $0xffff  }
0x165: {  	v61 =	vor.u32 v9, v44;
	v36 =	vld.idx.msk [tilespmem:v58+s11+$0x0], $0xffff;
	[tilespmem:v59+s17+$0x0] =	vst.idx.msk $0xffff, v0;
	v54 =	vor.u32 v15, v41  }
0x166: {  	v10 =	vld [tilespmem:$0x1FF00];
	_ =	sdelay $0x1  }
0x167: {  	[tilespmem:v60+s17+$0x0] =	vst.idx.msk $0xffff, v43  }
0x168: {  	v62 =	vor.u32 v29, v33;
	[tilespmem:v52+s17+$0x0] =	vst.idx.msk $0xffff, v1  }
0x169: {  	v53 =	vor.u32 v31, v32;
	v42 =	vld.idx.msk [tilespmem:v61+s11+$0x0], $0xffff;
	[tilespmem:v54+s17+$0x0] =	vst.idx.msk $0xffff, v36  }
0x16a: {  	v55 =	vor.u32 v15, v38;
	v0 =	vor.u32 v10, v45;
	v13 =	vld [tilespmem:$0x1FF10];
	_ =	sdelay $0x2  }
0x16b: {  	v56 =	vor.u32 v30, v34;
	v46 =	vld.idx.msk [tilespmem:v62+s11+$0x0], $0xffff  }
0x16c: {  	v50 =	vor.u32 v63, v35;
	v39 =	vld.idx.msk [tilespmem:v53+s11+$0x0], $0xffff  }
0x16d: {  	v57 =	vor.u32 v10, v44;
	v0 =	vld.idx.msk [tilespmem:v0+s11+$0x0], $0xffff;
	[tilespmem:v55+s17+$0x0] =	vst.idx.msk $0xffff, v42;
	v51 =	vor.u32 v13, v41  }
0x16e: {  	v21 =	vld [tilespmem:$0x1FF20];
	_ =	sdelay $0x1  }
0x16f: {  	[tilespmem:v56+s17+$0x0] =	vst.idx.msk $0xffff, v46  }
0x170: {  	v58 =	vor.u32 v31, v33;
	[tilespmem:v50+s17+$0x0] =	vst.idx.msk $0xffff, v39  }
0x171: {  	v59 =	vor.u32 v22, v32;
	v43 =	vld.idx.msk [tilespmem:v57+s11+$0x0], $0xffff;
	[tilespmem:v51+s17+$0x0] =	vst.idx.msk $0xffff, v0  }
0x172: {  	s29 =	simm.s32 $0x4;
	v61 =	vor.u32 v13, v38;
	v60 =	vor.u32 v21, v45;
	v19 =	vld [tilespmem:$0x1FF30]  }
0x173: {  	v1 =	vadd.s32 s29, v2  }
0x174: {  	v52 =	vshll.u32 v1, $0x7  }
0x175: {  	v37 =	vand.u32 $0x3F, v1;
	v57 =	vor.u32 v63, v34;
	v47 =	vld.idx.msk [tilespmem:v58+s11+$0x0], $0xffff;
	v58 =	vor.u32 v21, v44  }
0x176: {  	v56 =	vshll.u32 v1, $0x8;
	v1 =	vor.u32 v22, v33;
	v40 =	vld.idx.msk [tilespmem:v59+s11+$0x0], $0xffff;
	v59 =	vor.u32 v11, v35  }
0x177: {  	v42 =	vld.idx.msk [tilespmem:v60+s11+$0x0], $0xffff;
	[tilespmem:v61+s17+$0x0] =	vst.idx.msk $0xffff, v43;
	v62 =	vor.u32 v19, v41  }
0x178: {  	v23 =	vld [tilespmem:$0x1FF40];
	_ =	sdelay $0x1  }
0x179: {  	v53 =	vor.u32 v3, v37;
	[tilespmem:v57+s17+$0x0] =	vst.idx.msk $0xffff, v47;
	v46 =	vld.idx.msk [tilespmem:v58+s11+$0x0], $0xffff;
	v60 =	vor.u32 v19, v38  }
0x17a: {  	v49 =	vor.u32 v11, v34;
	v0 =	vor.u32 v12, v32;
	[tilespmem:v59+s17+$0x0] =	vst.idx.msk $0xffff, v40;
	v1 =	vld.idx.msk [tilespmem:v1+s11+$0x0], $0xffff  }
0x17b: {  	v52 =	vand.u32 $0x380, v52;
	v55 =	vor.u32 v12, v33;
	v36 =	vand.u32 $0x3800, v56;
	[tilespmem:v62+s17+$0x0] =	vst.idx.msk $0xffff, v42  }
0x17c: {  	s30 =	simm.s32 $0x5;
	v36 =	vor.u32 v52, v36;
	v43 =	vor.u32 v23, v45;
	v4 =	vld [tilespmem:$0x1FF50]  }
0x17d: {  	v54 =	vor.u32 v2, v36;
	v61 =	vadd.s32 s30, v2;
	v52 =	vor.u32 v23, v44  }
0x17e: {  	v53 =	vld.idx.msk [tilespmem:v53+s11+$0x0], $0xffff;
	v39 =	vand.u32 $0x3F, v61;
	[tilespmem:v60+s17+$0x0] =	vst.idx.msk $0xffff, v46;
	v60 =	vshll.u32 v61, $0x8;
	v61 =	vshll.u32 v61, $0x7  }
0x17f: {  	v50 =	vor.u32 v6, v35;
	v0 =	vld.idx.msk [tilespmem:v0+s11+$0x0], $0xffff;
	[tilespmem:v49+s17+$0x0] =	vst.idx.msk $0xffff, v1;
	v40 =	vand.u32 $0x3800, v60;
	v46 =	vand.u32 $0x380, v61  }
0x180: {  	v49 =	vld.idx.msk [tilespmem:v55+s11+$0x0], $0xffff;
	v40 =	vor.u32 v46, v40;
	v46 =	vor.u32 v6, v34  }
0x181: {  	v56 =	vor.u32 v3, v39;
	v43 =	vld.idx.msk [tilespmem:v43+s11+$0x0], $0xffff;
	v51 =	vor.u32 v4, v41  }
0x182: {  	v62 =	vor.u32 v20, v37;
	v1 =	vld.idx.msk [tilespmem:v52+s11+$0x0], $0xffff;
	v47 =	vor.u32 v4, v38  }
0x183: {  	v25 =	vld [tilespmem:$0x1FF60];
	[tilespmem:v54+s17+$0x0] =	vst.idx.msk $0xffff, v53  }
0x184: {  	[tilespmem:v50+s17+$0x0] =	vst.idx.msk $0xffff, v0  }
0x185: {  	v57 =	vor.u32 v7, v32;
	[tilespmem:v46+s17+$0x0] =	vst.idx.msk $0xffff, v49  }
0x186: {  	v42 =	vor.u32 v7, v33;
	v52 =	vld.idx.msk [tilespmem:v56+s11+$0x0], $0xffff;
	v54 =	vor.u32 v2, v40;
	[tilespmem:v51+s17+$0x0] =	vst.idx.msk $0xffff, v43  }
0x187: {  	v0 =	vld.idx.msk [tilespmem:v62+s11+$0x0], $0xffff;
	v62 =	vor.u32 v28, v36;
	[tilespmem:v47+s17+$0x0] =	vst.idx.msk $0xffff, v1  }
0x188: {  	v48 =	vor.u32 v25, v45;
	v26 =	vld [tilespmem:$0x1FF70]  }
0x189: {  	v53 =	vor.u32 v25, v44  }
0x18a: {  	v56 =	vld.idx.msk [tilespmem:v57+s11+$0x0], $0xffff  }
0x18b: {  	v57 =	vor.u32 v8, v35;
	v42 =	vld.idx.msk [tilespmem:v42+s11+$0x0], $0xffff;
	[tilespmem:v54+s17+$0x0] =	vst.idx.msk $0xffff, v52  }
0x18c: {  	v27 =	vld [tilespmem:$0x1FF80];
	[tilespmem:v62+s17+$0x0] =	vst.idx.msk $0xffff, v0;
	v0 =	vor.u32 v8, v34  }
0x18d: {  	v60 =	vor.u32 v20, v39;
	v47 =	vld.idx.msk [tilespmem:v48+s11+$0x0], $0xffff;
	v46 =	vor.u32 v26, v41  }
0x18e: {  	v61 =	vor.u32 v29, v37;
	v49 =	vld.idx.msk [tilespmem:v53+s11+$0x0], $0xffff;
	v52 =	vor.u32 v26, v38;
	_ =	sdelay $0x1  }
0x18f: {  	s31 =	simm.s32 $0x6;
	[tilespmem:v57+s17+$0x0] =	vst.idx.msk $0xffff, v56  }
0x190: {  	v51 =	vadd.s32 s31, v2;
	[tilespmem:v0+s17+$0x0] =	vst.idx.msk $0xffff, v42  }
0x191: {  	v1 =	vshll.u32 v51, $0x8;
	v48 =	vor.u32 v9, v32;
	v58 =	vshll.u32 v51, $0x7;
	v50 =	vld.idx.msk [tilespmem:v60+s11+$0x0], $0xffff;
	[tilespmem:v46+s17+$0x0] =	vst.idx.msk $0xffff, v47  }
0x192: {  	v60 =	vor.u32 v9, v33;
	v55 =	vld.idx.msk [tilespmem:v61+s11+$0x0], $0xffff;
	v61 =	vor.u32 v30, v36;
	[tilespmem:v52+s17+$0x0] =	vst.idx.msk $0xffff, v49  }
0x193: {  	v7 =	vmovc v29;
	v43 =	vand.u32 $0x3F, v51;
	v51 =	vor.u32 v29, v39;
	v53 =	vor.u32 v27, v45;
	v29 =	vld [tilespmem:$0x1FF90]  }
0x194: {  	v59 =	vor.u32 v28, v40;
	v54 =	vor.u32 v27, v44;
	_ =	sdelay $0x1  }
0x195: {  	v46 =	vld.idx.msk [tilespmem:v48+s11+$0x0], $0xffff;
	v48 =	vor.u32 v15, v35  }
0x196: {  	v57 =	vld.idx.msk [tilespmem:v60+s11+$0x0], $0xffff;
	[tilespmem:v61+s17+$0x0] =	vst.idx.msk $0xffff, v55;
	v55 =	vor.u32 v15, v34  }
0x197: {  	v52 =	vld.idx.msk [tilespmem:v53+s11+$0x0], $0xffff;
	v0 =	vor.u32 v29, v41  }
0x198: {  	v56 =	vor.u32 v31, v37;
	v54 =	vld.idx.msk [tilespmem:v54+s11+$0x0], $0xffff;
	[tilespmem:v59+s17+$0x0] =	vst.idx.msk $0xffff, v50;
	v50 =	vor.u32 v29, v38;
	_ =	sdelay $0x1  }
0x199: {  	v1 =	vand.u32 $0x3800, v1;
	v62 =	vand.u32 $0x380, v58;
	v49 =	vor.u32 v3, v43;
	[tilespmem:v48+s17+$0x0] =	vst.idx.msk $0xffff, v46  }
0x19a: {  	v42 =	vor.u32 v62, v1;
	v59 =	vor.u32 v10, v33;
	[tilespmem:v55+s17+$0x0] =	vst.idx.msk $0xffff, v57  }
0x19b: {  	v1 =	vor.u32 v30, v40;
	v53 =	vor.u32 v10, v32;
	v51 =	vld.idx.msk [tilespmem:v51+s11+$0x0], $0xffff;
	[tilespmem:v0+s17+$0x0] =	vst.idx.msk $0xffff, v52  }
0x19c: {  	v60 =	vor.u32 v63, v36;
	v56 =	vld.idx.msk [tilespmem:v56+s11+$0x0], $0xffff;
	[tilespmem:v50+s17+$0x0] =	vst.idx.msk $0xffff, v54  }
0x19d: {  	v8 =	vmov v30;
	v47 =	vor.u32 v5, v45;
	v30 =	vld [tilespmem:$0x1FFA0]  }
0x19e: {  	v58 =	vor.u32 v5, v44;
	v46 =	vld.idx.msk [tilespmem:v49+s11+$0x0], $0xffff  }
0x19f: {  	v48 =	vor.u32 v31, v39;
	v49 =	vor.u32 v2, v42;
	v59 =	vld.idx.msk [tilespmem:v59+s11+$0x0], $0xffff  }
0x1a0: {  	v52 =	vld.idx.msk [tilespmem:v53+s11+$0x0], $0xffff;
	v53 =	vor.u32 v13, v35;
	[tilespmem:v1+s17+$0x0] =	vst.idx.msk $0xffff, v51  }
0x1a1: {  	v9 =	vmov v31;
	v31 =	vld [tilespmem:$0x1FFB0];
	[tilespmem:v60+s17+$0x0] =	vst.idx.msk $0xffff, v56;
	v56 =	vor.u32 v13, v34  }
0x1a2: {  	v0 =	vor.u32 v22, v37;
	v47 =	vld.idx.msk [tilespmem:v47+s11+$0x0], $0xffff;
	v54 =	vor.u32 v30, v41  }
0x1a3: {  	v6 =	vmovc v28;
	v28 =	vmov v5;
	v50 =	vor.u32 v21, v32;
	v5 =	vld.idx.msk [tilespmem:v58+s11+$0x0], $0xffff;
	v61 =	vor.u32 v30, v38  }
0x1a4: {  	v62 =	vld.idx.msk [tilespmem:v48+s11+$0x0], $0xffff;
	[tilespmem:v49+s17+$0x0] =	vst.idx.msk $0xffff, v46;
	v46 =	vor.u32 v63, v40  }
0x1a5: {  	[tilespmem:v53+s17+$0x0] =	vst.idx.msk $0xffff, v52  }
0x1a6: {  	v49 =	vor.u32 v21, v33;
	[tilespmem:v56+s17+$0x0] =	vst.idx.msk $0xffff, v59  }
0x1a7: {  	v58 =	vld.idx.msk [tilespmem:v0+s11+$0x0], $0xffff;
	v1 =	vor.u32 v31, v45;
	[tilespmem:v54+s17+$0x0] =	vst.idx.msk $0xffff, v47  }
0x1a8: {  	v52 =	vld.idx.msk [tilespmem:v50+s11+$0x0], $0xffff;
	v60 =	vor.u32 v31, v44;
	[tilespmem:v61+s17+$0x0] =	vst.idx.msk $0xffff, v5  }
0x1a9: {  	v10 =	vmov v63;
	v63 =	vor.u32 v11, v36;
	v0 =	vor.u32 v22, v39;
	v5 =	vld [tilespmem:$0x1FFC0];
	[tilespmem:v46+s17+$0x0] =	vst.idx.msk $0xffff, v62  }
0x1aa: {  	v13 =	vmov v22;
	v22 =	vld [tilespmem:$0x1FFE0]  }
0x1ab: {  	v47 =	vld.idx.msk [tilespmem:v49+s11+$0x0], $0xffff  }
0x1ac: {  	v14 =	vmov v20;
	v17 =	vmov v12;
	v51 =	vld.idx.msk [tilespmem:v1+s11+$0x0], $0xffff  }
0x1ad: {  	v57 =	vor.u32 v12, v37;
	v55 =	vor.u32 v19, v35;
	v48 =	vor.u32 v23, v32;
	v50 =	vld.idx.msk [tilespmem:v60+s11+$0x0], $0xffff  }
0x1ae: {  	v54 =	vor.u32 v19, v34;
	[tilespmem:v63+s17+$0x0] =	vst.idx.msk $0xffff, v58;
	v58 =	vld.idx.msk [tilespmem:v0+s11+$0x0], $0xffff;
	v56 =	vor.u32 v5, v41  }
0x1af: {  	s25 =	simm.s32 $0x7;
	s24 =	simm.s32 $0x8;
	v15 =	vmovc v11;
	v20 =	vld [tilespmem:$0x1FFD0];
	v53 =	vor.u32 v5, v38;
	v49 =	vor.u32 v22, v45;
	v46 =	vor.u32 v22, v44  }
.LBB2_9:
0x1b0: {  	v11 =	vld [tilespmem:$0x1FEB0];
	_ =	sdelay $0x2  }
0x1b1: {  	v0 =	vadd.s32 s25, v2;
	v1 =	vld.idx.msk [tilespmem:v57+s11+$0x0], $0xffff;
	v57 =	vor.u32 v15, v40;
	v59 =	vor.u32 v23, v33  }
0x1b2: {  	v44 =	vmovc v33;
	v33 =	vmovc v39;
	v45 =	vmov v32;
	v32 =	vmov v37;
	v62 =	vld [tilespmem:$0x1FEC0];
	v39 =	vand.u32 $0x3F, v0;
	[tilespmem:v55+s17+$0x0] =	vst.idx.msk $0xffff, v52  }
0x1b3: {  	v37 =	vmov v43;
	v52 =	vor.u32 v3, v39;
	[tilespmem:v53+s17+$0x0] =	vst.idx.msk $0xffff, v50;
	v43 =	vor.u32 v11, v36  }
0x1b4: {  	v60 =	vor.u32 v17, v33;
	v48 =	vld.idx.msk [tilespmem:v48+s11+$0x0], $0xffff;
	[tilespmem:v56+s17+$0x0] =	vst.idx.msk $0xffff, v51  }
0x1b5: {  	v51 =	vor.u32 v14, v37;
	v56 =	vor.u32 v4, v35;
	[tilespmem:v54+s17+$0x0] =	vst.idx.msk $0xffff, v47;
	v49 =	vld.idx.msk [tilespmem:v49+s11+$0x0], $0xffff  }
0x1b6: {  	v41 =	vor.u32 v20, v41;
	v63 =	vshll.u32 v0, $0x8;
	v46 =	vld.idx.msk [tilespmem:v46+s11+$0x0], $0xffff;
	[tilespmem:v57+s17+$0x0] =	vst.idx.msk $0xffff, v58  }
0x1b7: {  	v0 =	vshll.u32 v0, $0x7;
	v54 =	vor.u32 v20, v38;
	v50 =	vor.u32 v62, v32;
	v53 =	vld.idx.msk [tilespmem:v59+s11+$0x0], $0xffff  }
0x1b8: {  	v61 =	vand.u32 $0x3800, v63;
	v0 =	vand.u32 $0x380, v0;
	v47 =	vld.idx.msk [tilespmem:v52+s11+$0x0], $0xffff;
	[tilespmem:v43+s17+$0x0] =	vst.idx.msk $0xffff, v1;
	v43 =	vor.u32 v4, v34  }
0x1b9: {  	v55 =	vor.u32 v25, v45;
	v0 =	vor.u32 v0, v61;
	v52 =	vor.u32 v11, v40;
	v1 =	vld.idx.msk [tilespmem:v60+s11+$0x0], $0xffff  }
0x1ba: {  	v57 =	vor.u32 v25, v44;
	v58 =	vor.u32 v2, v0;
	v51 =	vld.idx.msk [tilespmem:v51+s11+$0x0], $0xffff;
	[tilespmem:v56+s17+$0x0] =	vst.idx.msk $0xffff, v48  }
0x1bb: {  	v63 =	vor.u32 v6, v42;
	v62 =	vor.u32 v62, v33;
	v11 =	vld [tilespmem:$0x1FED0];
	[tilespmem:v41+s17+$0x0] =	vst.idx.msk $0xffff, v49  }
0x1bc: {  	[tilespmem:v54+s17+$0x0] =	vst.idx.msk $0xffff, v46;
	v50 =	vld.idx.msk [tilespmem:v50+s11+$0x0], $0xffff  }
0x1bd: {  	v60 =	vor.u32 v14, v39;
	[tilespmem:v43+s17+$0x0] =	vst.idx.msk $0xffff, v53;
	v43 =	vld [tilespmem:$0x1FEE0]  }
0x1be: {  	v61 =	vor.u32 v7, v37;
	v38 =	vmov v34;
	v55 =	vld.idx.msk [tilespmem:v55+s11+$0x0], $0xffff;
	[tilespmem:v52+s17+$0x0] =	vst.idx.msk $0xffff, v1  }
0x1bf: {  	v34 =	vmov v40;
	v52 =	vld.idx.msk [tilespmem:v57+s11+$0x0], $0xffff;
	[tilespmem:v58+s17+$0x0] =	vst.idx.msk $0xffff, v47;
	v57 =	vor.u32 v26, v38  }
0x1c0: {  	[tilespmem:v63+s17+$0x0] =	vst.idx.msk $0xffff, v51;
	v51 =	vor.u32 v11, v34;
	v47 =	vld.idx.msk [tilespmem:v62+s11+$0x0], $0xffff  }
0x1c1: {  	v18 =	vld [tilespmem:$0x1FEF0];
	v40 =	vmov v0;
	v56 =	vor.u32 v27, v44;
	v54 =	vor.u32 v11, v36  }
0x1c2: {  	v48 =	vld.idx.msk [tilespmem:v60+s11+$0x0], $0xffff;
	v60 =	vor.u32 v6, v40;
	v0 =	vor.u32 v43, v32  }
0x1c3: {  	v1 =	vor.u32 v26, v35;
	v59 =	vld.idx.msk [tilespmem:v61+s11+$0x0], $0xffff;
	v61 =	vor.u32 v43, v33  }
0x1c4: {  	v49 =	vadd.s32 s24, v2;
	v41 =	vmov v35;
	[tilespmem:v57+s17+$0x0] =	vst.idx.msk $0xffff, v52  }
0x1c5: {  	v46 =	vshll.u32 v49, $0x8;
	v53 =	vor.u32 v27, v45;
	v35 =	vor.u32 v8, v42;
	v11 =	vld [tilespmem:$0x1FF00];
	[tilespmem:v51+s17+$0x0] =	vst.idx.msk $0xffff, v47  }
0x1c6: {  	v58 =	vshll.u32 v49, $0x7;
	[tilespmem:v54+s17+$0x0] =	vst.idx.msk $0xffff, v50;
	v43 =	vand.u32 $0x3F, v49;
	v49 =	vor.u32 v7, v39;
	v51 =	vld.idx.msk [tilespmem:v56+s11+$0x0], $0xffff  }
0x1c7: {  	v62 =	vor.u32 v9, v37;
	v57 =	vor.u32 v29, v38;
	[tilespmem:v60+s17+$0x0] =	vst.idx.msk $0xffff, v48;
	v0 =	vld.idx.msk [tilespmem:v0+s11+$0x0], $0xffff  }
0x1c8: {  	v54 =	vor.u32 v3, v43;
	[tilespmem:v1+s17+$0x0] =	vst.idx.msk $0xffff, v55;
	v55 =	vor.u32 v18, v36;
	v48 =	vld.idx.msk [tilespmem:v61+s11+$0x0], $0xffff  }
0x1c9: {  	v63 =	vand.u32 $0x380, v58;
	v58 =	vor.u32 v18, v34;
	v18 =	vld [tilespmem:$0x1FF10]  }
0x1ca: {  	v46 =	vand.u32 $0x3800, v46;
	v52 =	vor.u32 v11, v32;
	v47 =	vor.u32 v29, v41;
	v53 =	vld.idx.msk [tilespmem:v53+s11+$0x0], $0xffff  }
0x1cb: {  	v46 =	vor.u32 v63, v46;
	v49 =	vld.idx.msk [tilespmem:v49+s11+$0x0], $0xffff;
	[tilespmem:v35+s17+$0x0] =	vst.idx.msk $0xffff, v59;
	v59 =	vor.u32 v28, v44  }
0x1cc: {  	v56 =	vor.u32 v8, v40;
	v1 =	vor.u32 v28, v45;
	v50 =	vld.idx.msk [tilespmem:v62+s11+$0x0], $0xffff;
	[tilespmem:v57+s17+$0x0] =	vst.idx.msk $0xffff, v51  }
0x1cd: {  	v60 =	vor.u32 v11, v33;
	v61 =	vor.u32 v10, v42;
	v54 =	vld.idx.msk [tilespmem:v54+s11+$0x0], $0xffff;
	[tilespmem:v55+s17+$0x0] =	vst.idx.msk $0xffff, v0  }
0x1ce: {  	v62 =	vor.u32 v9, v39;
	v0 =	vor.u32 v2, v46;
	[tilespmem:v58+s17+$0x0] =	vst.idx.msk $0xffff, v48  }
0x1cf: {  	v55 =	vor.u32 v13, v37;
	v52 =	vld.idx.msk [tilespmem:v52+s11+$0x0], $0xffff;
	[tilespmem:v47+s17+$0x0] =	vst.idx.msk $0xffff, v53;
	v47 =	vor.u32 v18, v36  }
0x1d0: {  	v58 =	vor.u32 v30, v38;
	v53 =	vld.idx.msk [tilespmem:v59+s11+$0x0], $0xffff  }
0x1d1: {  	v51 =	vor.u32 v21, v32;
	v48 =	vor.u32 v30, v41;
	[tilespmem:v56+s17+$0x0] =	vst.idx.msk $0xffff, v49;
	v1 =	vld.idx.msk [tilespmem:v1+s11+$0x0], $0xffff  }
0x1d2: {  	v56 =	vor.u32 v31, v45;
	v49 =	vld.idx.msk [tilespmem:v60+s11+$0x0], $0xffff;
	[tilespmem:v61+s17+$0x0] =	vst.idx.msk $0xffff, v50;
	v50 =	vor.u32 v18, v34  }
0x1d3: {  	v59 =	vld.idx.msk [tilespmem:v62+s11+$0x0], $0xffff;
	v60 =	vor.u32 v31, v44;
	[tilespmem:v0+s17+$0x0] =	vst.idx.msk $0xffff, v54;
	v54 =	vor.u32 v10, v40  }
0x1d4: {  	v35 =	vmov v36;
	v36 =	vmov v42;
	v61 =	vor.u32 v21, v33;
	v0 =	vld.idx.msk [tilespmem:v55+s11+$0x0], $0xffff;
	[tilespmem:v47+s17+$0x0] =	vst.idx.msk $0xffff, v52  }
0x1d5: {  	p0 =	slt.u32 s24, $0x3E;
	v63 =	vor.u32 v13, v39;
	v62 =	vor.u32 v15, v36;
	[tilespmem:v58+s17+$0x0] =	vst.idx.msk $0xffff, v53  }
.Ltmp6:
0x1d6: {  	v52 =	vld.idx.msk [tilespmem:v51+s11+$0x0], $0xffff;
	[tilespmem:v48+s17+$0x0] =	vst.idx.msk $0xffff, v1;
	(pc) =	sbr.rel @p0 .LBB2_9-.Ltmp6, $4  }
0x1d7: {  	v57 =	vor.u32 v17, v37;
	v42 =	vmov v46;
	[tilespmem:v50+s17+$0x0] =	vst.idx.msk $0xffff, v49;
	v51 =	vld.idx.msk [tilespmem:v56+s11+$0x0], $0xffff  }
0x1d8: {  	v46 =	vor.u32 v22, v44;
	v55 =	vor.u32 v19, v35;
	v50 =	vld.idx.msk [tilespmem:v60+s11+$0x0], $0xffff;
	[tilespmem:v54+s17+$0x0] =	vst.idx.msk $0xffff, v59  }
0x1d9: {  	v53 =	vor.u32 v5, v38;
	v48 =	vor.u32 v23, v32;
	v49 =	vor.u32 v22, v45;
	v47 =	vld.idx.msk [tilespmem:v61+s11+$0x0], $0xffff  }
0x1da: {  	s25 =	sadd.s32 $0x1, s24;
	s24 =	sadd.s32 $0x2, s24;
	v56 =	vor.u32 v5, v41;
	v54 =	vor.u32 v19, v34;
	[tilespmem:v62+s17+$0x0] =	vst.idx.msk $0xffff, v0;
	v58 =	vld.idx.msk [tilespmem:v63+s11+$0x0], $0xffff  }
0x1db: {  	v0 =	vadd.s32 s25, v2  }
0x1dc: {  	v45 =	vand.u32 $0x3F, v0  }
0x1dd: {  	v1 =	vor.u32 v3, v45;
	_ =	sdelay $0x1  }
0x1de: {  	v44 =	vshll.u32 v0, $0x8;
	v0 =	vshll.u32 v0, $0x7  }
0x1df: {  	v44 =	vand.u32 $0x3800, v44;
	v0 =	vand.u32 $0x380, v0  }
0x1e0: {  	v44 =	vor.u32 v0, v44  }
0x1e1: {  	v0 =	vor.u32 v14, v43;
	v59 =	vor.u32 v2, v44;
	v1 =	vld.idx.msk [tilespmem:v1+s11+$0x0], $0xffff  }
0x1e2: {  	v60 =	vor.u32 v14, v45;
	_ =	sdelay $0x3  }
0x1e3: {  	v61 =	vor.u32 v6, v42;
	v0 =	vld.idx.msk [tilespmem:v0+s11+$0x0], $0xffff;
	[tilespmem:v59+s17+$0x0] =	vst.idx.msk $0xffff, v1  }
0x1e4: {  	v1 =	vor.u32 v7, v43;
	v59 =	vld.idx.msk [tilespmem:v60+s11+$0x0], $0xffff;
	v60 =	vor.u32 v6, v44  }
0x1e5: {  	v62 =	vor.u32 v7, v45;
	_ =	sdelay $0x2  }
0x1e6: {  	[tilespmem:v61+s17+$0x0] =	vst.idx.msk $0xffff, v0  }
0x1e7: {  	v0 =	vld.idx.msk [tilespmem:v1+s11+$0x0], $0xffff;
	v1 =	vor.u32 v8, v42;
	[tilespmem:v60+s17+$0x0] =	vst.idx.msk $0xffff, v59  }
0x1e8: {  	v61 =	vor.u32 v8, v44;
	v59 =	vor.u32 v9, v43;
	v60 =	vld.idx.msk [tilespmem:v62+s11+$0x0], $0xffff  }
0x1e9: {  	v62 =	vor.u32 v9, v45;
	_ =	sdelay $0x2  }
0x1ea: {  	[tilespmem:v1+s17+$0x0] =	vst.idx.msk $0xffff, v0  }
0x1eb: {  	v1 =	vor.u32 v10, v42;
	v0 =	vld.idx.msk [tilespmem:v59+s11+$0x0], $0xffff;
	[tilespmem:v61+s17+$0x0] =	vst.idx.msk $0xffff, v60  }
0x1ec: {  	v61 =	vor.u32 v10, v44;
	v60 =	vld.idx.msk [tilespmem:v62+s11+$0x0], $0xffff;
	_ =	sdelay $0x3  }
0x1ed: {  	v59 =	vor.u32 v13, v43;
	[tilespmem:v1+s17+$0x0] =	vst.idx.msk $0xffff, v0  }
0x1ee: {  	v62 =	vor.u32 v13, v45;
	[tilespmem:v61+s17+$0x0] =	vst.idx.msk $0xffff, v60  }
0x1ef: {  	v24 =	vmov v14;
	v63 =	vor.u32 v15, v40;
	v14 =	vld [tilespmem:$0x1FEB0];
	_ =	sdelay $0x1  }
0x1f0: {  	v0 =	vor.u32 v17, v39  }
0x1f1: {  	v1 =	vld.idx.msk [tilespmem:v59+s11+$0x0], $0xffff;
	v59 =	vor.u32 v15, v42  }
0x1f2: {  	v61 =	vld.idx.msk [tilespmem:v62+s11+$0x0], $0xffff;
	v62 =	vor.u32 v15, v44  }
0x1f3: {  	v2 =	vld.idx.msk [tilespmem:v57+s11+$0x0], $0xffff;
	v60 =	vor.u32 v17, v43;
	[tilespmem:v63+s17+$0x0] =	vst.idx.msk $0xffff, v58;
	v3 =	vor.u32 v14, v36  }
0x1f4: {  	v12 =	vmov v15;
	v15 =	vld [tilespmem:$0x1FEC0]  }
0x1f5: {  	v11 =	vmovc v13;
	v16 =	vor.u32 v17, v45;
	v13 =	vmov v17;
	v17 =	vld.idx.msk [tilespmem:v0+s11+$0x0], $0xffff;
	v63 =	vor.u32 v14, v40  }
0x1f6: {  	[tilespmem:v59+s17+$0x0] =	vst.idx.msk $0xffff, v1  }
0x1f7: {  	[tilespmem:v62+s17+$0x0] =	vst.idx.msk $0xffff, v61  }
0x1f8: {  	v59 =	vld.idx.msk [tilespmem:v60+s11+$0x0], $0xffff;
	[tilespmem:v3+s17+$0x0] =	vst.idx.msk $0xffff, v2  }
0x1f9: {  	v58 =	vor.u32 v15, v37;
	v2 =	vld [tilespmem:$0x1FED0]  }
0x1fa: {  	v60 =	vor.u32 v14, v42;
	v1 =	vor.u32 v15, v39;
	v62 =	vld.idx.msk [tilespmem:v16+s11+$0x0], $0xffff;
	[tilespmem:v63+s17+$0x0] =	vst.idx.msk $0xffff, v17  }
0x1fb: {  	v0 =	vor.u32 v14, v44;
	v17 =	vld [tilespmem:$0x1FEE0]  }
0x1fc: {  	v61 =	vor.u32 v15, v43  }
0x1fd: {  	v16 =	vor.u32 v15, v45  }
0x1fe: {  	v3 =	vld.idx.msk [tilespmem:v58+s11+$0x0], $0xffff;
	v58 =	vor.u32 v2, v36  }
0x1ff: {  	v57 =	vld.idx.msk [tilespmem:v1+s11+$0x0], $0xffff;
	[tilespmem:v60+s17+$0x0] =	vst.idx.msk $0xffff, v59;
	v1 =	vor.u32 v2, v40  }
0x200: {  	[tilespmem:v0+s17+$0x0] =	vst.idx.msk $0xffff, v62;
	v0 =	vor.u32 v17, v43  }
0x201: {  	v60 =	vld.idx.msk [tilespmem:v61+s11+$0x0], $0xffff;
	v61 =	vor.u32 v2, v42;
	[tilespmem:$0x1FE10] =	vst v0  }
0x202: {  	v0 =	vor.u32 v2, v44;
	v62 =	vld.idx.msk [tilespmem:v16+s11+$0x0], $0xffff  }
0x203: {  	[tilespmem:v58+s17+$0x0] =	vst.idx.msk $0xffff, v3  }
0x204: {  	[tilespmem:v1+s17+$0x0] =	vst.idx.msk $0xffff, v57  }
0x205: {  	v63 =	vor.u32 v17, v37;
	v18 =	vld [tilespmem:$0x1FEF0]  }
0x206: {  	v59 =	vor.u32 v17, v39;
	[tilespmem:v61+s17+$0x0] =	vst.idx.msk $0xffff, v60  }
0x207: {  	v16 =	vld [tilespmem:$0x1FF00];
	[tilespmem:v0+s17+$0x0] =	vst.idx.msk $0xffff, v62  }
0x208: {  	v3 =	vld [tilespmem:$0x1FE10];
	_ =	sdelay $0x1  }
0x209: {  	v1 =	vld.idx.msk [tilespmem:v63+s11+$0x0], $0xffff;
	v57 =	vor.u32 v18, v36  }
0x20a: {  	v59 =	vld.idx.msk [tilespmem:v59+s11+$0x0], $0xffff;
	v60 =	vor.u32 v18, v40;
	_ =	sdelay $0x1  }
0x20b: {  	[tilespmem:v55+s17+$0x0] =	vst.idx.msk $0xffff, v52  }
0x20c: {  	v2 =	vor.u32 v17, v45;
	[tilespmem:v56+s17+$0x0] =	vst.idx.msk $0xffff, v51  }
0x20d: {  	[tilespmem:v57+s17+$0x0] =	vst.idx.msk $0xffff, v1  }
0x20e: {  	[tilespmem:v60+s17+$0x0] =	vst.idx.msk $0xffff, v59;
	v61 =	vld.idx.msk [tilespmem:v3+s11+$0x0], $0xffff  }
0x20f: {  	v58 =	vor.u32 v16, v37;
	v3 =	vld [tilespmem:$0x1FF10]  }
0x210: {  	v62 =	vor.u32 v18, v42;
	v0 =	vor.u32 v16, v39  }
0x211: {  	v55 =	vld.idx.msk [tilespmem:v2+s11+$0x0], $0xffff;
	v63 =	vor.u32 v18, v44;
	v52 =	vor.u32 v16, v43  }
0x212: {  	v51 =	vor.u32 v16, v45;
	_ =	sdelay $0x1  }
0x213: {  	v1 =	vld.idx.msk [tilespmem:v58+s11+$0x0], $0xffff;
	v56 =	vor.u32 v3, v36  }
0x214: {  	v57 =	vor.u32 v21, v37;
	v0 =	vld.idx.msk [tilespmem:v0+s11+$0x0], $0xffff;
	[tilespmem:v62+s17+$0x0] =	vst.idx.msk $0xffff, v61;
	v58 =	vor.u32 v3, v40  }
0x215: {  	v59 =	vor.u32 v21, v39;
	[tilespmem:v63+s17+$0x0] =	vst.idx.msk $0xffff, v55;
	v55 =	vor.u32 v3, v42;
	v52 =	vld.idx.msk [tilespmem:v52+s11+$0x0], $0xffff  }
0x216: {  	[tilespmem:v53+s17+$0x0] =	vst.idx.msk $0xffff, v50;
	v50 =	vor.u32 v21, v43;
	v51 =	vld.idx.msk [tilespmem:v51+s11+$0x0], $0xffff;
	v53 =	vor.u32 v3, v44  }
0x217: {  	v41 =	vor.u32 v20, v41;
	v49 =	vld.idx.msk [tilespmem:v49+s11+$0x0], $0xffff;
	[tilespmem:v54+s17+$0x0] =	vst.idx.msk $0xffff, v47;
	v62 =	vor.u32 v21, v45  }
0x218: {  	v48 =	vld.idx.msk [tilespmem:v48+s11+$0x0], $0xffff;
	v60 =	vor.u32 v4, v35;
	[tilespmem:v56+s17+$0x0] =	vst.idx.msk $0xffff, v1  }
0x219: {  	v63 =	vor.u32 v19, v36;
	v1 =	vor.u32 v23, v33;
	[tilespmem:v58+s17+$0x0] =	vst.idx.msk $0xffff, v0;
	v54 =	vld.idx.msk [tilespmem:v57+s11+$0x0], $0xffff  }
0x21a: {  	v0 =	vor.u32 v23, v37;
	v58 =	vor.u32 v19, v40;
	v57 =	vld.idx.msk [tilespmem:v59+s11+$0x0], $0xffff;
	[tilespmem:v55+s17+$0x0] =	vst.idx.msk $0xffff, v52  }
0x21b: {  	[tilespmem:v53+s17+$0x0] =	vst.idx.msk $0xffff, v51;
	v52 =	vor.u32 v23, v39;
	v55 =	vor.u32 v19, v42;
	v50 =	vld.idx.msk [tilespmem:v50+s11+$0x0], $0xffff  }
0x21c: {  	[tilespmem:v41+s17+$0x0] =	vst.idx.msk $0xffff, v49;
	v61 =	vor.u32 v23, v43;
	v51 =	vor.u32 v19, v44;
	v47 =	vld.idx.msk [tilespmem:v62+s11+$0x0], $0xffff  }
0x21d: {  	v38 =	vor.u32 v20, v38;
	v46 =	vld.idx.msk [tilespmem:v46+s11+$0x0], $0xffff;
	[tilespmem:v60+s17+$0x0] =	vst.idx.msk $0xffff, v48;
	v62 =	vor.u32 v23, v45  }
0x21e: {  	v49 =	vor.u32 v25, v32;
	v53 =	vor.u32 v4, v34;
	v1 =	vld.idx.msk [tilespmem:v1+s11+$0x0], $0xffff;
	[tilespmem:v63+s17+$0x0] =	vst.idx.msk $0xffff, v54  }
0x21f: {  	v56 =	vor.u32 v4, v36;
	v63 =	vor.u32 v25, v33;
	[tilespmem:v58+s17+$0x0] =	vst.idx.msk $0xffff, v57;
	v0 =	vld.idx.msk [tilespmem:v0+s11+$0x0], $0xffff  }
0x220: {  	v57 =	vor.u32 v25, v37;
	v58 =	vor.u32 v4, v40;
	v52 =	vld.idx.msk [tilespmem:v52+s11+$0x0], $0xffff;
	[tilespmem:v55+s17+$0x0] =	vst.idx.msk $0xffff, v50  }
0x221: {  	v60 =	vor.u32 v25, v39;
	[tilespmem:v51+s17+$0x0] =	vst.idx.msk $0xffff, v47;
	v48 =	vld.idx.msk [tilespmem:v61+s11+$0x0], $0xffff;
	v61 =	vor.u32 v4, v42  }
0x222: {  	[tilespmem:v38+s17+$0x0] =	vst.idx.msk $0xffff, v46;
	v38 =	vor.u32 v25, v43;
	v41 =	vld.idx.msk [tilespmem:v62+s11+$0x0], $0xffff;
	v62 =	vor.u32 v4, v44  }
0x223: {  	v47 =	vld.idx.msk [tilespmem:v49+s11+$0x0], $0xffff;
	v49 =	vor.u32 v25, v45;
	[tilespmem:v53+s17+$0x0] =	vst.idx.msk $0xffff, v1;
	v1 =	vor.u32 v26, v35  }
0x224: {  	v53 =	vor.u32 v27, v32;
	v51 =	vld.idx.msk [tilespmem:v63+s11+$0x0], $0xffff;
	v63 =	vor.u32 v26, v34;
	[tilespmem:v56+s17+$0x0] =	vst.idx.msk $0xffff, v0  }
0x225: {  	v0 =	vor.u32 v27, v33;
	[tilespmem:v58+s17+$0x0] =	vst.idx.msk $0xffff, v52;
	v52 =	vor.u32 v26, v36;
	v56 =	vld.idx.msk [tilespmem:v57+s11+$0x0], $0xffff  }
0x226: {  	v50 =	vld.idx.msk [tilespmem:v60+s11+$0x0], $0xffff;
	v57 =	vor.u32 v27, v37;
	v60 =	vor.u32 v26, v40;
	[tilespmem:v61+s17+$0x0] =	vst.idx.msk $0xffff, v48  }
0x227: {  	[tilespmem:v62+s17+$0x0] =	vst.idx.msk $0xffff, v41;
	v62 =	vor.u32 v26, v42;
	v61 =	vor.u32 v27, v39;
	v38 =	vld.idx.msk [tilespmem:v38+s11+$0x0], $0xffff  }
0x228: {  	v46 =	vor.u32 v27, v43;
	[tilespmem:v1+s17+$0x0] =	vst.idx.msk $0xffff, v47;
	v1 =	vld.idx.msk [tilespmem:v49+s11+$0x0], $0xffff;
	v47 =	vor.u32 v26, v44  }
0x229: {  	v49 =	vld.idx.msk [tilespmem:v53+s11+$0x0], $0xffff;
	[tilespmem:v63+s17+$0x0] =	vst.idx.msk $0xffff, v51;
	v51 =	vor.u32 v29, v35;
	v63 =	vor.u32 v27, v45  }
0x22a: {  	v54 =	vor.u32 v28, v32;
	v55 =	vor.u32 v29, v34;
	v0 =	vld.idx.msk [tilespmem:v0+s11+$0x0], $0xffff;
	[tilespmem:v52+s17+$0x0] =	vst.idx.msk $0xffff, v56  }
0x22b: {  	v52 =	vor.u32 v28, v33;
	[tilespmem:v60+s17+$0x0] =	vst.idx.msk $0xffff, v50;
	v50 =	vor.u32 v29, v36;
	v56 =	vld.idx.msk [tilespmem:v57+s11+$0x0], $0xffff  }
0x22c: {  	v60 =	vor.u32 v28, v37;
	v48 =	vld.idx.msk [tilespmem:v61+s11+$0x0], $0xffff;
	v61 =	vor.u32 v29, v40;
	[tilespmem:v62+s17+$0x0] =	vst.idx.msk $0xffff, v38  }
0x22d: {  	v62 =	vor.u32 v28, v39;
	v41 =	vld.idx.msk [tilespmem:v46+s11+$0x0], $0xffff;
	[tilespmem:v47+s17+$0x0] =	vst.idx.msk $0xffff, v1;
	v1 =	vor.u32 v29, v42  }
0x22e: {  	v46 =	vor.u32 v28, v43;
	[tilespmem:v51+s17+$0x0] =	vst.idx.msk $0xffff, v49;
	v47 =	vld.idx.msk [tilespmem:v63+s11+$0x0], $0xffff;
	v63 =	vor.u32 v29, v44  }
0x22f: {  	v53 =	vor.u32 v28, v45;
	v51 =	vld.idx.msk [tilespmem:v54+s11+$0x0], $0xffff;
	[tilespmem:v55+s17+$0x0] =	vst.idx.msk $0xffff, v0;
	v0 =	vor.u32 v30, v35  }
0x230: {  	v54 =	vor.u32 v31, v32;
	v55 =	vor.u32 v30, v34;
	v52 =	vld.idx.msk [tilespmem:v52+s11+$0x0], $0xffff;
	[tilespmem:v50+s17+$0x0] =	vst.idx.msk $0xffff, v56  }
0x231: {  	v50 =	vor.u32 v31, v33;
	[tilespmem:v61+s17+$0x0] =	vst.idx.msk $0xffff, v48;
	v56 =	vld.idx.msk [tilespmem:v60+s11+$0x0], $0xffff;
	v60 =	vor.u32 v30, v36  }
0x232: {  	v61 =	vor.u32 v31, v37;
	v38 =	vld.idx.msk [tilespmem:v62+s11+$0x0], $0xffff;
	v62 =	vor.u32 v30, v40;
	[tilespmem:v1+s17+$0x0] =	vst.idx.msk $0xffff, v41  }
0x233: {  	v1 =	vor.u32 v31, v39;
	v41 =	vld.idx.msk [tilespmem:v46+s11+$0x0], $0xffff;
	[tilespmem:v63+s17+$0x0] =	vst.idx.msk $0xffff, v47;
	v63 =	vor.u32 v30, v42  }
0x234: {  	v49 =	vor.u32 v30, v44;
	v47 =	vor.u32 v31, v43;
	[tilespmem:v0+s17+$0x0] =	vst.idx.msk $0xffff, v51;
	v0 =	vld.idx.msk [tilespmem:v53+s11+$0x0], $0xffff  }
0x235: {  	v53 =	vor.u32 v31, v45;
	v51 =	vld.idx.msk [tilespmem:v54+s11+$0x0], $0xffff;
	[tilespmem:v55+s17+$0x0] =	vst.idx.msk $0xffff, v52;
	v52 =	vor.u32 v5, v35  }
0x236: {  	v32 =	vor.u32 v22, v32;
	v54 =	vor.u32 v5, v34;
	v50 =	vld.idx.msk [tilespmem:v50+s11+$0x0], $0xffff;
	[tilespmem:v60+s17+$0x0] =	vst.idx.msk $0xffff, v56  }
0x237: {  	v59 =	vor.u32 v22, v33;
	[tilespmem:v62+s17+$0x0] =	vst.idx.msk $0xffff, v38;
	v60 =	vor.u32 v5, v36;
	v48 =	vld.idx.msk [tilespmem:v61+s11+$0x0], $0xffff  }
0x238: {  	v62 =	vor.u32 v5, v40;
	v1 =	vld.idx.msk [tilespmem:v1+s11+$0x0], $0xffff;
	v61 =	vor.u32 v22, v37;
	[tilespmem:v63+s17+$0x0] =	vst.idx.msk $0xffff, v41  }
0x239: {  	v63 =	vor.u32 v22, v39;
	v41 =	vld.idx.msk [tilespmem:v47+s11+$0x0], $0xffff;
	[tilespmem:v49+s17+$0x0] =	vst.idx.msk $0xffff, v0;
	v0 =	vor.u32 v5, v42  }
0x23a: {  	v56 =	vor.u32 v5, v44;
	[tilespmem:v52+s17+$0x0] =	vst.idx.msk $0xffff, v51;
	v52 =	vld.idx.msk [tilespmem:v53+s11+$0x0], $0xffff;
	v53 =	vor.u32 v22, v43  }
0x23b: {  	v57 =	vor.u32 v20, v35;
	v45 =	vor.u32 v22, v45;
	v32 =	vld.idx.msk [tilespmem:v32+s11+$0x0], $0xffff;
	[tilespmem:v54+s17+$0x0] =	vst.idx.msk $0xffff, v50  }
0x23c: {  	v58 =	vor.u32 v20, v34;
	v33 =	vld.idx.msk [tilespmem:v59+s11+$0x0], $0xffff;
	[tilespmem:v60+s17+$0x0] =	vst.idx.msk $0xffff, v48  }
0x23d: {  	[tilespmem:v62+s17+$0x0] =	vst.idx.msk $0xffff, v1;
	v1 =	vor.u32 v20, v36;
	v37 =	vld.idx.msk [tilespmem:v61+s11+$0x0], $0xffff  }
0x23e: {  	v60 =	vor.u32 v20, v40;
	v59 =	vld.idx.msk [tilespmem:v63+s11+$0x0], $0xffff;
	[tilespmem:v0+s17+$0x0] =	vst.idx.msk $0xffff, v41  }
0x23f: {  	v61 =	vor.u32 v20, v42;
	v0 =	vld.idx.msk [tilespmem:v53+s11+$0x0], $0xffff;
	[tilespmem:v56+s17+$0x0] =	vst.idx.msk $0xffff, v52  }
0x240: {  	v63 =	vor.u32 v20, v44;
	[tilespmem:v57+s17+$0x0] =	vst.idx.msk $0xffff, v32;
	v62 =	vld.idx.msk [tilespmem:v45+s11+$0x0], $0xffff  }
0x241: {  	p0 =	seq.s32 s20, $0x7;
	[tilespmem:v58+s17+$0x0] =	vst.idx.msk $0xffff, v33  }
.Ltmp7:
0x242: {  	[tilespmem:v1+s17+$0x0] =	vst.idx.msk $0xffff, v37;
	(pc) =	sbr.rel @p0 .LBB2_12-.Ltmp7, $4  }
0x243: {  	s23 =	sadd.s32 s23, s2;
	[tilespmem:v60+s17+$0x0] =	vst.idx.msk $0xffff, v59  }
0x244: {  	s22 =	sadd.s32 s22, s23;
	[tilespmem:v61+s17+$0x0] =	vst.idx.msk $0xffff, v0  }
0x245: {  	s22 =	sadd.s32 $0x100, s22;
	v2 =	vmovc v28;
	v21 =	vmov v19;
	v23 =	vmov v4;
	v19 =	vmov v22;
	[tilespmem:v63+s17+$0x0] =	vst.idx.msk $0xffff, v62  }
0x246: {  	v28 =	vmovc v31;
	v30 =	vmovc v3;
	v5 =	vmov v24;
	v62 =	vmov v6;
	v6 =	vmov v14;
	[hbm4b:s22+s14] =	stream.strided.scatter [tilespmem:s17], [sflag:$0x4], $0x4000, s11, s14, $0x38;
	v14 =	vld [tilespmem:$0x1FED0]  }
0x247: {  	v1 =	vld [tilespmem:$0x1FFF0]  }
0x248: {  	v20 =	vld [tilespmem:$0x1FF20]  }
.Ltmp8:
0x249: {  	s21 =	sadd.s32 s21, s9;
	v3 =	vld [tilespmem:$0x1FF40];
	(pc) =	sbr.rel .LBB2_2-.Ltmp8, $4  }
0x24a: {  	v22 =	vld [tilespmem:$0x1FF60];
	s21 =	sshll.u32 s21, $0x3  }
0x24b: {  	v31 =	vld [tilespmem:$0x1FF80];
	s21 =	sand.u32 $0x1FFFF800, s21  }
0x24c: {  	s20 =	sadd.s32 $0x1, s20;
	v25 =	vld [tilespmem:$0x1FFA0];
	s21 =	sadd.s32 s4, s21  }
0x24d: {  	v4 =	vmov v2;
	v27 =	vld [tilespmem:$0x1FFC0];
	[tilespmem:s11], [sflag:$0x2] =	stream.linear.gather [hbm4b:s21+s3], $0x4000, $0x38  }
.LBB2_13:
0x24e: {  	_ =	sfence.sel $0x180000  }
0x24f: {  	[bflag:$0x0] =	sbarrier.arrive $0xFFFF  }
0x250: {  	p0 =	sne.s32 s1, $0x0;
	_ =	strace $0x9000004A  }
0x251: {  	s0 =	sadd.s32 @!p0 $0x100000, s0;
	[bflag:$0x2] =	sbarrier.arrive $0xFFFF  }
0x252: {  	[sflag:s0] =	ssyncadd.tile.s32 @!p0 $0x1;
	_ =	shalt  }
.Lfunc_end2:
_tile_overlayer_lowered:
.L_overlay_start_2:
0x253: {  	(tag) =	ssettag $0x2  }
0x254: {  	s0 =	rddreg [dreg:$0x0];
	s2 =	stileid.u32  }
0x255: {  	s1 =	rddreg [dreg:$0x1];
	p0 =	sne.s32 s2, $0x0  }
0x256: {  	s3 =	rddreg [dreg:$0x2];
	[bflag:$0x3] =	sbarrier.arrive $0xFFFF;
	s2 =	simm.s32 @!p0 $0x1C05  }
0x257: {  	[timem:s3], [sflag:s2] =	dma.local @!p0 [hbm:s0], s1  }
0x258: {  	s0 =	simm.s32 @!p0 $0x5  }
0x259: {  	_ =	swait.ge @!p0 [sflag:s0], s1  }
0x25a: {  	s1 =	ssub.s32 @!p0 $0x0, s1;
	[sflag:s0] =	ssyncset.done @!p0 $0x0  }
0x25b: {  	[sflag:s0] =	ssyncadd.s32 @!p0 s1  }
0x25c: {  	[bflag:$0x3] =	sbarrier.arrive $0xFFFF  }
0x25d: {  	_ =	shalt  }

</sc_bundles>
